<compile_context>
chip_gen: v7x
topology: tpu7x:2x2x1
jax: 0.10.2.dev20260603
libtpu: 0.0.44.dev20260713+nightly
codegen_flags: <defaults>
</compile_context>

<pallas_src>
import functools

import jax
import jax.numpy as jnp
from jax import lax
from jax.experimental import pallas as pl
from jax.experimental.pallas import tpu as pltpu
from jax.experimental.pallas import tpu_sc as plsc

SEQ_LEN = 2048
D_MODEL = 1024
BATCH = 32

NUM_CORES = 2
NUM_SUBCORES = 16
NUM_WORKERS = NUM_CORES * NUM_SUBCORES
ROWS_PER_W = SEQ_LEN // NUM_WORKERS

_mesh = plsc.VectorSubcoreMesh(
    core_axis_name="c", subcore_axis_name="s",
    num_cores=NUM_CORES, num_subcores=NUM_SUBCORES,
)


@functools.partial(
    pl.kernel,
    out_type=jax.ShapeDtypeStruct((SEQ_LEN, BATCH, D_MODEL), jnp.float32),
    mesh=_mesh,
    scratch_types=[
        pltpu.VMEM((ROWS_PER_W, D_MODEL), jnp.float32),
        pltpu.SemaphoreType.DMA,
    ],
    compiler_params=pltpu.CompilerParams(use_tc_tiling_on_sc=True),
)
def _sc_broadcast(pe_hbm, out_hbm, buf, sem):
    wid = lax.axis_index("c") * NUM_SUBCORES + lax.axis_index("s")
    base = wid * ROWS_PER_W
    pltpu.sync_copy(pe_hbm.at[pl.ds(base, ROWS_PER_W)], buf)
    for n in range(BATCH):
        pltpu.async_copy(buf, out_hbm.at[pl.ds(base, ROWS_PER_W), n], sem)
    for n in range(BATCH):
        pltpu.make_async_copy(buf, out_hbm.at[pl.ds(base, ROWS_PER_W), n], sem).wait()


def kernel(z, pos_embed):
    del z
    return _sc_broadcast(pos_embed)

# --- scband reference (transcript-rebuilt; emitter-appended) ---
"""Pipeline reference for scband-const-embedding-40750649704605 (READ-ONLY COPY).

The authoritative reference and input builder live on the scoring server;
editing this copy changes nothing except your own understanding.
"""

import jax, jax.numpy as jnp
import numpy as np

SEQ_LEN = 2048
D_MODEL = 1024


def setup_inputs(seed: int = 0) -> dict:
    key = jax.random.key(seed)
    k1, k2 = jax.random.split(key)
    # z is the latent code; only z.shape[1] (batch N) and dtype are used by forward
    z = jax.random.normal(k1, (1, 32, 256), dtype=jnp.float32)
    # learned positional embedding LUT: nn.Embedding(max_len=seq_len, d_model)
    pos_embed = jax.random.normal(k2, (SEQ_LEN, D_MODEL), dtype=jnp.float32) * 0.02
    return {"z": z, "pos_embed": pos_embed}


def reference(z, pos_embed):
    # ConstEmbedding.forward: src = PE(z.new_zeros(seq_len, N, d_model))
    # PositionalEncodingLUT: x + pos_embed(position[:x.size(0)]); dropout is identity in eval
    N = z.shape[1]
    position = jnp.arange(SEQ_LEN, dtype=jnp.int32)  # registered buffer position[:seq_len]
    pe = jnp.take(pos_embed, position, axis=0)       # [seq_len, d_model] embedding gather
    src = jnp.zeros((SEQ_LEN, N, D_MODEL), dtype=z.dtype) + pe[:, None, :]  # broadcast over batch
    return src

if __name__ == "__main__":
    import jax
    _d = setup_inputs()
    print(jax.jit(kernel)(*tuple(_d.values())))

</pallas_src>

<mosaic_0001>
#map = affine_map<(d0, d1) -> (0, 0)>
#map1 = affine_map<(d0, d1) -> (0, 0, 0)>
module attributes {stable_mosaic.version = 14 : i64} {
  func.func @_sc_broadcast(%arg0: i32, %arg1: i32, %arg2: memref<2048x1024xf32, #tpu.memory_space<hbm>>, %arg3: memref<2048x32x1024xf32, #tpu.memory_space<hbm>>, %arg4: memref<64x1024xf32, #tpu.memory_space<vmem>>, %arg5: memref<!tpu.dma_semaphore, #tpu.memory_space<semaphore_mem>>) attributes {dimension_semantics = [#tpu.dimension_semantics<core_parallel>, #tpu.dimension_semantics<subcore_parallel>], iteration_bounds = array<i64: 2, 16>, scalar_prefetch = 0 : i64, scratch_operands = 2 : i64, tpu.core_type = #tpu.core_type<sc_vector_subcore>, window_params = [{transform_indices = #map}, {transform_indices = #map1}]} {
    %mul3A = arith.constant 16 : i32
    %mul3A_0 = arith.muli %arg0, %mul3A : i32
    %add3A = arith.addi %mul3A_0, %arg1 : i32
    %mul3A_1 = arith.constant 64 : i32
    %mul3A_2 = arith.muli %add3A, %mul3A_1 : i32
    "tpu.region"() ({
      %run_scoped3A = tpu.sem_alloc : memref<!tpu.dma_semaphore, #tpu.memory_space<semaphore_mem>>
      %dma_start3A_449 = arith.constant 0 : i32
      %dma_start3A_450 = tpu.memref_slice %arg2[%mul3A_2, %dma_start3A_449] : memref<2048x1024xf32, #tpu.memory_space<hbm>> -> memref<64x1024xf32, #tpu.memory_space<hbm>>
      %dma_start3A_451 = arith.constant 0 : i32
      %dma_start3A_452 = tpu.memref_slice %arg2[%mul3A_2, %dma_start3A_451] : memref<2048x1024xf32, #tpu.memory_space<hbm>> -> memref<64x1024xf32, #tpu.memory_space<hbm>>
      tpu.enqueue_dma source(%dma_start3A_452 : memref<64x1024xf32, #tpu.memory_space<hbm>>) target(%arg4 : memref<64x1024xf32, #tpu.memory_space<vmem>>) target_semaphore(%run_scoped3A : memref<!tpu.dma_semaphore, #tpu.memory_space<semaphore_mem>>)
      %dma_wait3A_453 = arith.constant 0 : i32
      %dma_wait3A_454 = tpu.memref_slice %arg2[%mul3A_2, %dma_wait3A_453] : memref<2048x1024xf32, #tpu.memory_space<hbm>> -> memref<64x1024xf32, #tpu.memory_space<hbm>>
      %dma_wait3A_455 = arith.constant 0 : i32
      %dma_wait3A_456 = tpu.memref_slice %arg2[%mul3A_2, %dma_wait3A_455] : memref<2048x1024xf32, #tpu.memory_space<hbm>> -> memref<64x1024xf32, #tpu.memory_space<hbm>>
      tpu.wait_dma2 semaphore(%run_scoped3A : memref<!tpu.dma_semaphore, #tpu.memory_space<semaphore_mem>>) src(%dma_wait3A_456 : memref<64x1024xf32, #tpu.memory_space<hbm>>) dst(%arg4 : memref<64x1024xf32, #tpu.memory_space<vmem>>)
      tpu.yield
    }) : () -> ()
    %dma_start3A = arith.constant 0 : i32
    %dma_start3A_3 = arith.constant 0 : i32
    %dma_start3A_4 = tpu.memref_slice %arg3[%mul3A_2, %dma_start3A, %dma_start3A_3] : memref<2048x32x1024xf32, #tpu.memory_space<hbm>> -> memref<64x1x1024xf32, #tpu.memory_space<hbm>>
    %dma_start3A_5 = tpu.memref_squeeze %dma_start3A_4 : memref<64x1x1024xf32, #tpu.memory_space<hbm>> -> memref<64x1024xf32, #tpu.memory_space<hbm>>
    %dma_start3A_6 = arith.constant 0 : i32
    %dma_start3A_7 = tpu.memref_slice %arg3[%mul3A_2, %dma_start3A, %dma_start3A_6] : memref<2048x32x1024xf32, #tpu.memory_space<hbm>> -> memref<64x1x1024xf32, #tpu.memory_space<hbm>>
    %dma_start3A_8 = tpu.memref_squeeze %dma_start3A_7 : memref<64x1x1024xf32, #tpu.memory_space<hbm>> -> memref<64x1024xf32, #tpu.memory_space<hbm>>
    tpu.enqueue_dma source(%arg4 : memref<64x1024xf32, #tpu.memory_space<vmem>>) target(%dma_start3A_8 : memref<64x1024xf32, #tpu.memory_space<hbm>>) target_semaphore(%arg5 : memref<!tpu.dma_semaphore, #tpu.memory_space<semaphore_mem>>)
    %dma_start3A_9 = arith.constant 1 : i32
    %dma_start3A_10 = arith.constant 0 : i32
    %dma_start3A_11 = tpu.memref_slice %arg3[%mul3A_2, %dma_start3A_9, %dma_start3A_10] : memref<2048x32x1024xf32, #tpu.memory_space<hbm>> -> memref<64x1x1024xf32, #tpu.memory_space<hbm>>
    %dma_start3A_12 = tpu.memref_squeeze %dma_start3A_11 : memref<64x1x1024xf32, #tpu.memory_space<hbm>> -> memref<64x1024xf32, #tpu.memory_space<hbm>>
    %dma_start3A_13 = arith.constant 0 : i32
    %dma_start3A_14 = tpu.memref_slice %arg3[%mul3A_2, %dma_start3A_9, %dma_start3A_13] : memref<2048x32x1024xf32, #tpu.memory_space<hbm>> -> memref<64x1x1024xf32, #tpu.memory_space<hbm>>
    %dma_start3A_15 = tpu.memref_squeeze %dma_start3A_14 : memref<64x1x1024xf32, #tpu.memory_space<hbm>> -> memref<64x1024xf32, #tpu.memory_space<hbm>>
    tpu.enqueue_dma source(%arg4 : memref<64x1024xf32, #tpu.memory_space<vmem>>) target(%dma_start3A_15 : memref<64x1024xf32, #tpu.memory_space<hbm>>) target_semaphore(%arg5 : memref<!tpu.dma_semaphore, #tpu.memory_space<semaphore_mem>>)
    %dma_start3A_16 = arith.constant 2 : i32
    %dma_start3A_17 = arith.constant 0 : i32
    %dma_start3A_18 = tpu.memref_slice %arg3[%mul3A_2, %dma_start3A_16, %dma_start3A_17] : memref<2048x32x1024xf32, #tpu.memory_space<hbm>> -> memref<64x1x1024xf32, #tpu.memory_space<hbm>>
    %dma_start3A_19 = tpu.memref_squeeze %dma_start3A_18 : memref<64x1x1024xf32, #tpu.memory_space<hbm>> -> memref<64x1024xf32, #tpu.memory_space<hbm>>
    %dma_start3A_20 = arith.constant 0 : i32
    %dma_start3A_21 = tpu.memref_slice %arg3[%mul3A_2, %dma_start3A_16, %dma_start3A_20] : memref<2048x32x1024xf32, #tpu.memory_space<hbm>> -> memref<64x1x1024xf32, #tpu.memory_space<hbm>>
    %dma_start3A_22 = tpu.memref_squeeze %dma_start3A_21 : memref<64x1x1024xf32, #tpu.memory_space<hbm>> -> memref<64x1024xf32, #tpu.memory_space<hbm>>
    tpu.enqueue_dma source(%arg4 : memref<64x1024xf32, #tpu.memory_space<vmem>>) target(%dma_start3A_22 : memref<64x1024xf32, #tpu.memory_space<hbm>>) target_semaphore(%arg5 : memref<!tpu.dma_semaphore, #tpu.memory_space<semaphore_mem>>)
    %dma_start3A_23 = arith.constant 3 : i32
    %dma_start3A_24 = arith.constant 0 : i32
    %dma_start3A_25 = tpu.memref_slice %arg3[%mul3A_2, %dma_start3A_23, %dma_start3A_24] : memref<2048x32x1024xf32, #tpu.memory_space<hbm>> -> memref<64x1x1024xf32, #tpu.memory_space<hbm>>
    %dma_start3A_26 = tpu.memref_squeeze %dma_start3A_25 : memref<64x1x1024xf32, #tpu.memory_space<hbm>> -> memref<64x1024xf32, #tpu.memory_space<hbm>>
    %dma_start3A_27 = arith.constant 0 : i32
    %dma_start3A_28 = tpu.memref_slice %arg3[%mul3A_2, %dma_start3A_23, %dma_start3A_27] : memref<2048x32x1024xf32, #tpu.memory_space<hbm>> -> memref<64x1x1024xf32, #tpu.memory_space<hbm>>
    %dma_start3A_29 = tpu.memref_squeeze %dma_start3A_28 : memref<64x1x1024xf32, #tpu.memory_space<hbm>> -> memref<64x1024xf32, #tpu.memory_space<hbm>>
    tpu.enqueue_dma source(%arg4 : memref<64x1024xf32, #tpu.memory_space<vmem>>) target(%dma_start3A_29 : memref<64x1024xf32, #tpu.memory_space<hbm>>) target_semaphore(%arg5 : memref<!tpu.dma_semaphore, #tpu.memory_space<semaphore_mem>>)
    %dma_start3A_30 = arith.constant 4 : i32
    %dma_start3A_31 = arith.constant 0 : i32
    %dma_start3A_32 = tpu.memref_slice %arg3[%mul3A_2, %dma_start3A_30, %dma_start3A_31] : memref<2048x32x1024xf32, #tpu.memory_space<hbm>> -> memref<64x1x1024xf32, #tpu.memory_space<hbm>>
    %dma_start3A_33 = tpu.memref_squeeze %dma_start3A_32 : memref<64x1x1024xf32, #tpu.memory_space<hbm>> -> memref<64x1024xf32, #tpu.memory_space<hbm>>
    %dma_start3A_34 = arith.constant 0 : i32
    %dma_start3A_35 = tpu.memref_slice %arg3[%mul3A_2, %dma_start3A_30, %dma_start3A_34] : memref<2048x32x1024xf32, #tpu.memory_space<hbm>> -> memref<64x1x1024xf32, #tpu.memory_space<hbm>>
    %dma_start3A_36 = tpu.memref_squeeze %dma_start3A_35 : memref<64x1x1024xf32, #tpu.memory_space<hbm>> -> memref<64x1024xf32, #tpu.memory_space<hbm>>
    tpu.enqueue_dma source(%arg4 : memref<64x1024xf32, #tpu.memory_space<vmem>>) target(%dma_start3A_36 : memref<64x1024xf32, #tpu.memory_space<hbm>>) target_semaphore(%arg5 : memref<!tpu.dma_semaphore, #tpu.memory_space<semaphore_mem>>)
    %dma_start3A_37 = arith.constant 5 : i32
    %dma_start3A_38 = arith.constant 0 : i32
    %dma_start3A_39 = tpu.memref_slice %arg3[%mul3A_2, %dma_start3A_37, %dma_start3A_38] : memref<2048x32x1024xf32, #tpu.memory_space<hbm>> -> memref<64x1x1024xf32, #tpu.memory_space<hbm>>
    %dma_start3A_40 = tpu.memref_squeeze %dma_start3A_39 : memref<64x1x1024xf32, #tpu.memory_space<hbm>> -> memref<64x1024xf32, #tpu.memory_space<hbm>>
    %dma_start3A_41 = arith.constant 0 : i32
    %dma_start3A_42 = tpu.memref_slice %arg3[%mul3A_2, %dma_start3A_37, %dma_start3A_41] : memref<2048x32x1024xf32, #tpu.memory_space<hbm>> -> memref<64x1x1024xf32, #tpu.memory_space<hbm>>
    %dma_start3A_43 = tpu.memref_squeeze %dma_start3A_42 : memref<64x1x1024xf32, #tpu.memory_space<hbm>> -> memref<64x1024xf32, #tpu.memory_space<hbm>>
    tpu.enqueue_dma source(%arg4 : memref<64x1024xf32, #tpu.memory_space<vmem>>) target(%dma_start3A_43 : memref<64x1024xf32, #tpu.memory_space<hbm>>) target_semaphore(%arg5 : memref<!tpu.dma_semaphore, #tpu.memory_space<semaphore_mem>>)
    %dma_start3A_44 = arith.constant 6 : i32
    %dma_start3A_45 = arith.constant 0 : i32
    %dma_start3A_46 = tpu.memref_slice %arg3[%mul3A_2, %dma_start3A_44, %dma_start3A_45] : memref<2048x32x1024xf32, #tpu.memory_space<hbm>> -> memref<64x1x1024xf32, #tpu.memory_space<hbm>>
    %dma_start3A_47 = tpu.memref_squeeze %dma_start3A_46 : memref<64x1x1024xf32, #tpu.memory_space<hbm>> -> memref<64x1024xf32, #tpu.memory_space<hbm>>
    %dma_start3A_48 = arith.constant 0 : i32
    %dma_start3A_49 = tpu.memref_slice %arg3[%mul3A_2, %dma_start3A_44, %dma_start3A_48] : memref<2048x32x1024xf32, #tpu.memory_space<hbm>> -> memref<64x1x1024xf32, #tpu.memory_space<hbm>>
    %dma_start3A_50 = tpu.memref_squeeze %dma_start3A_49 : memref<64x1x1024xf32, #tpu.memory_space<hbm>> -> memref<64x1024xf32, #tpu.memory_space<hbm>>
    tpu.enqueue_dma source(%arg4 : memref<64x1024xf32, #tpu.memory_space<vmem>>) target(%dma_start3A_50 : memref<64x1024xf32, #tpu.memory_space<hbm>>) target_semaphore(%arg5 : memref<!tpu.dma_semaphore, #tpu.memory_space<semaphore_mem>>)
    %dma_start3A_51 = arith.constant 7 : i32
    %dma_start3A_52 = arith.constant 0 : i32
    %dma_start3A_53 = tpu.memref_slice %arg3[%mul3A_2, %dma_start3A_51, %dma_start3A_52] : memref<2048x32x1024xf32, #tpu.memory_space<hbm>> -> memref<64x1x1024xf32, #tpu.memory_space<hbm>>
    %dma_start3A_54 = tpu.memref_squeeze %dma_start3A_53 : memref<64x1x1024xf32, #tpu.memory_space<hbm>> -> memref<64x1024xf32, #tpu.memory_space<hbm>>
    %dma_start3A_55 = arith.constant 0 : i32
    %dma_start3A_56 = tpu.memref_slice %arg3[%mul3A_2, %dma_start3A_51, %dma_start3A_55] : memref<2048x32x1024xf32, #tpu.memory_space<hbm>> -> memref<64x1x1024xf32, #tpu.memory_space<hbm>>
    %dma_start3A_57 = tpu.memref_squeeze %dma_start3A_56 : memref<64x1x1024xf32, #tpu.memory_space<hbm>> -> memref<64x1024xf32, #tpu.memory_space<hbm>>
    tpu.enqueue_dma source(%arg4 : memref<64x1024xf32, #tpu.memory_space<vmem>>) target(%dma_start3A_57 : memref<64x1024xf32, #tpu.memory_space<hbm>>) target_semaphore(%arg5 : memref<!tpu.dma_semaphore, #tpu.memory_space<semaphore_mem>>)
    %dma_start3A_58 = arith.constant 8 : i32
    %dma_start3A_59 = arith.constant 0 : i32
    %dma_start3A_60 = tpu.memref_slice %arg3[%mul3A_2, %dma_start3A_58, %dma_start3A_59] : memref<2048x32x1024xf32, #tpu.memory_space<hbm>> -> memref<64x1x1024xf32, #tpu.memory_space<hbm>>
    %dma_start3A_61 = tpu.memref_squeeze %dma_start3A_60 : memref<64x1x1024xf32, #tpu.memory_space<hbm>> -> memref<64x1024xf32, #tpu.memory_space<hbm>>
    %dma_start3A_62 = arith.constant 0 : i32
    %dma_start3A_63 = tpu.memref_slice %arg3[%mul3A_2, %dma_start3A_58, %dma_start3A_62] : memref<2048x32x1024xf32, #tpu.memory_space<hbm>> -> memref<64x1x1024xf32, #tpu.memory_space<hbm>>
    %dma_start3A_64 = tpu.memref_squeeze %dma_start3A_63 : memref<64x1x1024xf32, #tpu.memory_space<hbm>> -> memref<64x1024xf32, #tpu.memory_space<hbm>>
    tpu.enqueue_dma source(%arg4 : memref<64x1024xf32, #tpu.memory_space<vmem>>) target(%dma_start3A_64 : memref<64x1024xf32, #tpu.memory_space<hbm>>) target_semaphore(%arg5 : memref<!tpu.dma_semaphore, #tpu.memory_space<semaphore_mem>>)
    %dma_start3A_65 = arith.constant 9 : i32
    %dma_start3A_66 = arith.constant 0 : i32
    %dma_start3A_67 = tpu.memref_slice %arg3[%mul3A_2, %dma_start3A_65, %dma_start3A_66] : memref<2048x32x1024xf32, #tpu.memory_space<hbm>> -> memref<64x1x1024xf32, #tpu.memory_space<hbm>>
    %dma_start3A_68 = tpu.memref_squeeze %dma_start3A_67 : memref<64x1x1024xf32, #tpu.memory_space<hbm>> -> memref<64x1024xf32, #tpu.memory_space<hbm>>
    %dma_start3A_69 = arith.constant 0 : i32
    %dma_start3A_70 = tpu.memref_slice %arg3[%mul3A_2, %dma_start3A_65, %dma_start3A_69] : memref<2048x32x1024xf32, #tpu.memory_space<hbm>> -> memref<64x1x1024xf32, #tpu.memory_space<hbm>>
    %dma_start3A_71 = tpu.memref_squeeze %dma_start3A_70 : memref<64x1x1024xf32, #tpu.memory_space<hbm>> -> memref<64x1024xf32, #tpu.memory_space<hbm>>
    tpu.enqueue_dma source(%arg4 : memref<64x1024xf32, #tpu.memory_space<vmem>>) target(%dma_start3A_71 : memref<64x1024xf32, #tpu.memory_space<hbm>>) target_semaphore(%arg5 : memref<!tpu.dma_semaphore, #tpu.memory_space<semaphore_mem>>)
    %dma_start3A_72 = arith.constant 10 : i32
    %dma_start3A_73 = arith.constant 0 : i32
    %dma_start3A_74 = tpu.memref_slice %arg3[%mul3A_2, %dma_start3A_72, %dma_start3A_73] : memref<2048x32x1024xf32, #tpu.memory_space<hbm>> -> memref<64x1x1024xf32, #tpu.memory_space<hbm>>
    %dma_start3A_75 = tpu.memref_squeeze %dma_start3A_74 : memref<64x1x1024xf32, #tpu.memory_space<hbm>> -> memref<64x1024xf32, #tpu.memory_space<hbm>>
    %dma_start3A_76 = arith.constant 0 : i32
    %dma_start3A_77 = tpu.memref_slice %arg3[%mul3A_2, %dma_start3A_72, %dma_start3A_76] : memref<2048x32x1024xf32, #tpu.memory_space<hbm>> -> memref<64x1x1024xf32, #tpu.memory_space<hbm>>
    %dma_start3A_78 = tpu.memref_squeeze %dma_start3A_77 : memref<64x1x1024xf32, #tpu.memory_space<hbm>> -> memref<64x1024xf32, #tpu.memory_space<hbm>>
    tpu.enqueue_dma source(%arg4 : memref<64x1024xf32, #tpu.memory_space<vmem>>) target(%dma_start3A_78 : memref<64x1024xf32, #tpu.memory_space<hbm>>) target_semaphore(%arg5 : memref<!tpu.dma_semaphore, #tpu.memory_space<semaphore_mem>>)
    %dma_start3A_79 = arith.constant 11 : i32
    %dma_start3A_80 = arith.constant 0 : i32
    %dma_start3A_81 = tpu.memref_slice %arg3[%mul3A_2, %dma_start3A_79, %dma_start3A_80] : memref<2048x32x1024xf32, #tpu.memory_space<hbm>> -> memref<64x1x1024xf32, #tpu.memory_space<hbm>>
    %dma_start3A_82 = tpu.memref_squeeze %dma_start3A_81 : memref<64x1x1024xf32, #tpu.memory_space<hbm>> -> memref<64x1024xf32, #tpu.memory_space<hbm>>
    %dma_start3A_83 = arith.constant 0 : i32
    %dma_start3A_84 = tpu.memref_slice %arg3[%mul3A_2, %dma_start3A_79, %dma_start3A_83] : memref<2048x32x1024xf32, #tpu.memory_space<hbm>> -> memref<64x1x1024xf32, #tpu.memory_space<hbm>>
    %dma_start3A_85 = tpu.memref_squeeze %dma_start3A_84 : memref<64x1x1024xf32, #tpu.memory_space<hbm>> -> memref<64x1024xf32, #tpu.memory_space<hbm>>
    tpu.enqueue_dma source(%arg4 : memref<64x1024xf32, #tpu.memory_space<vmem>>) target(%dma_start3A_85 : memref<64x1024xf32, #tpu.memory_space<hbm>>) target_semaphore(%arg5 : memref<!tpu.dma_semaphore, #tpu.memory_space<semaphore_mem>>)
    %dma_start3A_86 = arith.constant 12 : i32
    %dma_start3A_87 = arith.constant 0 : i32
    %dma_start3A_88 = tpu.memref_slice %arg3[%mul3A_2, %dma_start3A_86, %dma_start3A_87] : memref<2048x32x1024xf32, #tpu.memory_space<hbm>> -> memref<64x1x1024xf32, #tpu.memory_space<hbm>>
    %dma_start3A_89 = tpu.memref_squeeze %dma_start3A_88 : memref<64x1x1024xf32, #tpu.memory_space<hbm>> -> memref<64x1024xf32, #tpu.memory_space<hbm>>
    %dma_start3A_90 = arith.constant 0 : i32
    %dma_start3A_91 = tpu.memref_slice %arg3[%mul3A_2, %dma_start3A_86, %dma_start3A_90] : memref<2048x32x1024xf32, #tpu.memory_space<hbm>> -> memref<64x1x1024xf32, #tpu.memory_space<hbm>>
    %dma_start3A_92 = tpu.memref_squeeze %dma_start3A_91 : memref<64x1x1024xf32, #tpu.memory_space<hbm>> -> memref<64x1024xf32, #tpu.memory_space<hbm>>
    tpu.enqueue_dma source(%arg4 : memref<64x1024xf32, #tpu.memory_space<vmem>>) target(%dma_start3A_92 : memref<64x1024xf32, #tpu.memory_space<hbm>>) target_semaphore(%arg5 : memref<!tpu.dma_semaphore, #tpu.memory_space<semaphore_mem>>)
    %dma_start3A_93 = arith.constant 13 : i32
    %dma_start3A_94 = arith.constant 0 : i32
    %dma_start3A_95 = tpu.memref_slice %arg3[%mul3A_2, %dma_start3A_93, %dma_start3A_94] : memref<2048x32x1024xf32, #tpu.memory_space<hbm>> -> memref<64x1x1024xf32, #tpu.memory_space<hbm>>
    %dma_start3A_96 = tpu.memref_squeeze %dma_start3A_95 : memref<64x1x1024xf32, #tpu.memory_space<hbm>> -> memref<64x1024xf32, #tpu.memory_space<hbm>>
    %dma_start3A_97 = arith.constant 0 : i32
    %dma_start3A_98 = tpu.memref_slice %arg3[%mul3A_2, %dma_start3A_93, %dma_start3A_97] : memref<2048x32x1024xf32, #tpu.memory_space<hbm>> -> memref<64x1x1024xf32, #tpu.memory_space<hbm>>
    %dma_start3A_99 = tpu.memref_squeeze %dma_start3A_98 : memref<64x1x1024xf32, #tpu.memory_space<hbm>> -> memref<64x1024xf32, #tpu.memory_space<hbm>>
    tpu.enqueue_dma source(%arg4 : memref<64x1024xf32, #tpu.memory_space<vmem>>) target(%dma_start3A_99 : memref<64x1024xf32, #tpu.memory_space<hbm>>) target_semaphore(%arg5 : memref<!tpu.dma_semaphore, #tpu.memory_space<semaphore_mem>>)
    %dma_start3A_100 = arith.constant 14 : i32
    %dma_start3A_101 = arith.constant 0 : i32
    %dma_start3A_102 = tpu.memref_slice %arg3[%mul3A_2, %dma_start3A_100, %dma_start3A_101] : memref<2048x32x1024xf32, #tpu.memory_space<hbm>> -> memref<64x1x1024xf32, #tpu.memory_space<hbm>>
    %dma_start3A_103 = tpu.memref_squeeze %dma_start3A_102 : memref<64x1x1024xf32, #tpu.memory_space<hbm>> -> memref<64x1024xf32, #tpu.memory_space<hbm>>
    %dma_start3A_104 = arith.constant 0 : i32
    %dma_start3A_105 = tpu.memref_slice %arg3[%mul3A_2, %dma_start3A_100, %dma_start3A_104] : memref<2048x32x1024xf32, #tpu.memory_space<hbm>> -> memref<64x1x1024xf32, #tpu.memory_space<hbm>>
    %dma_start3A_106 = tpu.memref_squeeze %dma_start3A_105 : memref<64x1x1024xf32, #tpu.memory_space<hbm>> -> memref<64x1024xf32, #tpu.memory_space<hbm>>
    tpu.enqueue_dma source(%arg4 : memref<64x1024xf32, #tpu.memory_space<vmem>>) target(%dma_start3A_106 : memref<64x1024xf32, #tpu.memory_space<hbm>>) target_semaphore(%arg5 : memref<!tpu.dma_semaphore, #tpu.memory_space<semaphore_mem>>)
    %dma_start3A_107 = arith.constant 15 : i32
    %dma_start3A_108 = arith.constant 0 : i32
    %dma_start3A_109 = tpu.memref_slice %arg3[%mul3A_2, %dma_start3A_107, %dma_start3A_108] : memref<2048x32x1024xf32, #tpu.memory_space<hbm>> -> memref<64x1x1024xf32, #tpu.memory_space<hbm>>
    %dma_start3A_110 = tpu.memref_squeeze %dma_start3A_109 : memref<64x1x1024xf32, #tpu.memory_space<hbm>> -> memref<64x1024xf32, #tpu.memory_space<hbm>>
    %dma_start3A_111 = arith.constant 0 : i32
    %dma_start3A_112 = tpu.memref_slice %arg3[%mul3A_2, %dma_start3A_107, %dma_start3A_111] : memref<2048x32x1024xf32, #tpu.memory_space<hbm>> -> memref<64x1x1024xf32, #tpu.memory_space<hbm>>
    %dma_start3A_113 = tpu.memref_squeeze %dma_start3A_112 : memref<64x1x1024xf32, #tpu.memory_space<hbm>> -> memref<64x1024xf32, #tpu.memory_space<hbm>>
    tpu.enqueue_dma source(%arg4 : memref<64x1024xf32, #tpu.memory_space<vmem>>) target(%dma_start3A_113 : memref<64x1024xf32, #tpu.memory_space<hbm>>) target_semaphore(%arg5 : memref<!tpu.dma_semaphore, #tpu.memory_space<semaphore_mem>>)
    %dma_start3A_114 = arith.constant 16 : i32
    %dma_start3A_115 = arith.constant 0 : i32
    %dma_start3A_116 = tpu.memref_slice %arg3[%mul3A_2, %dma_start3A_114, %dma_start3A_115] : memref<2048x32x1024xf32, #tpu.memory_space<hbm>> -> memref<64x1x1024xf32, #tpu.memory_space<hbm>>
    %dma_start3A_117 = tpu.memref_squeeze %dma_start3A_116 : memref<64x1x1024xf32, #tpu.memory_space<hbm>> -> memref<64x1024xf32, #tpu.memory_space<hbm>>
    %dma_start3A_118 = arith.constant 0 : i32
    %dma_start3A_119 = tpu.memref_slice %arg3[%mul3A_2, %dma_start3A_114, %dma_start3A_118] : memref<2048x32x1024xf32, #tpu.memory_space<hbm>> -> memref<64x1x1024xf32, #tpu.memory_space<hbm>>
    %dma_start3A_120 = tpu.memref_squeeze %dma_start3A_119 : memref<64x1x1024xf32, #tpu.memory_space<hbm>> -> memref<64x1024xf32, #tpu.memory_space<hbm>>
    tpu.enqueue_dma source(%arg4 : memref<64x1024xf32, #tpu.memory_space<vmem>>) target(%dma_start3A_120 : memref<64x1024xf32, #tpu.memory_space<hbm>>) target_semaphore(%arg5 : memref<!tpu.dma_semaphore, #tpu.memory_space<semaphore_mem>>)
    %dma_start3A_121 = arith.constant 17 : i32
    %dma_start3A_122 = arith.constant 0 : i32
    %dma_start3A_123 = tpu.memref_slice %arg3[%mul3A_2, %dma_start3A_121, %dma_start3A_122] : memref<2048x32x1024xf32, #tpu.memory_space<hbm>> -> memref<64x1x1024xf32, #tpu.memory_space<hbm>>
    %dma_start3A_124 = tpu.memref_squeeze %dma_start3A_123 : memref<64x1x1024xf32, #tpu.memory_space<hbm>> -> memref<64x1024xf32, #tpu.memory_space<hbm>>
    %dma_start3A_125 = arith.constant 0 : i32
    %dma_start3A_126 = tpu.memref_slice %arg3[%mul3A_2, %dma_start3A_121, %dma_start3A_125] : memref<2048x32x1024xf32, #tpu.memory_space<hbm>> -> memref<64x1x1024xf32, #tpu.memory_space<hbm>>
    %dma_start3A_127 = tpu.memref_squeeze %dma_start3A_126 : memref<64x1x1024xf32, #tpu.memory_space<hbm>> -> memref<64x1024xf32, #tpu.memory_space<hbm>>
    tpu.enqueue_dma source(%arg4 : memref<64x1024xf32, #tpu.memory_space<vmem>>) target(%dma_start3A_127 : memref<64x1024xf32, #tpu.memory_space<hbm>>) target_semaphore(%arg5 : memref<!tpu.dma_semaphore, #tpu.memory_space<semaphore_mem>>)
    %dma_start3A_128 = arith.constant 18 : i32
    %dma_start3A_129 = arith.constant 0 : i32
    %dma_start3A_130 = tpu.memref_slice %arg3[%mul3A_2, %dma_start3A_128, %dma_start3A_129] : memref<2048x32x1024xf32, #tpu.memory_space<hbm>> -> memref<64x1x1024xf32, #tpu.memory_space<hbm>>
    %dma_start3A_131 = tpu.memref_squeeze %dma_start3A_130 : memref<64x1x1024xf32, #tpu.memory_space<hbm>> -> memref<64x1024xf32, #tpu.memory_space<hbm>>
    %dma_start3A_132 = arith.constant 0 : i32
    %dma_start3A_133 = tpu.memref_slice %arg3[%mul3A_2, %dma_start3A_128, %dma_start3A_132] : memref<2048x32x1024xf32, #tpu.memory_space<hbm>> -> memref<64x1x1024xf32, #tpu.memory_space<hbm>>
    %dma_start3A_134 = tpu.memref_squeeze %dma_start3A_133 : memref<64x1x1024xf32, #tpu.memory_space<hbm>> -> memref<64x1024xf32, #tpu.memory_space<hbm>>
    tpu.enqueue_dma source(%arg4 : memref<64x1024xf32, #tpu.memory_space<vmem>>) target(%dma_start3A_134 : memref<64x1024xf32, #tpu.memory_space<hbm>>) target_semaphore(%arg5 : memref<!tpu.dma_semaphore, #tpu.memory_space<semaphore_mem>>)
    %dma_start3A_135 = arith.constant 19 : i32
    %dma_start3A_136 = arith.constant 0 : i32
    %dma_start3A_137 = tpu.memref_slice %arg3[%mul3A_2, %dma_start3A_135, %dma_start3A_136] : memref<2048x32x1024xf32, #tpu.memory_space<hbm>> -> memref<64x1x1024xf32, #tpu.memory_space<hbm>>
    %dma_start3A_138 = tpu.memref_squeeze %dma_start3A_137 : memref<64x1x1024xf32, #tpu.memory_space<hbm>> -> memref<64x1024xf32, #tpu.memory_space<hbm>>
    %dma_start3A_139 = arith.constant 0 : i32
    %dma_start3A_140 = tpu.memref_slice %arg3[%mul3A_2, %dma_start3A_135, %dma_start3A_139] : memref<2048x32x1024xf32, #tpu.memory_space<hbm>> -> memref<64x1x1024xf32, #tpu.memory_space<hbm>>
    %dma_start3A_141 = tpu.memref_squeeze %dma_start3A_140 : memref<64x1x1024xf32, #tpu.memory_space<hbm>> -> memref<64x1024xf32, #tpu.memory_space<hbm>>
    tpu.enqueue_dma source(%arg4 : memref<64x1024xf32, #tpu.memory_space<vmem>>) target(%dma_start3A_141 : memref<64x1024xf32, #tpu.memory_space<hbm>>) target_semaphore(%arg5 : memref<!tpu.dma_semaphore, #tpu.memory_space<semaphore_mem>>)
    %dma_start3A_142 = arith.constant 20 : i32
    %dma_start3A_143 = arith.constant 0 : i32
    %dma_start3A_144 = tpu.memref_slice %arg3[%mul3A_2, %dma_start3A_142, %dma_start3A_143] : memref<2048x32x1024xf32, #tpu.memory_space<hbm>> -> memref<64x1x1024xf32, #tpu.memory_space<hbm>>
    %dma_start3A_145 = tpu.memref_squeeze %dma_start3A_144 : memref<64x1x1024xf32, #tpu.memory_space<hbm>> -> memref<64x1024xf32, #tpu.memory_space<hbm>>
    %dma_start3A_146 = arith.constant 0 : i32
    %dma_start3A_147 = tpu.memref_slice %arg3[%mul3A_2, %dma_start3A_142, %dma_start3A_146] : memref<2048x32x1024xf32, #tpu.memory_space<hbm>> -> memref<64x1x1024xf32, #tpu.memory_space<hbm>>
    %dma_start3A_148 = tpu.memref_squeeze %dma_start3A_147 : memref<64x1x1024xf32, #tpu.memory_space<hbm>> -> memref<64x1024xf32, #tpu.memory_space<hbm>>
    tpu.enqueue_dma source(%arg4 : memref<64x1024xf32, #tpu.memory_space<vmem>>) target(%dma_start3A_148 : memref<64x1024xf32, #tpu.memory_space<hbm>>) target_semaphore(%arg5 : memref<!tpu.dma_semaphore, #tpu.memory_space<semaphore_mem>>)
    %dma_start3A_149 = arith.constant 21 : i32
    %dma_start3A_150 = arith.constant 0 : i32
    %dma_start3A_151 = tpu.memref_slice %arg3[%mul3A_2, %dma_start3A_149, %dma_start3A_150] : memref<2048x32x1024xf32, #tpu.memory_space<hbm>> -> memref<64x1x1024xf32, #tpu.memory_space<hbm>>
    %dma_start3A_152 = tpu.memref_squeeze %dma_start3A_151 : memref<64x1x1024xf32, #tpu.memory_space<hbm>> -> memref<64x1024xf32, #tpu.memory_space<hbm>>
    %dma_start3A_153 = arith.constant 0 : i32
    %dma_start3A_154 = tpu.memref_slice %arg3[%mul3A_2, %dma_start3A_149, %dma_start3A_153] : memref<2048x32x1024xf32, #tpu.memory_space<hbm>> -> memref<64x1x1024xf32, #tpu.memory_space<hbm>>
    %dma_start3A_155 = tpu.memref_squeeze %dma_start3A_154 : memref<64x1x1024xf32, #tpu.memory_space<hbm>> -> memref<64x1024xf32, #tpu.memory_space<hbm>>
    tpu.enqueue_dma source(%arg4 : memref<64x1024xf32, #tpu.memory_space<vmem>>) target(%dma_start3A_155 : memref<64x1024xf32, #tpu.memory_space<hbm>>) target_semaphore(%arg5 : memref<!tpu.dma_semaphore, #tpu.memory_space<semaphore_mem>>)
    %dma_start3A_156 = arith.constant 22 : i32
    %dma_start3A_157 = arith.constant 0 : i32
    %dma_start3A_158 = tpu.memref_slice %arg3[%mul3A_2, %dma_start3A_156, %dma_start3A_157] : memref<2048x32x1024xf32, #tpu.memory_space<hbm>> -> memref<64x1x1024xf32, #tpu.memory_space<hbm>>
    %dma_start3A_159 = tpu.memref_squeeze %dma_start3A_158 : memref<64x1x1024xf32, #tpu.memory_space<hbm>> -> memref<64x1024xf32, #tpu.memory_space<hbm>>
    %dma_start3A_160 = arith.constant 0 : i32
    %dma_start3A_161 = tpu.memref_slice %arg3[%mul3A_2, %dma_start3A_156, %dma_start3A_160] : memref<2048x32x1024xf32, #tpu.memory_space<hbm>> -> memref<64x1x1024xf32, #tpu.memory_space<hbm>>
    %dma_start3A_162 = tpu.memref_squeeze %dma_start3A_161 : memref<64x1x1024xf32, #tpu.memory_space<hbm>> -> memref<64x1024xf32, #tpu.memory_space<hbm>>
    tpu.enqueue_dma source(%arg4 : memref<64x1024xf32, #tpu.memory_space<vmem>>) target(%dma_start3A_162 : memref<64x1024xf32, #tpu.memory_space<hbm>>) target_semaphore(%arg5 : memref<!tpu.dma_semaphore, #tpu.memory_space<semaphore_mem>>)
    %dma_start3A_163 = arith.constant 23 : i32
    %dma_start3A_164 = arith.constant 0 : i32
    %dma_start3A_165 = tpu.memref_slice %arg3[%mul3A_2, %dma_start3A_163, %dma_start3A_164] : memref<2048x32x1024xf32, #tpu.memory_space<hbm>> -> memref<64x1x1024xf32, #tpu.memory_space<hbm>>
    %dma_start3A_166 = tpu.memref_squeeze %dma_start3A_165 : memref<64x1x1024xf32, #tpu.memory_space<hbm>> -> memref<64x1024xf32, #tpu.memory_space<hbm>>
    %dma_start3A_167 = arith.constant 0 : i32
    %dma_start3A_168 = tpu.memref_slice %arg3[%mul3A_2, %dma_start3A_163, %dma_start3A_167] : memref<2048x32x1024xf32, #tpu.memory_space<hbm>> -> memref<64x1x1024xf32, #tpu.memory_space<hbm>>
    %dma_start3A_169 = tpu.memref_squeeze %dma_start3A_168 : memref<64x1x1024xf32, #tpu.memory_space<hbm>> -> memref<64x1024xf32, #tpu.memory_space<hbm>>
    tpu.enqueue_dma source(%arg4 : memref<64x1024xf32, #tpu.memory_space<vmem>>) target(%dma_start3A_169 : memref<64x1024xf32, #tpu.memory_space<hbm>>) target_semaphore(%arg5 : memref<!tpu.dma_semaphore, #tpu.memory_space<semaphore_mem>>)
    %dma_start3A_170 = arith.constant 24 : i32
    %dma_start3A_171 = arith.constant 0 : i32
    %dma_start3A_172 = tpu.memref_slice %arg3[%mul3A_2, %dma_start3A_170, %dma_start3A_171] : memref<2048x32x1024xf32, #tpu.memory_space<hbm>> -> memref<64x1x1024xf32, #tpu.memory_space<hbm>>
    %dma_start3A_173 = tpu.memref_squeeze %dma_start3A_172 : memref<64x1x1024xf32, #tpu.memory_space<hbm>> -> memref<64x1024xf32, #tpu.memory_space<hbm>>
    %dma_start3A_174 = arith.constant 0 : i32
    %dma_start3A_175 = tpu.memref_slice %arg3[%mul3A_2, %dma_start3A_170, %dma_start3A_174] : memref<2048x32x1024xf32, #tpu.memory_space<hbm>> -> memref<64x1x1024xf32, #tpu.memory_space<hbm>>
    %dma_start3A_176 = tpu.memref_squeeze %dma_start3A_175 : memref<64x1x1024xf32, #tpu.memory_space<hbm>> -> memref<64x1024xf32, #tpu.memory_space<hbm>>
    tpu.enqueue_dma source(%arg4 : memref<64x1024xf32, #tpu.memory_space<vmem>>) target(%dma_start3A_176 : memref<64x1024xf32, #tpu.memory_space<hbm>>) target_semaphore(%arg5 : memref<!tpu.dma_semaphore, #tpu.memory_space<semaphore_mem>>)
    %dma_start3A_177 = arith.constant 25 : i32
    %dma_start3A_178 = arith.constant 0 : i32
    %dma_start3A_179 = tpu.memref_slice %arg3[%mul3A_2, %dma_start3A_177, %dma_start3A_178] : memref<2048x32x1024xf32, #tpu.memory_space<hbm>> -> memref<64x1x1024xf32, #tpu.memory_space<hbm>>
    %dma_start3A_180 = tpu.memref_squeeze %dma_start3A_179 : memref<64x1x1024xf32, #tpu.memory_space<hbm>> -> memref<64x1024xf32, #tpu.memory_space<hbm>>
    %dma_start3A_181 = arith.constant 0 : i32
    %dma_start3A_182 = tpu.memref_slice %arg3[%mul3A_2, %dma_start3A_177, %dma_start3A_181] : memref<2048x32x1024xf32, #tpu.memory_space<hbm>> -> memref<64x1x1024xf32, #tpu.memory_space<hbm>>
    %dma_start3A_183 = tpu.memref_squeeze %dma_start3A_182 : memref<64x1x1024xf32, #tpu.memory_space<hbm>> -> memref<64x1024xf32, #tpu.memory_space<hbm>>
    tpu.enqueue_dma source(%arg4 : memref<64x1024xf32, #tpu.memory_space<vmem>>) target(%dma_start3A_183 : memref<64x1024xf32, #tpu.memory_space<hbm>>) target_semaphore(%arg5 : memref<!tpu.dma_semaphore, #tpu.memory_space<semaphore_mem>>)
    %dma_start3A_184 = arith.constant 26 : i32
    %dma_start3A_185 = arith.constant 0 : i32
    %dma_start3A_186 = tpu.memref_slice %arg3[%mul3A_2, %dma_start3A_184, %dma_start3A_185] : memref<2048x32x1024xf32, #tpu.memory_space<hbm>> -> memref<64x1x1024xf32, #tpu.memory_space<hbm>>
    %dma_start3A_187 = tpu.memref_squeeze %dma_start3A_186 : memref<64x1x1024xf32, #tpu.memory_space<hbm>> -> memref<64x1024xf32, #tpu.memory_space<hbm>>
    %dma_start3A_188 = arith.constant 0 : i32
    %dma_start3A_189 = tpu.memref_slice %arg3[%mul3A_2, %dma_start3A_184, %dma_start3A_188] : memref<2048x32x1024xf32, #tpu.memory_space<hbm>> -> memref<64x1x1024xf32, #tpu.memory_space<hbm>>
    %dma_start3A_190 = tpu.memref_squeeze %dma_start3A_189 : memref<64x1x1024xf32, #tpu.memory_space<hbm>> -> memref<64x1024xf32, #tpu.memory_space<hbm>>
    tpu.enqueue_dma source(%arg4 : memref<64x1024xf32, #tpu.memory_space<vmem>>) target(%dma_start3A_190 : memref<64x1024xf32, #tpu.memory_space<hbm>>) target_semaphore(%arg5 : memref<!tpu.dma_semaphore, #tpu.memory_space<semaphore_mem>>)
    %dma_start3A_191 = arith.constant 27 : i32
    %dma_start3A_192 = arith.constant 0 : i32
    %dma_start3A_193 = tpu.memref_slice %arg3[%mul3A_2, %dma_start3A_191, %dma_start3A_192] : memref<2048x32x1024xf32, #tpu.memory_space<hbm>> -> memref<64x1x1024xf32, #tpu.memory_space<hbm>>
    %dma_start3A_194 = tpu.memref_squeeze %dma_start3A_193 : memref<64x1x1024xf32, #tpu.memory_space<hbm>> -> memref<64x1024xf32, #tpu.memory_space<hbm>>
    %dma_start3A_195 = arith.constant 0 : i32
    %dma_start3A_196 = tpu.memref_slice %arg3[%mul3A_2, %dma_start3A_191, %dma_start3A_195] : memref<2048x32x1024xf32, #tpu.memory_space<hbm>> -> memref<64x1x1024xf32, #tpu.memory_space<hbm>>
    %dma_start3A_197 = tpu.memref_squeeze %dma_start3A_196 : memref<64x1x1024xf32, #tpu.memory_space<hbm>> -> memref<64x1024xf32, #tpu.memory_space<hbm>>
    tpu.enqueue_dma source(%arg4 : memref<64x1024xf32, #tpu.memory_space<vmem>>) target(%dma_start3A_197 : memref<64x1024xf32, #tpu.memory_space<hbm>>) target_semaphore(%arg5 : memref<!tpu.dma_semaphore, #tpu.memory_space<semaphore_mem>>)
    %dma_start3A_198 = arith.constant 28 : i32
    %dma_start3A_199 = arith.constant 0 : i32
    %dma_start3A_200 = tpu.memref_slice %arg3[%mul3A_2, %dma_start3A_198, %dma_start3A_199] : memref<2048x32x1024xf32, #tpu.memory_space<hbm>> -> memref<64x1x1024xf32, #tpu.memory_space<hbm>>
    %dma_start3A_201 = tpu.memref_squeeze %dma_start3A_200 : memref<64x1x1024xf32, #tpu.memory_space<hbm>> -> memref<64x1024xf32, #tpu.memory_space<hbm>>
    %dma_start3A_202 = arith.constant 0 : i32
    %dma_start3A_203 = tpu.memref_slice %arg3[%mul3A_2, %dma_start3A_198, %dma_start3A_202] : memref<2048x32x1024xf32, #tpu.memory_space<hbm>> -> memref<64x1x1024xf32, #tpu.memory_space<hbm>>
    %dma_start3A_204 = tpu.memref_squeeze %dma_start3A_203 : memref<64x1x1024xf32, #tpu.memory_space<hbm>> -> memref<64x1024xf32, #tpu.memory_space<hbm>>
    tpu.enqueue_dma source(%arg4 : memref<64x1024xf32, #tpu.memory_space<vmem>>) target(%dma_start3A_204 : memref<64x1024xf32, #tpu.memory_space<hbm>>) target_semaphore(%arg5 : memref<!tpu.dma_semaphore, #tpu.memory_space<semaphore_mem>>)
    %dma_start3A_205 = arith.constant 29 : i32
    %dma_start3A_206 = arith.constant 0 : i32
    %dma_start3A_207 = tpu.memref_slice %arg3[%mul3A_2, %dma_start3A_205, %dma_start3A_206] : memref<2048x32x1024xf32, #tpu.memory_space<hbm>> -> memref<64x1x1024xf32, #tpu.memory_space<hbm>>
    %dma_start3A_208 = tpu.memref_squeeze %dma_start3A_207 : memref<64x1x1024xf32, #tpu.memory_space<hbm>> -> memref<64x1024xf32, #tpu.memory_space<hbm>>
    %dma_start3A_209 = arith.constant 0 : i32
    %dma_start3A_210 = tpu.memref_slice %arg3[%mul3A_2, %dma_start3A_205, %dma_start3A_209] : memref<2048x32x1024xf32, #tpu.memory_space<hbm>> -> memref<64x1x1024xf32, #tpu.memory_space<hbm>>
    %dma_start3A_211 = tpu.memref_squeeze %dma_start3A_210 : memref<64x1x1024xf32, #tpu.memory_space<hbm>> -> memref<64x1024xf32, #tpu.memory_space<hbm>>
    tpu.enqueue_dma source(%arg4 : memref<64x1024xf32, #tpu.memory_space<vmem>>) target(%dma_start3A_211 : memref<64x1024xf32, #tpu.memory_space<hbm>>) target_semaphore(%arg5 : memref<!tpu.dma_semaphore, #tpu.memory_space<semaphore_mem>>)
    %dma_start3A_212 = arith.constant 30 : i32
    %dma_start3A_213 = arith.constant 0 : i32
    %dma_start3A_214 = tpu.memref_slice %arg3[%mul3A_2, %dma_start3A_212, %dma_start3A_213] : memref<2048x32x1024xf32, #tpu.memory_space<hbm>> -> memref<64x1x1024xf32, #tpu.memory_space<hbm>>
    %dma_start3A_215 = tpu.memref_squeeze %dma_start3A_214 : memref<64x1x1024xf32, #tpu.memory_space<hbm>> -> memref<64x1024xf32, #tpu.memory_space<hbm>>
    %dma_start3A_216 = arith.constant 0 : i32
    %dma_start3A_217 = tpu.memref_slice %arg3[%mul3A_2, %dma_start3A_212, %dma_start3A_216] : memref<2048x32x1024xf32, #tpu.memory_space<hbm>> -> memref<64x1x1024xf32, #tpu.memory_space<hbm>>
    %dma_start3A_218 = tpu.memref_squeeze %dma_start3A_217 : memref<64x1x1024xf32, #tpu.memory_space<hbm>> -> memref<64x1024xf32, #tpu.memory_space<hbm>>
    tpu.enqueue_dma source(%arg4 : memref<64x1024xf32, #tpu.memory_space<vmem>>) target(%dma_start3A_218 : memref<64x1024xf32, #tpu.memory_space<hbm>>) target_semaphore(%arg5 : memref<!tpu.dma_semaphore, #tpu.memory_space<semaphore_mem>>)
    %dma_start3A_219 = arith.constant 31 : i32
    %dma_start3A_220 = arith.constant 0 : i32
    %dma_start3A_221 = tpu.memref_slice %arg3[%mul3A_2, %dma_start3A_219, %dma_start3A_220] : memref<2048x32x1024xf32, #tpu.memory_space<hbm>> -> memref<64x1x1024xf32, #tpu.memory_space<hbm>>
    %dma_start3A_222 = tpu.memref_squeeze %dma_start3A_221 : memref<64x1x1024xf32, #tpu.memory_space<hbm>> -> memref<64x1024xf32, #tpu.memory_space<hbm>>
    %dma_start3A_223 = arith.constant 0 : i32
    %dma_start3A_224 = tpu.memref_slice %arg3[%mul3A_2, %dma_start3A_219, %dma_start3A_223] : memref<2048x32x1024xf32, #tpu.memory_space<hbm>> -> memref<64x1x1024xf32, #tpu.memory_space<hbm>>
    %dma_start3A_225 = tpu.memref_squeeze %dma_start3A_224 : memref<64x1x1024xf32, #tpu.memory_space<hbm>> -> memref<64x1024xf32, #tpu.memory_space<hbm>>
    tpu.enqueue_dma source(%arg4 : memref<64x1024xf32, #tpu.memory_space<vmem>>) target(%dma_start3A_225 : memref<64x1024xf32, #tpu.memory_space<hbm>>) target_semaphore(%arg5 : memref<!tpu.dma_semaphore, #tpu.memory_space<semaphore_mem>>)
    %dma_wait3A = arith.constant 0 : i32
    %dma_wait3A_226 = arith.constant 0 : i32
    %dma_wait3A_227 = tpu.memref_slice %arg3[%mul3A_2, %dma_wait3A, %dma_wait3A_226] : memref<2048x32x1024xf32, #tpu.memory_space<hbm>> -> memref<64x1x1024xf32, #tpu.memory_space<hbm>>
    %dma_wait3A_228 = tpu.memref_squeeze %dma_wait3A_227 : memref<64x1x1024xf32, #tpu.memory_space<hbm>> -> memref<64x1024xf32, #tpu.memory_space<hbm>>
    %dma_wait3A_229 = arith.constant 0 : i32
    %dma_wait3A_230 = tpu.memref_slice %arg3[%mul3A_2, %dma_wait3A, %dma_wait3A_229] : memref<2048x32x1024xf32, #tpu.memory_space<hbm>> -> memref<64x1x1024xf32, #tpu.memory_space<hbm>>
    %dma_wait3A_231 = tpu.memref_squeeze %dma_wait3A_230 : memref<64x1x1024xf32, #tpu.memory_space<hbm>> -> memref<64x1024xf32, #tpu.memory_space<hbm>>
    tpu.wait_dma2 semaphore(%arg5 : memref<!tpu.dma_semaphore, #tpu.memory_space<semaphore_mem>>) src(%arg4 : memref<64x1024xf32, #tpu.memory_space<vmem>>) dst(%dma_wait3A_231 : memref<64x1024xf32, #tpu.memory_space<hbm>>)
    %dma_wait3A_232 = arith.constant 1 : i32
    %dma_wait3A_233 = arith.constant 0 : i32
    %dma_wait3A_234 = tpu.memref_slice %arg3[%mul3A_2, %dma_wait3A_232, %dma_wait3A_233] : memref<2048x32x1024xf32, #tpu.memory_space<hbm>> -> memref<64x1x1024xf32, #tpu.memory_space<hbm>>
    %dma_wait3A_235 = tpu.memref_squeeze %dma_wait3A_234 : memref<64x1x1024xf32, #tpu.memory_space<hbm>> -> memref<64x1024xf32, #tpu.memory_space<hbm>>
    %dma_wait3A_236 = arith.constant 0 : i32
    %dma_wait3A_237 = tpu.memref_slice %arg3[%mul3A_2, %dma_wait3A_232, %dma_wait3A_236] : memref<2048x32x1024xf32, #tpu.memory_space<hbm>> -> memref<64x1x1024xf32, #tpu.memory_space<hbm>>
    %dma_wait3A_238 = tpu.memref_squeeze %dma_wait3A_237 : memref<64x1x1024xf32, #tpu.memory_space<hbm>> -> memref<64x1024xf32, #tpu.memory_space<hbm>>
    tpu.wait_dma2 semaphore(%arg5 : memref<!tpu.dma_semaphore, #tpu.memory_space<semaphore_mem>>) src(%arg4 : memref<64x1024xf32, #tpu.memory_space<vmem>>) dst(%dma_wait3A_238 : memref<64x1024xf32, #tpu.memory_space<hbm>>)
    %dma_wait3A_239 = arith.constant 2 : i32
    %dma_wait3A_240 = arith.constant 0 : i32
    %dma_wait3A_241 = tpu.memref_slice %arg3[%mul3A_2, %dma_wait3A_239, %dma_wait3A_240] : memref<2048x32x1024xf32, #tpu.memory_space<hbm>> -> memref<64x1x1024xf32, #tpu.memory_space<hbm>>
    %dma_wait3A_242 = tpu.memref_squeeze %dma_wait3A_241 : memref<64x1x1024xf32, #tpu.memory_space<hbm>> -> memref<64x1024xf32, #tpu.memory_space<hbm>>
    %dma_wait3A_243 = arith.constant 0 : i32
    %dma_wait3A_244 = tpu.memref_slice %arg3[%mul3A_2, %dma_wait3A_239, %dma_wait3A_243] : memref<2048x32x1024xf32, #tpu.memory_space<hbm>> -> memref<64x1x1024xf32, #tpu.memory_space<hbm>>
    %dma_wait3A_245 = tpu.memref_squeeze %dma_wait3A_244 : memref<64x1x1024xf32, #tpu.memory_space<hbm>> -> memref<64x1024xf32, #tpu.memory_space<hbm>>
    tpu.wait_dma2 semaphore(%arg5 : memref<!tpu.dma_semaphore, #tpu.memory_space<semaphore_mem>>) src(%arg4 : memref<64x1024xf32, #tpu.memory_space<vmem>>) dst(%dma_wait3A_245 : memref<64x1024xf32, #tpu.memory_space<hbm>>)
    %dma_wait3A_246 = arith.constant 3 : i32
    %dma_wait3A_247 = arith.constant 0 : i32
    %dma_wait3A_248 = tpu.memref_slice %arg3[%mul3A_2, %dma_wait3A_246, %dma_wait3A_247] : memref<2048x32x1024xf32, #tpu.memory_space<hbm>> -> memref<64x1x1024xf32, #tpu.memory_space<hbm>>
    %dma_wait3A_249 = tpu.memref_squeeze %dma_wait3A_248 : memref<64x1x1024xf32, #tpu.memory_space<hbm>> -> memref<64x1024xf32, #tpu.memory_space<hbm>>
    %dma_wait3A_250 = arith.constant 0 : i32
    %dma_wait3A_251 = tpu.memref_slice %arg3[%mul3A_2, %dma_wait3A_246, %dma_wait3A_250] : memref<2048x32x1024xf32, #tpu.memory_space<hbm>> -> memref<64x1x1024xf32, #tpu.memory_space<hbm>>
    %dma_wait3A_252 = tpu.memref_squeeze %dma_wait3A_251 : memref<64x1x1024xf32, #tpu.memory_space<hbm>> -> memref<64x1024xf32, #tpu.memory_space<hbm>>
    tpu.wait_dma2 semaphore(%arg5 : memref<!tpu.dma_semaphore, #tpu.memory_space<semaphore_mem>>) src(%arg4 : memref<64x1024xf32, #tpu.memory_space<vmem>>) dst(%dma_wait3A_252 : memref<64x1024xf32, #tpu.memory_space<hbm>>)
    %dma_wait3A_253 = arith.constant 4 : i32
    %dma_wait3A_254 = arith.constant 0 : i32
    %dma_wait3A_255 = tpu.memref_slice %arg3[%mul3A_2, %dma_wait3A_253, %dma_wait3A_254] : memref<2048x32x1024xf32, #tpu.memory_space<hbm>> -> memref<64x1x1024xf32, #tpu.memory_space<hbm>>
    %dma_wait3A_256 = tpu.memref_squeeze %dma_wait3A_255 : memref<64x1x1024xf32, #tpu.memory_space<hbm>> -> memref<64x1024xf32, #tpu.memory_space<hbm>>
    %dma_wait3A_257 = arith.constant 0 : i32
    %dma_wait3A_258 = tpu.memref_slice %arg3[%mul3A_2, %dma_wait3A_253, %dma_wait3A_257] : memref<2048x32x1024xf32, #tpu.memory_space<hbm>> -> memref<64x1x1024xf32, #tpu.memory_space<hbm>>
    %dma_wait3A_259 = tpu.memref_squeeze %dma_wait3A_258 : memref<64x1x1024xf32, #tpu.memory_space<hbm>> -> memref<64x1024xf32, #tpu.memory_space<hbm>>
    tpu.wait_dma2 semaphore(%arg5 : memref<!tpu.dma_semaphore, #tpu.memory_space<semaphore_mem>>) src(%arg4 : memref<64x1024xf32, #tpu.memory_space<vmem>>) dst(%dma_wait3A_259 : memref<64x1024xf32, #tpu.memory_space<hbm>>)
    %dma_wait3A_260 = arith.constant 5 : i32
    %dma_wait3A_261 = arith.constant 0 : i32
    %dma_wait3A_262 = tpu.memref_slice %arg3[%mul3A_2, %dma_wait3A_260, %dma_wait3A_261] : memref<2048x32x1024xf32, #tpu.memory_space<hbm>> -> memref<64x1x1024xf32, #tpu.memory_space<hbm>>
    %dma_wait3A_263 = tpu.memref_squeeze %dma_wait3A_262 : memref<64x1x1024xf32, #tpu.memory_space<hbm>> -> memref<64x1024xf32, #tpu.memory_space<hbm>>
    %dma_wait3A_264 = arith.constant 0 : i32
    %dma_wait3A_265 = tpu.memref_slice %arg3[%mul3A_2, %dma_wait3A_260, %dma_wait3A_264] : memref<2048x32x1024xf32, #tpu.memory_space<hbm>> -> memref<64x1x1024xf32, #tpu.memory_space<hbm>>
    %dma_wait3A_266 = tpu.memref_squeeze %dma_wait3A_265 : memref<64x1x1024xf32, #tpu.memory_space<hbm>> -> memref<64x1024xf32, #tpu.memory_space<hbm>>
    tpu.wait_dma2 semaphore(%arg5 : memref<!tpu.dma_semaphore, #tpu.memory_space<semaphore_mem>>) src(%arg4 : memref<64x1024xf32, #tpu.memory_space<vmem>>) dst(%dma_wait3A_266 : memref<64x1024xf32, #tpu.memory_space<hbm>>)
    %dma_wait3A_267 = arith.constant 6 : i32
    %dma_wait3A_268 = arith.constant 0 : i32
    %dma_wait3A_269 = tpu.memref_slice %arg3[%mul3A_2, %dma_wait3A_267, %dma_wait3A_268] : memref<2048x32x1024xf32, #tpu.memory_space<hbm>> -> memref<64x1x1024xf32, #tpu.memory_space<hbm>>
    %dma_wait3A_270 = tpu.memref_squeeze %dma_wait3A_269 : memref<64x1x1024xf32, #tpu.memory_space<hbm>> -> memref<64x1024xf32, #tpu.memory_space<hbm>>
    %dma_wait3A_271 = arith.constant 0 : i32
    %dma_wait3A_272 = tpu.memref_slice %arg3[%mul3A_2, %dma_wait3A_267, %dma_wait3A_271] : memref<2048x32x1024xf32, #tpu.memory_space<hbm>> -> memref<64x1x1024xf32, #tpu.memory_space<hbm>>
    %dma_wait3A_273 = tpu.memref_squeeze %dma_wait3A_272 : memref<64x1x1024xf32, #tpu.memory_space<hbm>> -> memref<64x1024xf32, #tpu.memory_space<hbm>>
    tpu.wait_dma2 semaphore(%arg5 : memref<!tpu.dma_semaphore, #tpu.memory_space<semaphore_mem>>) src(%arg4 : memref<64x1024xf32, #tpu.memory_space<vmem>>) dst(%dma_wait3A_273 : memref<64x1024xf32, #tpu.memory_space<hbm>>)
    %dma_wait3A_274 = arith.constant 7 : i32
    %dma_wait3A_275 = arith.constant 0 : i32
    %dma_wait3A_276 = tpu.memref_slice %arg3[%mul3A_2, %dma_wait3A_274, %dma_wait3A_275] : memref<2048x32x1024xf32, #tpu.memory_space<hbm>> -> memref<64x1x1024xf32, #tpu.memory_space<hbm>>
    %dma_wait3A_277 = tpu.memref_squeeze %dma_wait3A_276 : memref<64x1x1024xf32, #tpu.memory_space<hbm>> -> memref<64x1024xf32, #tpu.memory_space<hbm>>
    %dma_wait3A_278 = arith.constant 0 : i32
    %dma_wait3A_279 = tpu.memref_slice %arg3[%mul3A_2, %dma_wait3A_274, %dma_wait3A_278] : memref<2048x32x1024xf32, #tpu.memory_space<hbm>> -> memref<64x1x1024xf32, #tpu.memory_space<hbm>>
    %dma_wait3A_280 = tpu.memref_squeeze %dma_wait3A_279 : memref<64x1x1024xf32, #tpu.memory_space<hbm>> -> memref<64x1024xf32, #tpu.memory_space<hbm>>
    tpu.wait_dma2 semaphore(%arg5 : memref<!tpu.dma_semaphore, #tpu.memory_space<semaphore_mem>>) src(%arg4 : memref<64x1024xf32, #tpu.memory_space<vmem>>) dst(%dma_wait3A_280 : memref<64x1024xf32, #tpu.memory_space<hbm>>)
    %dma_wait3A_281 = arith.constant 8 : i32
    %dma_wait3A_282 = arith.constant 0 : i32
    %dma_wait3A_283 = tpu.memref_slice %arg3[%mul3A_2, %dma_wait3A_281, %dma_wait3A_282] : memref<2048x32x1024xf32, #tpu.memory_space<hbm>> -> memref<64x1x1024xf32, #tpu.memory_space<hbm>>
    %dma_wait3A_284 = tpu.memref_squeeze %dma_wait3A_283 : memref<64x1x1024xf32, #tpu.memory_space<hbm>> -> memref<64x1024xf32, #tpu.memory_space<hbm>>
    %dma_wait3A_285 = arith.constant 0 : i32
    %dma_wait3A_286 = tpu.memref_slice %arg3[%mul3A_2, %dma_wait3A_281, %dma_wait3A_285] : memref<2048x32x1024xf32, #tpu.memory_space<hbm>> -> memref<64x1x1024xf32, #tpu.memory_space<hbm>>
    %dma_wait3A_287 = tpu.memref_squeeze %dma_wait3A_286 : memref<64x1x1024xf32, #tpu.memory_space<hbm>> -> memref<64x1024xf32, #tpu.memory_space<hbm>>
    tpu.wait_dma2 semaphore(%arg5 : memref<!tpu.dma_semaphore, #tpu.memory_space<semaphore_mem>>) src(%arg4 : memref<64x1024xf32, #tpu.memory_space<vmem>>) dst(%dma_wait3A_287 : memref<64x1024xf32, #tpu.memory_space<hbm>>)
    %dma_wait3A_288 = arith.constant 9 : i32
    %dma_wait3A_289 = arith.constant 0 : i32
    %dma_wait3A_290 = tpu.memref_slice %arg3[%mul3A_2, %dma_wait3A_288, %dma_wait3A_289] : memref<2048x32x1024xf32, #tpu.memory_space<hbm>> -> memref<64x1x1024xf32, #tpu.memory_space<hbm>>
    %dma_wait3A_291 = tpu.memref_squeeze %dma_wait3A_290 : memref<64x1x1024xf32, #tpu.memory_space<hbm>> -> memref<64x1024xf32, #tpu.memory_space<hbm>>
    %dma_wait3A_292 = arith.constant 0 : i32
    %dma_wait3A_293 = tpu.memref_slice %arg3[%mul3A_2, %dma_wait3A_288, %dma_wait3A_292] : memref<2048x32x1024xf32, #tpu.memory_space<hbm>> -> memref<64x1x1024xf32, #tpu.memory_space<hbm>>
    %dma_wait3A_294 = tpu.memref_squeeze %dma_wait3A_293 : memref<64x1x1024xf32, #tpu.memory_space<hbm>> -> memref<64x1024xf32, #tpu.memory_space<hbm>>
    tpu.wait_dma2 semaphore(%arg5 : memref<!tpu.dma_semaphore, #tpu.memory_space<semaphore_mem>>) src(%arg4 : memref<64x1024xf32, #tpu.memory_space<vmem>>) dst(%dma_wait3A_294 : memref<64x1024xf32, #tpu.memory_space<hbm>>)
    %dma_wait3A_295 = arith.constant 10 : i32
    %dma_wait3A_296 = arith.constant 0 : i32
    %dma_wait3A_297 = tpu.memref_slice %arg3[%mul3A_2, %dma_wait3A_295, %dma_wait3A_296] : memref<2048x32x1024xf32, #tpu.memory_space<hbm>> -> memref<64x1x1024xf32, #tpu.memory_space<hbm>>
    %dma_wait3A_298 = tpu.memref_squeeze %dma_wait3A_297 : memref<64x1x1024xf32, #tpu.memory_space<hbm>> -> memref<64x1024xf32, #tpu.memory_space<hbm>>
    %dma_wait3A_299 = arith.constant 0 : i32
    %dma_wait3A_300 = tpu.memref_slice %arg3[%mul3A_2, %dma_wait3A_295, %dma_wait3A_299] : memref<2048x32x1024xf32, #tpu.memory_space<hbm>> -> memref<64x1x1024xf32, #tpu.memory_space<hbm>>
    %dma_wait3A_301 = tpu.memref_squeeze %dma_wait3A_300 : memref<64x1x1024xf32, #tpu.memory_space<hbm>> -> memref<64x1024xf32, #tpu.memory_space<hbm>>
    tpu.wait_dma2 semaphore(%arg5 : memref<!tpu.dma_semaphore, #tpu.memory_space<semaphore_mem>>) src(%arg4 : memref<64x1024xf32, #tpu.memory_space<vmem>>) dst(%dma_wait3A_301 : memref<64x1024xf32, #tpu.memory_space<hbm>>)
    %dma_wait3A_302 = arith.constant 11 : i32
    %dma_wait3A_303 = arith.constant 0 : i32
    %dma_wait3A_304 = tpu.memref_slice %arg3[%mul3A_2, %dma_wait3A_302, %dma_wait3A_303] : memref<2048x32x1024xf32, #tpu.memory_space<hbm>> -> memref<64x1x1024xf32, #tpu.memory_space<hbm>>
    %dma_wait3A_305 = tpu.memref_squeeze %dma_wait3A_304 : memref<64x1x1024xf32, #tpu.memory_space<hbm>> -> memref<64x1024xf32, #tpu.memory_space<hbm>>
    %dma_wait3A_306 = arith.constant 0 : i32
    %dma_wait3A_307 = tpu.memref_slice %arg3[%mul3A_2, %dma_wait3A_302, %dma_wait3A_306] : memref<2048x32x1024xf32, #tpu.memory_space<hbm>> -> memref<64x1x1024xf32, #tpu.memory_space<hbm>>
    %dma_wait3A_308 = tpu.memref_squeeze %dma_wait3A_307 : memref<64x1x1024xf32, #tpu.memory_space<hbm>> -> memref<64x1024xf32, #tpu.memory_space<hbm>>
    tpu.wait_dma2 semaphore(%arg5 : memref<!tpu.dma_semaphore, #tpu.memory_space<semaphore_mem>>) src(%arg4 : memref<64x1024xf32, #tpu.memory_space<vmem>>) dst(%dma_wait3A_308 : memref<64x1024xf32, #tpu.memory_space<hbm>>)
    %dma_wait3A_309 = arith.constant 12 : i32
    %dma_wait3A_310 = arith.constant 0 : i32
    %dma_wait3A_311 = tpu.memref_slice %arg3[%mul3A_2, %dma_wait3A_309, %dma_wait3A_310] : memref<2048x32x1024xf32, #tpu.memory_space<hbm>> -> memref<64x1x1024xf32, #tpu.memory_space<hbm>>
    %dma_wait3A_312 = tpu.memref_squeeze %dma_wait3A_311 : memref<64x1x1024xf32, #tpu.memory_space<hbm>> -> memref<64x1024xf32, #tpu.memory_space<hbm>>
    %dma_wait3A_313 = arith.constant 0 : i32
    %dma_wait3A_314 = tpu.memref_slice %arg3[%mul3A_2, %dma_wait3A_309, %dma_wait3A_313] : memref<2048x32x1024xf32, #tpu.memory_space<hbm>> -> memref<64x1x1024xf32, #tpu.memory_space<hbm>>
    %dma_wait3A_315 = tpu.memref_squeeze %dma_wait3A_314 : memref<64x1x1024xf32, #tpu.memory_space<hbm>> -> memref<64x1024xf32, #tpu.memory_space<hbm>>
    tpu.wait_dma2 semaphore(%arg5 : memref<!tpu.dma_semaphore, #tpu.memory_space<semaphore_mem>>) src(%arg4 : memref<64x1024xf32, #tpu.memory_space<vmem>>) dst(%dma_wait3A_315 : memref<64x1024xf32, #tpu.memory_space<hbm>>)
    %dma_wait3A_316 = arith.constant 13 : i32
    %dma_wait3A_317 = arith.constant 0 : i32
    %dma_wait3A_318 = tpu.memref_slice %arg3[%mul3A_2, %dma_wait3A_316, %dma_wait3A_317] : memref<2048x32x1024xf32, #tpu.memory_space<hbm>> -> memref<64x1x1024xf32, #tpu.memory_space<hbm>>
    %dma_wait3A_319 = tpu.memref_squeeze %dma_wait3A_318 : memref<64x1x1024xf32, #tpu.memory_space<hbm>> -> memref<64x1024xf32, #tpu.memory_space<hbm>>
    %dma_wait3A_320 = arith.constant 0 : i32
    %dma_wait3A_321 = tpu.memref_slice %arg3[%mul3A_2, %dma_wait3A_316, %dma_wait3A_320] : memref<2048x32x1024xf32, #tpu.memory_space<hbm>> -> memref<64x1x1024xf32, #tpu.memory_space<hbm>>
    %dma_wait3A_322 = tpu.memref_squeeze %dma_wait3A_321 : memref<64x1x1024xf32, #tpu.memory_space<hbm>> -> memref<64x1024xf32, #tpu.memory_space<hbm>>
    tpu.wait_dma2 semaphore(%arg5 : memref<!tpu.dma_semaphore, #tpu.memory_space<semaphore_mem>>) src(%arg4 : memref<64x1024xf32, #tpu.memory_space<vmem>>) dst(%dma_wait3A_322 : memref<64x1024xf32, #tpu.memory_space<hbm>>)
    %dma_wait3A_323 = arith.constant 14 : i32
    %dma_wait3A_324 = arith.constant 0 : i32
    %dma_wait3A_325 = tpu.memref_slice %arg3[%mul3A_2, %dma_wait3A_323, %dma_wait3A_324] : memref<2048x32x1024xf32, #tpu.memory_space<hbm>> -> memref<64x1x1024xf32, #tpu.memory_space<hbm>>
    %dma_wait3A_326 = tpu.memref_squeeze %dma_wait3A_325 : memref<64x1x1024xf32, #tpu.memory_space<hbm>> -> memref<64x1024xf32, #tpu.memory_space<hbm>>
    %dma_wait3A_327 = arith.constant 0 : i32
    %dma_wait3A_328 = tpu.memref_slice %arg3[%mul3A_2, %dma_wait3A_323, %dma_wait3A_327] : memref<2048x32x1024xf32, #tpu.memory_space<hbm>> -> memref<64x1x1024xf32, #tpu.memory_space<hbm>>
    %dma_wait3A_329 = tpu.memref_squeeze %dma_wait3A_328 : memref<64x1x1024xf32, #tpu.memory_space<hbm>> -> memref<64x1024xf32, #tpu.memory_space<hbm>>
    tpu.wait_dma2 semaphore(%arg5 : memref<!tpu.dma_semaphore, #tpu.memory_space<semaphore_mem>>) src(%arg4 : memref<64x1024xf32, #tpu.memory_space<vmem>>) dst(%dma_wait3A_329 : memref<64x1024xf32, #tpu.memory_space<hbm>>)
    %dma_wait3A_330 = arith.constant 15 : i32
    %dma_wait3A_331 = arith.constant 0 : i32
    %dma_wait3A_332 = tpu.memref_slice %arg3[%mul3A_2, %dma_wait3A_330, %dma_wait3A_331] : memref<2048x32x1024xf32, #tpu.memory_space<hbm>> -> memref<64x1x1024xf32, #tpu.memory_space<hbm>>
    %dma_wait3A_333 = tpu.memref_squeeze %dma_wait3A_332 : memref<64x1x1024xf32, #tpu.memory_space<hbm>> -> memref<64x1024xf32, #tpu.memory_space<hbm>>
    %dma_wait3A_334 = arith.constant 0 : i32
    %dma_wait3A_335 = tpu.memref_slice %arg3[%mul3A_2, %dma_wait3A_330, %dma_wait3A_334] : memref<2048x32x1024xf32, #tpu.memory_space<hbm>> -> memref<64x1x1024xf32, #tpu.memory_space<hbm>>
    %dma_wait3A_336 = tpu.memref_squeeze %dma_wait3A_335 : memref<64x1x1024xf32, #tpu.memory_space<hbm>> -> memref<64x1024xf32, #tpu.memory_space<hbm>>
    tpu.wait_dma2 semaphore(%arg5 : memref<!tpu.dma_semaphore, #tpu.memory_space<semaphore_mem>>) src(%arg4 : memref<64x1024xf32, #tpu.memory_space<vmem>>) dst(%dma_wait3A_336 : memref<64x1024xf32, #tpu.memory_space<hbm>>)
    %dma_wait3A_337 = arith.constant 16 : i32
    %dma_wait3A_338 = arith.constant 0 : i32
    %dma_wait3A_339 = tpu.memref_slice %arg3[%mul3A_2, %dma_wait3A_337, %dma_wait3A_338] : memref<2048x32x1024xf32, #tpu.memory_space<hbm>> -> memref<64x1x1024xf32, #tpu.memory_space<hbm>>
    %dma_wait3A_340 = tpu.memref_squeeze %dma_wait3A_339 : memref<64x1x1024xf32, #tpu.memory_space<hbm>> -> memref<64x1024xf32, #tpu.memory_space<hbm>>
    %dma_wait3A_341 = arith.constant 0 : i32
    %dma_wait3A_342 = tpu.memref_slice %arg3[%mul3A_2, %dma_wait3A_337, %dma_wait3A_341] : memref<2048x32x1024xf32, #tpu.memory_space<hbm>> -> memref<64x1x1024xf32, #tpu.memory_space<hbm>>
    %dma_wait3A_343 = tpu.memref_squeeze %dma_wait3A_342 : memref<64x1x1024xf32, #tpu.memory_space<hbm>> -> memref<64x1024xf32, #tpu.memory_space<hbm>>
    tpu.wait_dma2 semaphore(%arg5 : memref<!tpu.dma_semaphore, #tpu.memory_space<semaphore_mem>>) src(%arg4 : memref<64x1024xf32, #tpu.memory_space<vmem>>) dst(%dma_wait3A_343 : memref<64x1024xf32, #tpu.memory_space<hbm>>)
    %dma_wait3A_344 = arith.constant 17 : i32
    %dma_wait3A_345 = arith.constant 0 : i32
    %dma_wait3A_346 = tpu.memref_slice %arg3[%mul3A_2, %dma_wait3A_344, %dma_wait3A_345] : memref<2048x32x1024xf32, #tpu.memory_space<hbm>> -> memref<64x1x1024xf32, #tpu.memory_space<hbm>>
    %dma_wait3A_347 = tpu.memref_squeeze %dma_wait3A_346 : memref<64x1x1024xf32, #tpu.memory_space<hbm>> -> memref<64x1024xf32, #tpu.memory_space<hbm>>
    %dma_wait3A_348 = arith.constant 0 : i32
    %dma_wait3A_349 = tpu.memref_slice %arg3[%mul3A_2, %dma_wait3A_344, %dma_wait3A_348] : memref<2048x32x1024xf32, #tpu.memory_space<hbm>> -> memref<64x1x1024xf32, #tpu.memory_space<hbm>>
    %dma_wait3A_350 = tpu.memref_squeeze %dma_wait3A_349 : memref<64x1x1024xf32, #tpu.memory_space<hbm>> -> memref<64x1024xf32, #tpu.memory_space<hbm>>
    tpu.wait_dma2 semaphore(%arg5 : memref<!tpu.dma_semaphore, #tpu.memory_space<semaphore_mem>>) src(%arg4 : memref<64x1024xf32, #tpu.memory_space<vmem>>) dst(%dma_wait3A_350 : memref<64x1024xf32, #tpu.memory_space<hbm>>)
    %dma_wait3A_351 = arith.constant 18 : i32
    %dma_wait3A_352 = arith.constant 0 : i32
    %dma_wait3A_353 = tpu.memref_slice %arg3[%mul3A_2, %dma_wait3A_351, %dma_wait3A_352] : memref<2048x32x1024xf32, #tpu.memory_space<hbm>> -> memref<64x1x1024xf32, #tpu.memory_space<hbm>>
    %dma_wait3A_354 = tpu.memref_squeeze %dma_wait3A_353 : memref<64x1x1024xf32, #tpu.memory_space<hbm>> -> memref<64x1024xf32, #tpu.memory_space<hbm>>
    %dma_wait3A_355 = arith.constant 0 : i32
    %dma_wait3A_356 = tpu.memref_slice %arg3[%mul3A_2, %dma_wait3A_351, %dma_wait3A_355] : memref<2048x32x1024xf32, #tpu.memory_space<hbm>> -> memref<64x1x1024xf32, #tpu.memory_space<hbm>>
    %dma_wait3A_357 = tpu.memref_squeeze %dma_wait3A_356 : memref<64x1x1024xf32, #tpu.memory_space<hbm>> -> memref<64x1024xf32, #tpu.memory_space<hbm>>
    tpu.wait_dma2 semaphore(%arg5 : memref<!tpu.dma_semaphore, #tpu.memory_space<semaphore_mem>>) src(%arg4 : memref<64x1024xf32, #tpu.memory_space<vmem>>) dst(%dma_wait3A_357 : memref<64x1024xf32, #tpu.memory_space<hbm>>)
    %dma_wait3A_358 = arith.constant 19 : i32
    %dma_wait3A_359 = arith.constant 0 : i32
    %dma_wait3A_360 = tpu.memref_slice %arg3[%mul3A_2, %dma_wait3A_358, %dma_wait3A_359] : memref<2048x32x1024xf32, #tpu.memory_space<hbm>> -> memref<64x1x1024xf32, #tpu.memory_space<hbm>>
    %dma_wait3A_361 = tpu.memref_squeeze %dma_wait3A_360 : memref<64x1x1024xf32, #tpu.memory_space<hbm>> -> memref<64x1024xf32, #tpu.memory_space<hbm>>
    %dma_wait3A_362 = arith.constant 0 : i32
    %dma_wait3A_363 = tpu.memref_slice %arg3[%mul3A_2, %dma_wait3A_358, %dma_wait3A_362] : memref<2048x32x1024xf32, #tpu.memory_space<hbm>> -> memref<64x1x1024xf32, #tpu.memory_space<hbm>>
    %dma_wait3A_364 = tpu.memref_squeeze %dma_wait3A_363 : memref<64x1x1024xf32, #tpu.memory_space<hbm>> -> memref<64x1024xf32, #tpu.memory_space<hbm>>
    tpu.wait_dma2 semaphore(%arg5 : memref<!tpu.dma_semaphore, #tpu.memory_space<semaphore_mem>>) src(%arg4 : memref<64x1024xf32, #tpu.memory_space<vmem>>) dst(%dma_wait3A_364 : memref<64x1024xf32, #tpu.memory_space<hbm>>)
    %dma_wait3A_365 = arith.constant 20 : i32
    %dma_wait3A_366 = arith.constant 0 : i32
    %dma_wait3A_367 = tpu.memref_slice %arg3[%mul3A_2, %dma_wait3A_365, %dma_wait3A_366] : memref<2048x32x1024xf32, #tpu.memory_space<hbm>> -> memref<64x1x1024xf32, #tpu.memory_space<hbm>>
    %dma_wait3A_368 = tpu.memref_squeeze %dma_wait3A_367 : memref<64x1x1024xf32, #tpu.memory_space<hbm>> -> memref<64x1024xf32, #tpu.memory_space<hbm>>
    %dma_wait3A_369 = arith.constant 0 : i32
    %dma_wait3A_370 = tpu.memref_slice %arg3[%mul3A_2, %dma_wait3A_365, %dma_wait3A_369] : memref<2048x32x1024xf32, #tpu.memory_space<hbm>> -> memref<64x1x1024xf32, #tpu.memory_space<hbm>>
    %dma_wait3A_371 = tpu.memref_squeeze %dma_wait3A_370 : memref<64x1x1024xf32, #tpu.memory_space<hbm>> -> memref<64x1024xf32, #tpu.memory_space<hbm>>
    tpu.wait_dma2 semaphore(%arg5 : memref<!tpu.dma_semaphore, #tpu.memory_space<semaphore_mem>>) src(%arg4 : memref<64x1024xf32, #tpu.memory_space<vmem>>) dst(%dma_wait3A_371 : memref<64x1024xf32, #tpu.memory_space<hbm>>)
    %dma_wait3A_372 = arith.constant 21 : i32
    %dma_wait3A_373 = arith.constant 0 : i32
    %dma_wait3A_374 = tpu.memref_slice %arg3[%mul3A_2, %dma_wait3A_372, %dma_wait3A_373] : memref<2048x32x1024xf32, #tpu.memory_space<hbm>> -> memref<64x1x1024xf32, #tpu.memory_space<hbm>>
    %dma_wait3A_375 = tpu.memref_squeeze %dma_wait3A_374 : memref<64x1x1024xf32, #tpu.memory_space<hbm>> -> memref<64x1024xf32, #tpu.memory_space<hbm>>
    %dma_wait3A_376 = arith.constant 0 : i32
    %dma_wait3A_377 = tpu.memref_slice %arg3[%mul3A_2, %dma_wait3A_372, %dma_wait3A_376] : memref<2048x32x1024xf32, #tpu.memory_space<hbm>> -> memref<64x1x1024xf32, #tpu.memory_space<hbm>>
    %dma_wait3A_378 = tpu.memref_squeeze %dma_wait3A_377 : memref<64x1x1024xf32, #tpu.memory_space<hbm>> -> memref<64x1024xf32, #tpu.memory_space<hbm>>
    tpu.wait_dma2 semaphore(%arg5 : memref<!tpu.dma_semaphore, #tpu.memory_space<semaphore_mem>>) src(%arg4 : memref<64x1024xf32, #tpu.memory_space<vmem>>) dst(%dma_wait3A_378 : memref<64x1024xf32, #tpu.memory_space<hbm>>)
    %dma_wait3A_379 = arith.constant 22 : i32
    %dma_wait3A_380 = arith.constant 0 : i32
    %dma_wait3A_381 = tpu.memref_slice %arg3[%mul3A_2, %dma_wait3A_379, %dma_wait3A_380] : memref<2048x32x1024xf32, #tpu.memory_space<hbm>> -> memref<64x1x1024xf32, #tpu.memory_space<hbm>>
    %dma_wait3A_382 = tpu.memref_squeeze %dma_wait3A_381 : memref<64x1x1024xf32, #tpu.memory_space<hbm>> -> memref<64x1024xf32, #tpu.memory_space<hbm>>
    %dma_wait3A_383 = arith.constant 0 : i32
    %dma_wait3A_384 = tpu.memref_slice %arg3[%mul3A_2, %dma_wait3A_379, %dma_wait3A_383] : memref<2048x32x1024xf32, #tpu.memory_space<hbm>> -> memref<64x1x1024xf32, #tpu.memory_space<hbm>>
    %dma_wait3A_385 = tpu.memref_squeeze %dma_wait3A_384 : memref<64x1x1024xf32, #tpu.memory_space<hbm>> -> memref<64x1024xf32, #tpu.memory_space<hbm>>
    tpu.wait_dma2 semaphore(%arg5 : memref<!tpu.dma_semaphore, #tpu.memory_space<semaphore_mem>>) src(%arg4 : memref<64x1024xf32, #tpu.memory_space<vmem>>) dst(%dma_wait3A_385 : memref<64x1024xf32, #tpu.memory_space<hbm>>)
    %dma_wait3A_386 = arith.constant 23 : i32
    %dma_wait3A_387 = arith.constant 0 : i32
    %dma_wait3A_388 = tpu.memref_slice %arg3[%mul3A_2, %dma_wait3A_386, %dma_wait3A_387] : memref<2048x32x1024xf32, #tpu.memory_space<hbm>> -> memref<64x1x1024xf32, #tpu.memory_space<hbm>>
    %dma_wait3A_389 = tpu.memref_squeeze %dma_wait3A_388 : memref<64x1x1024xf32, #tpu.memory_space<hbm>> -> memref<64x1024xf32, #tpu.memory_space<hbm>>
    %dma_wait3A_390 = arith.constant 0 : i32
    %dma_wait3A_391 = tpu.memref_slice %arg3[%mul3A_2, %dma_wait3A_386, %dma_wait3A_390] : memref<2048x32x1024xf32, #tpu.memory_space<hbm>> -> memref<64x1x1024xf32, #tpu.memory_space<hbm>>
    %dma_wait3A_392 = tpu.memref_squeeze %dma_wait3A_391 : memref<64x1x1024xf32, #tpu.memory_space<hbm>> -> memref<64x1024xf32, #tpu.memory_space<hbm>>
    tpu.wait_dma2 semaphore(%arg5 : memref<!tpu.dma_semaphore, #tpu.memory_space<semaphore_mem>>) src(%arg4 : memref<64x1024xf32, #tpu.memory_space<vmem>>) dst(%dma_wait3A_392 : memref<64x1024xf32, #tpu.memory_space<hbm>>)
    %dma_wait3A_393 = arith.constant 24 : i32
    %dma_wait3A_394 = arith.constant 0 : i32
    %dma_wait3A_395 = tpu.memref_slice %arg3[%mul3A_2, %dma_wait3A_393, %dma_wait3A_394] : memref<2048x32x1024xf32, #tpu.memory_space<hbm>> -> memref<64x1x1024xf32, #tpu.memory_space<hbm>>
    %dma_wait3A_396 = tpu.memref_squeeze %dma_wait3A_395 : memref<64x1x1024xf32, #tpu.memory_space<hbm>> -> memref<64x1024xf32, #tpu.memory_space<hbm>>
    %dma_wait3A_397 = arith.constant 0 : i32
    %dma_wait3A_398 = tpu.memref_slice %arg3[%mul3A_2, %dma_wait3A_393, %dma_wait3A_397] : memref<2048x32x1024xf32, #tpu.memory_space<hbm>> -> memref<64x1x1024xf32, #tpu.memory_space<hbm>>
    %dma_wait3A_399 = tpu.memref_squeeze %dma_wait3A_398 : memref<64x1x1024xf32, #tpu.memory_space<hbm>> -> memref<64x1024xf32, #tpu.memory_space<hbm>>
    tpu.wait_dma2 semaphore(%arg5 : memref<!tpu.dma_semaphore, #tpu.memory_space<semaphore_mem>>) src(%arg4 : memref<64x1024xf32, #tpu.memory_space<vmem>>) dst(%dma_wait3A_399 : memref<64x1024xf32, #tpu.memory_space<hbm>>)
    %dma_wait3A_400 = arith.constant 25 : i32
    %dma_wait3A_401 = arith.constant 0 : i32
    %dma_wait3A_402 = tpu.memref_slice %arg3[%mul3A_2, %dma_wait3A_400, %dma_wait3A_401] : memref<2048x32x1024xf32, #tpu.memory_space<hbm>> -> memref<64x1x1024xf32, #tpu.memory_space<hbm>>
    %dma_wait3A_403 = tpu.memref_squeeze %dma_wait3A_402 : memref<64x1x1024xf32, #tpu.memory_space<hbm>> -> memref<64x1024xf32, #tpu.memory_space<hbm>>
    %dma_wait3A_404 = arith.constant 0 : i32
    %dma_wait3A_405 = tpu.memref_slice %arg3[%mul3A_2, %dma_wait3A_400, %dma_wait3A_404] : memref<2048x32x1024xf32, #tpu.memory_space<hbm>> -> memref<64x1x1024xf32, #tpu.memory_space<hbm>>
    %dma_wait3A_406 = tpu.memref_squeeze %dma_wait3A_405 : memref<64x1x1024xf32, #tpu.memory_space<hbm>> -> memref<64x1024xf32, #tpu.memory_space<hbm>>
    tpu.wait_dma2 semaphore(%arg5 : memref<!tpu.dma_semaphore, #tpu.memory_space<semaphore_mem>>) src(%arg4 : memref<64x1024xf32, #tpu.memory_space<vmem>>) dst(%dma_wait3A_406 : memref<64x1024xf32, #tpu.memory_space<hbm>>)
    %dma_wait3A_407 = arith.constant 26 : i32
    %dma_wait3A_408 = arith.constant 0 : i32
    %dma_wait3A_409 = tpu.memref_slice %arg3[%mul3A_2, %dma_wait3A_407, %dma_wait3A_408] : memref<2048x32x1024xf32, #tpu.memory_space<hbm>> -> memref<64x1x1024xf32, #tpu.memory_space<hbm>>
    %dma_wait3A_410 = tpu.memref_squeeze %dma_wait3A_409 : memref<64x1x1024xf32, #tpu.memory_space<hbm>> -> memref<64x1024xf32, #tpu.memory_space<hbm>>
    %dma_wait3A_411 = arith.constant 0 : i32
    %dma_wait3A_412 = tpu.memref_slice %arg3[%mul3A_2, %dma_wait3A_407, %dma_wait3A_411] : memref<2048x32x1024xf32, #tpu.memory_space<hbm>> -> memref<64x1x1024xf32, #tpu.memory_space<hbm>>
    %dma_wait3A_413 = tpu.memref_squeeze %dma_wait3A_412 : memref<64x1x1024xf32, #tpu.memory_space<hbm>> -> memref<64x1024xf32, #tpu.memory_space<hbm>>
    tpu.wait_dma2 semaphore(%arg5 : memref<!tpu.dma_semaphore, #tpu.memory_space<semaphore_mem>>) src(%arg4 : memref<64x1024xf32, #tpu.memory_space<vmem>>) dst(%dma_wait3A_413 : memref<64x1024xf32, #tpu.memory_space<hbm>>)
    %dma_wait3A_414 = arith.constant 27 : i32
    %dma_wait3A_415 = arith.constant 0 : i32
    %dma_wait3A_416 = tpu.memref_slice %arg3[%mul3A_2, %dma_wait3A_414, %dma_wait3A_415] : memref<2048x32x1024xf32, #tpu.memory_space<hbm>> -> memref<64x1x1024xf32, #tpu.memory_space<hbm>>
    %dma_wait3A_417 = tpu.memref_squeeze %dma_wait3A_416 : memref<64x1x1024xf32, #tpu.memory_space<hbm>> -> memref<64x1024xf32, #tpu.memory_space<hbm>>
    %dma_wait3A_418 = arith.constant 0 : i32
    %dma_wait3A_419 = tpu.memref_slice %arg3[%mul3A_2, %dma_wait3A_414, %dma_wait3A_418] : memref<2048x32x1024xf32, #tpu.memory_space<hbm>> -> memref<64x1x1024xf32, #tpu.memory_space<hbm>>
    %dma_wait3A_420 = tpu.memref_squeeze %dma_wait3A_419 : memref<64x1x1024xf32, #tpu.memory_space<hbm>> -> memref<64x1024xf32, #tpu.memory_space<hbm>>
    tpu.wait_dma2 semaphore(%arg5 : memref<!tpu.dma_semaphore, #tpu.memory_space<semaphore_mem>>) src(%arg4 : memref<64x1024xf32, #tpu.memory_space<vmem>>) dst(%dma_wait3A_420 : memref<64x1024xf32, #tpu.memory_space<hbm>>)
    %dma_wait3A_421 = arith.constant 28 : i32
    %dma_wait3A_422 = arith.constant 0 : i32
    %dma_wait3A_423 = tpu.memref_slice %arg3[%mul3A_2, %dma_wait3A_421, %dma_wait3A_422] : memref<2048x32x1024xf32, #tpu.memory_space<hbm>> -> memref<64x1x1024xf32, #tpu.memory_space<hbm>>
    %dma_wait3A_424 = tpu.memref_squeeze %dma_wait3A_423 : memref<64x1x1024xf32, #tpu.memory_space<hbm>> -> memref<64x1024xf32, #tpu.memory_space<hbm>>
    %dma_wait3A_425 = arith.constant 0 : i32
    %dma_wait3A_426 = tpu.memref_slice %arg3[%mul3A_2, %dma_wait3A_421, %dma_wait3A_425] : memref<2048x32x1024xf32, #tpu.memory_space<hbm>> -> memref<64x1x1024xf32, #tpu.memory_space<hbm>>
    %dma_wait3A_427 = tpu.memref_squeeze %dma_wait3A_426 : memref<64x1x1024xf32, #tpu.memory_space<hbm>> -> memref<64x1024xf32, #tpu.memory_space<hbm>>
    tpu.wait_dma2 semaphore(%arg5 : memref<!tpu.dma_semaphore, #tpu.memory_space<semaphore_mem>>) src(%arg4 : memref<64x1024xf32, #tpu.memory_space<vmem>>) dst(%dma_wait3A_427 : memref<64x1024xf32, #tpu.memory_space<hbm>>)
    %dma_wait3A_428 = arith.constant 29 : i32
    %dma_wait3A_429 = arith.constant 0 : i32
    %dma_wait3A_430 = tpu.memref_slice %arg3[%mul3A_2, %dma_wait3A_428, %dma_wait3A_429] : memref<2048x32x1024xf32, #tpu.memory_space<hbm>> -> memref<64x1x1024xf32, #tpu.memory_space<hbm>>
    %dma_wait3A_431 = tpu.memref_squeeze %dma_wait3A_430 : memref<64x1x1024xf32, #tpu.memory_space<hbm>> -> memref<64x1024xf32, #tpu.memory_space<hbm>>
    %dma_wait3A_432 = arith.constant 0 : i32
    %dma_wait3A_433 = tpu.memref_slice %arg3[%mul3A_2, %dma_wait3A_428, %dma_wait3A_432] : memref<2048x32x1024xf32, #tpu.memory_space<hbm>> -> memref<64x1x1024xf32, #tpu.memory_space<hbm>>
    %dma_wait3A_434 = tpu.memref_squeeze %dma_wait3A_433 : memref<64x1x1024xf32, #tpu.memory_space<hbm>> -> memref<64x1024xf32, #tpu.memory_space<hbm>>
    tpu.wait_dma2 semaphore(%arg5 : memref<!tpu.dma_semaphore, #tpu.memory_space<semaphore_mem>>) src(%arg4 : memref<64x1024xf32, #tpu.memory_space<vmem>>) dst(%dma_wait3A_434 : memref<64x1024xf32, #tpu.memory_space<hbm>>)
    %dma_wait3A_435 = arith.constant 30 : i32
    %dma_wait3A_436 = arith.constant 0 : i32
    %dma_wait3A_437 = tpu.memref_slice %arg3[%mul3A_2, %dma_wait3A_435, %dma_wait3A_436] : memref<2048x32x1024xf32, #tpu.memory_space<hbm>> -> memref<64x1x1024xf32, #tpu.memory_space<hbm>>
    %dma_wait3A_438 = tpu.memref_squeeze %dma_wait3A_437 : memref<64x1x1024xf32, #tpu.memory_space<hbm>> -> memref<64x1024xf32, #tpu.memory_space<hbm>>
    %dma_wait3A_439 = arith.constant 0 : i32
    %dma_wait3A_440 = tpu.memref_slice %arg3[%mul3A_2, %dma_wait3A_435, %dma_wait3A_439] : memref<2048x32x1024xf32, #tpu.memory_space<hbm>> -> memref<64x1x1024xf32, #tpu.memory_space<hbm>>
    %dma_wait3A_441 = tpu.memref_squeeze %dma_wait3A_440 : memref<64x1x1024xf32, #tpu.memory_space<hbm>> -> memref<64x1024xf32, #tpu.memory_space<hbm>>
    tpu.wait_dma2 semaphore(%arg5 : memref<!tpu.dma_semaphore, #tpu.memory_space<semaphore_mem>>) src(%arg4 : memref<64x1024xf32, #tpu.memory_space<vmem>>) dst(%dma_wait3A_441 : memref<64x1024xf32, #tpu.memory_space<hbm>>)
    %dma_wait3A_442 = arith.constant 31 : i32
    %dma_wait3A_443 = arith.constant 0 : i32
    %dma_wait3A_444 = tpu.memref_slice %arg3[%mul3A_2, %dma_wait3A_442, %dma_wait3A_443] : memref<2048x32x1024xf32, #tpu.memory_space<hbm>> -> memref<64x1x1024xf32, #tpu.memory_space<hbm>>
    %dma_wait3A_445 = tpu.memref_squeeze %dma_wait3A_444 : memref<64x1x1024xf32, #tpu.memory_space<hbm>> -> memref<64x1024xf32, #tpu.memory_space<hbm>>
    %dma_wait3A_446 = arith.constant 0 : i32
    %dma_wait3A_447 = tpu.memref_slice %arg3[%mul3A_2, %dma_wait3A_442, %dma_wait3A_446] : memref<2048x32x1024xf32, #tpu.memory_space<hbm>> -> memref<64x1x1024xf32, #tpu.memory_space<hbm>>
    %dma_wait3A_448 = tpu.memref_squeeze %dma_wait3A_447 : memref<64x1x1024xf32, #tpu.memory_space<hbm>> -> memref<64x1024xf32, #tpu.memory_space<hbm>>
    tpu.wait_dma2 semaphore(%arg5 : memref<!tpu.dma_semaphore, #tpu.memory_space<semaphore_mem>>) src(%arg4 : memref<64x1024xf32, #tpu.memory_space<vmem>>) dst(%dma_wait3A_448 : memref<64x1024xf32, #tpu.memory_space<hbm>>)
    return
  }
}

</mosaic_0001>

<sc_bundles>
// kernel: kernel.3.cloned.1.call-start
scs
__scs_entry_jumppad:
0x0: {  	(pc) =	sbr.rel $0x88, $3  }
0x1: {  	(tag) =	ssettag $0x0;
	lr =	simm.s32 $0x1  }
0x2: {  	[smem:$0x3FA0] =	sst lr;
	_ =	strace $0xD0000000  }
0x3: {  	_ = 	snop  }
0x4: {  	_ = 	snop  }
0x5: {  	_ = 	snop  }
0x6: {  	_ = 	snop  }
0x7: {  	_ = 	snop  }
__scs_overlays_trampoline_lowered:
0x8: {  	[smem:$0x3FAF] =	sst s0  }
0x9: {  	[smem:$0x3FB0] =	sst s1  }
0xa: {  	[smem:$0x3FB1] =	sst s2  }
0xb: {  	[smem:$0x3FB2] =	sst s3  }
0xc: {  	[smem:$0x3FB3] =	sst s4  }
0xd: {  	[smem:$0x3FB4] =	sst s5  }
0xe: {  	[smem:$0x3FB5] =	sst s6  }
0xf: {  	[smem:$0x3FB6] =	sst s7  }
0x10: {  	[smem:$0x3FB7] =	sst s8  }
0x11: {  	[smem:$0x3FB8] =	sst s9;
	s0 =	simm.s32 @!p0 $0x0  }
0x12: {  	s1 =	sld [smem:$0x3F9E];
	s0 =	simm.s32 @p0 $0x1  }
0x13: {  	[smem:$0x3FB9] =	sst s0;
	s0 =	simm.s32 @!p1 $0x0  }
0x14: {  	s2 =	sld [smem:$0x3F9D];
	s0 =	simm.s32 @p1 $0x1  }
0x15: {  	[smem:$0x3FBA] =	sst s0;
	s0 =	simm.s32 @!p2 $0x0  }
0x16: {  	s3 =	sld [smem:$0x3FDB];
	s0 =	simm.s32 @p2 $0x1  }
0x17: {  	s4 =	simm.s32 $0x1BF5;
	[smem:$0x3FBC] =	sst s0  }
0x18: {  	s0 =	sld [smem:$0x3F9F];
	_ =	swait.ge [sflag:s4], $0x0  }
0x19: {  	s7 =	sld [smem:$0x3FA0]  }
0x1a: {  	s8 =	sadd.s32 $0xFFFFE003, lr  }
0x1b: {  	s9 =	sadd.s32 $0xFFFFFEF7, lr;
	s5 =	simm.s32 $0xFFFFFFFF;
	p2 =	slt.u32 s8, $0xFFFFF086  }
0x1c: {  	p1 =	slt.u32 s9, $0xF7A;
	s5 =	simm.s32 @!p2 $0x0  }
0x1d: {  	s5 =	simm.s32 @p1 $0x1;
	p0 =	seq.s32 s7, s2  }
0x1e: {  	s7 =	smul.u32 @!p0 $0xF7A, s2;
	p2 =	seq.s32 @!p0 s5, $0x0  }
0x1f: {  	s9 =	smul.u32 $0xF7A, s1;
	s8 =	simm.s32 @!p0 $0x1BF5;
	p2 =	por !p2, p0  }
0x20: {  	[sflag:s8] =	ssyncset.s32 @!p0 $0xFFFFF086;
	s6 =	sadd.s32 @!p0 s3, s7;
	s7 =	simm.s32 @!p0 $0x108  }
0x21: {  	s3 =	sadd.s32 s3, s9;
	s6 =	sadd.s32 @!p0 $0x88, s6;
	s7 =	simm.s32 @p2 $0x1082  }
0x22: {  	[simem:s7], [sflag:s8] =	dma.local @!p0 [hbm:s6], $0xF7A  }
0x23: {  	s9 =	sor.u32 $0xD0000000, s2;
	s6 =	simm.s32 $0x108;
	_ =	swait.ge @!p0 [sflag:s8], $0x0  }
0x24: {  	s3 =	sadd.s32 $0x88, s3;
	s6 =	simm.s32 @!p1 $0x1082;
	[sflag:s4] =	ssyncset.s32 $0xFFFFF086  }
0x25: {  	[simem:s6], [sflag:s4] =	dma.local [hbm:s3], $0xF7A  }
0x26: {  	[smem:$0x3FA0] =	sst s1;
	(tag) =	ssettag s2;
	_ =	strace s9  }
0x27: {  	s1 =	sld [smem:$0x3FB0]  }
0x28: {  	s2 =	sld [smem:$0x3FB1]  }
0x29: {  	s4 =	sld [smem:$0x3FB3]  }
0x2a: {  	p0 =	seq.s32 s5, $0x0;
	s5 =	sld [smem:$0x3FB4]  }
0x2b: {  	s6 =	sld [smem:$0x3FB5]  }
0x2c: {  	s7 =	sld [smem:$0x3FB6]  }
0x2d: {  	s3 =	simm.s32 $0x108;
	s8 =	sld [smem:$0x3FB7]  }
0x2e: {  	s3 =	simm.s32 @!p0 $0x1082;
	s9 =	sld [smem:$0x3FB8]  }
0x2f: {  	lr =	sadd.s32 s0, s3;
	s0 =	sld [smem:$0x3FAF]  }
0x30: {  	s3 =	sld [smem:$0x3FB2]  }
0x31: {  	[smem:$0x3FBB] =	sst s10  }
0x32: {  	s10 =	sld [smem:$0x3FB9];
	_ =	sdelay $0x3  }
0x33: {  	p0 =	seq.s32 s10, $0x1;
	s10 =	sld [smem:$0x3FBB];
	_ =	sdelay $0x3  }
0x34: {  	[smem:$0x3FBB] =	sst s10  }
0x35: {  	s10 =	sld [smem:$0x3FBA];
	_ =	sdelay $0x3  }
0x36: {  	p1 =	seq.s32 s10, $0x1;
	s10 =	sld [smem:$0x3FBB];
	_ =	sdelay $0x3  }
0x37: {  	[smem:$0x3FBB] =	sst s10  }
0x38: {  	s10 =	sld [smem:$0x3FBC]  }
0x39: {  	_ = 	snop;
	(pc) =	sbr.ind lr, $3  }
0x3a: {  	_ = 	snop  }
0x3b: {  	_ = 	snop  }
0x3c: {  	p2 =	seq.s32 s10, $0x1;
	s10 =	sld [smem:$0x3FBB]  }
0x3d: {  	_ =	shalt  }
0x3e: {  	_ =	shalt  }
0x3f: {  	_ =	shalt  }
0x40: {  	_ =	shalt  }
0x41: {  	_ =	shalt  }
0x42: {  	_ =	shalt  }
0x43: {  	_ =	shalt  }
0x44: {  	_ =	shalt  }
0x45: {  	_ =	shalt  }
0x46: {  	_ =	shalt  }
0x47: {  	_ =	shalt  }
0x48: {  	_ =	shalt  }
0x49: {  	_ =	shalt  }
0x4a: {  	_ =	shalt  }
0x4b: {  	_ =	shalt  }
0x4c: {  	_ =	shalt  }
0x4d: {  	_ =	shalt  }
0x4e: {  	_ =	shalt  }
0x4f: {  	_ =	shalt  }
0x50: {  	_ =	shalt  }
0x51: {  	_ =	shalt  }
0x52: {  	_ =	shalt  }
0x53: {  	_ =	shalt  }
0x54: {  	_ =	shalt  }
0x55: {  	_ =	shalt  }
0x56: {  	_ =	shalt  }
0x57: {  	_ =	shalt  }
0x58: {  	_ =	shalt  }
0x59: {  	_ =	shalt  }
0x5a: {  	_ =	shalt  }
0x5b: {  	_ =	shalt  }
0x5c: {  	_ =	shalt  }
0x5d: {  	_ =	shalt  }
0x5e: {  	_ =	shalt  }
0x5f: {  	_ =	shalt  }
0x60: {  	_ =	shalt  }
0x61: {  	_ =	shalt  }
0x62: {  	_ =	shalt  }
0x63: {  	_ =	shalt  }
0x64: {  	_ =	shalt  }
0x65: {  	_ =	shalt  }
0x66: {  	_ =	shalt  }
0x67: {  	_ =	shalt  }
0x68: {  	_ =	shalt  }
0x69: {  	_ =	shalt  }
0x6a: {  	_ =	shalt  }
0x6b: {  	_ =	shalt  }
0x6c: {  	_ =	shalt  }
0x6d: {  	_ =	shalt  }
0x6e: {  	_ =	shalt  }
0x6f: {  	_ =	shalt  }
0x70: {  	_ =	shalt  }
0x71: {  	_ =	shalt  }
0x72: {  	_ =	shalt  }
0x73: {  	_ =	shalt  }
0x74: {  	_ =	shalt  }
0x75: {  	_ =	shalt  }
0x76: {  	_ =	shalt  }
0x77: {  	_ =	shalt  }
0x78: {  	_ =	shalt  }
0x79: {  	_ =	shalt  }
0x7a: {  	_ =	shalt  }
0x7b: {  	_ =	shalt  }
0x7c: {  	_ =	shalt  }
0x7d: {  	_ =	shalt  }
0x7e: {  	_ =	shalt  }
0x7f: {  	_ =	shalt  }
0x80: {  	_ =	shalt  }
0x81: {  	_ =	shalt  }
0x82: {  	_ =	shalt  }
0x83: {  	_ =	shalt  }
0x84: {  	_ =	shalt  }
0x85: {  	_ =	shalt  }
0x86: {  	_ =	shalt  }
0x87: {  	_ =	shalt  }
.Lfunc_end0:
.L_simem_size_0:
called_computation_lowered:
.L_overlay_start_0:
0x88: {  	s2 =	sld [smem:$0x3FD9]  }
0x89: {  	s3 =	sld [smem:$0x3FFE];
	_ =	sdelay $0x1  }
0x8a: {  	s1 =	srdreg.scid  }
0x8b: {  	s0 =	sand.u32 $0x1, s1  }
0x8c: {  	s18 =	sshll.u32 s0, $0xA;
	s2 =	sadd.s32 s3, s2  }
0x8d: {  	s2 =	sadd.s32 s2, s18  }
0x8e: {  	[smem:$0x3FC7] =	sst s2  }
0x8f: {  	_ = 	snop  }
0x90: {  	s2 =	sld [smem:$0x3FC9]  }
0x91: {  	s19 =	sld [smem:$0x3FD0];
	(tm) =	ssettm $0x1  }
0x92: {  	s4 =	sld [smem:$0x3FFB];
	_ =	sdelay $0x3  }
0x93: {  	_ =	strace s4  }
0x94: {  	s4 =	sld [smem:$0x3FFC];
	_ =	sdelay $0x3  }
0x95: {  	_ =	strace s4  }
0x96: {  	s4 =	sld [smem:$0x3FFD];
	_ =	sdelay $0x3  }
0x97: {  	_ =	strace s4  }
0x98: {  	_ =	strace $0x8FFFFFFF  }
0x99: {  	s20 =	sld [smem:$0x3FDB];
	_ =	sdelay $0x1  }
0x9a: {  	s5 =	simm.s32 $_scs_section_size  }
0x9b: {  	s6 =	simm.s32 $_size__tile_overlayer_lowered;
	s7 =	simm.s32 $_tile_overlayer_lowered  }
0x9c: {  	s23 =	simm.s32 $0x1BFF;
	s22 =	sshll.u32 s7, $0x1;
	s4 =	sadd.s32 s5, s20  }
0x9d: {  	s8 =	simm.s32 $0x0;
	s21 =	sshll.u32 s6, $0x1;
	s6 =	sadd.s32 s22, s4  }
0x9e: {  	[timem:s8], [sflag:s23] =	dma.local [hbm:s6], s21  }
0x9f: {  	_ =	swait.ge [sflag:s23], s21  }
0xa0: {  	s5 =	ssub.s32 $0x0, s21;
	[sflag:s23] =	ssyncset.done $0x0  }
0xa1: {  	[sflag:s23] =	ssyncadd.s32 s5;
	_ =	sdelay $0x1  }
0xa2: {  	s24 =	simm.s32 $0x1B8B  }
0xa3: {  	_ =	swait.ge [sflag:s24], $0x1  }
0xa4: {  	[sflag:s24] =	ssyncset.done $0x0  }
0xa5: {  	s25 =	simm.s32 $0x1B8E;
	[sflag:s24] =	ssyncadd.s32 $0xFFFFFFFF  }
0xa6: {  	s26 =	simm.s32 $execute0_lowered;
	[smem:$0x3FD2] =	sst s25  }
0xa7: {  	s5 =	sshll.u32 s26, $0x1;
	_ =	strace $0x80000046;
	[dreg:$0x1] =	wrdreg $0xFFFFFFFF  }
0xa8: {  	s28 =	simm.s32 $_size_execute0_lowered;
	s4 =	sadd.s32 s4, s5;
	[dreg:$0x0] =	wrdreg $0x0  }
0xa9: {  	s5 =	sshll.u32 s28, $0x1;
	[dreg:$0x2] =	wrdreg s4  }
0xaa: {  	[dreg:$0x3] =	wrdreg s5  }
0xab: {  	[dreg:$0x4] =	wrdreg $0xC0  }
0xac: {  	_ =	task [dreg:s8], $0x5FFFF  }
0xad: {  	[dreg:$0x1] =	wrdreg $0xFFFFFFFF  }
0xae: {  	[dreg:$0x0] =	wrdreg $0x60  }
0xaf: {  	[dreg:$0x2] =	wrdreg s2  }
0xb0: {  	[dreg:$0x3] =	wrdreg s19  }
0xb1: {  	[dreg:$0x4] =	wrdreg $0x9  }
0xb2: {  	_ =	task.clear_ibuf [dreg:s8], $0x5FFFF;
	_ =	strace $0x90000046  }
0xb3: {  	s29 =	simm.s32 $0x9;
	_ =	strace $0x80000048  }
0xb4: {  	_ =	swait.ge [sflag:s29], $0x1  }
0xb5: {  	[sflag:s29] =	ssyncadd.s32 $0xFFFFFFFF  }
0xb6: {  	_ =	strace $0x90000048  }
0xb7: {  	_ =	sfence  }
0xb8: {  	s30 =	sld [smem:$0x0];
	_ =	sdelay $0x2  }
0xb9: {  	s31 =	sshll.u32 s1, $0xD;
	s1 =	sshrl.u32 s1, $0x2  }
0xba: {  	s3 =	sand.u32 $0x4000, s31;
	s1 =	sadd.s32 s1, s30  }
0xbb: {  	s0 =	sor.u32 s3, s0;
	s1 =	sshll.u32 s1, $0x11  }
0xbc: {  	s0 =	sor.u32 s1, s0  }
0xbd: {  	s0 =	sadd.s32 $0x8F2B, s0  }
0xbe: {  	[sflag:s0] =	ssyncadd.remote.s32 $0x1  }
0xbf: {  	_ =	sfence.sel $0xFFFF  }
0xc0: {  	[dreg:$0x0] =	wrdreg $0xFFFFFFFF;
	(pc) =	sbr.abs _section_cstart, $3  }
0xc1: {  	[dreg:$0x1] =	wrdreg $0xFFFFFFFF  }
0xc2: {  	_ =	task.clear_ibuf [dreg:s8], $0x2FFFF;
	_ =	strace $0x9FFFFFFF  }
0xc3: {  	(tm) =	ssettm $0x7FFFFFFF  }
tec
execute0_lowered:
.L_overlay_start_1:
0x0: {  	(tag) =	ssettag $0x1  }
0x1: {  	s0 =	rddreg [dreg:$0x0]  }
0x2: {  	s1 =	rddreg [dreg:$0x1];
	s2 =	srdreg.scid  }
0x3: {  	s5 =	simm.s32 $0x0;
	s4 =	stileid.u32;
	s6 =	simm.s32 $0x8000  }
0x4: {  	s9 =	simm.s32 $0x0;
	s2 =	sand.u32 $0x1, s2;
	[smem:$0x7FF] =	sst s5  }
0x5: {  	s5 =	simm.s32 $0x80;
	s3 =	sshll.u32 s2, $0x4;
	s2 =	ssub.s32 $0x2, s2  }
0x6: {  	_ =	strace $0x80000047;
	s3 =	sor.u32 s4, s3;
	s10 =	sshrl.u32 s2, $0x1  }
0x7: {  	s4 =	sshll.u32 s3, $0x12;
	s3 =	sshll.u32 s3, $0xD;
	s11 =	ssub.s32 s2, s10  }
0x8: {  	s12 =	sadd.s32 s1, s4;
	s0 =	sadd.s32 s0, s3;
	s26 =	smax.u32 s11, $0x1  }
0x9: {  	[dreg:$0x4] =	wrdreg s0;
	s18 =	sadd.s32 $0x10, s12;
	s19 =	sadd.s32 $0x20, s12  }
0xa: {  	s20 =	sadd.s32 $0x30, s12;
	s21 =	sadd.s32 $0x40, s12;
	s22 =	sadd.s32 $0x50, s12  }
0xb: {  	s23 =	sadd.s32 $0x60, s12;
	s24 =	sadd.s32 $0x70, s12;
	[dreg:$0xd] =	wrdreg s26  }
0xc: {  	s25 =	sadd.s32 $0x400, s12;
	s13 =	sadd.s32 $0x410, s12;
	[dreg:$0x3] =	wrdreg s12  }
0xd: {  	s14 =	sadd.s32 $0x420, s12;
	s15 =	sadd.s32 $0x430, s12;
	[dreg:$0x5] =	wrdreg s18  }
0xe: {  	s16 =	sadd.s32 $0x440, s12;
	s17 =	sadd.s32 $0x450, s12;
	[dreg:$0x6] =	wrdreg s19  }
0xf: {  	s26 =	sadd.s32 $0x850, s12;
	s28 =	sadd.s32 $0x860, s12;
	[dreg:$0x7] =	wrdreg s20  }
0x10: {  	s29 =	sadd.s32 $0x870, s12;
	s30 =	sadd.s32 $0xC00, s12;
	[dreg:$0x8] =	wrdreg s21  }
0x11: {  	s31 =	sadd.s32 $0xC10, s12;
	s0 =	sadd.s32 $0xC20, s12;
	[dreg:$0x9] =	wrdreg s22  }
0x12: {  	s1 =	sadd.s32 $0xC30, s12;
	s2 =	sadd.s32 $0xC40, s12;
	[dreg:$0xa] =	wrdreg s23  }
0x13: {  	s4 =	sadd.s32 $0xC50, s12;
	s3 =	sadd.s32 $0xC70, s12;
	[dreg:$0xb] =	wrdreg s24  }
0x14: {  	[dreg:$0xc] =	wrdreg s25;
	s18 =	sadd.s32 $0x460, s12;
	s19 =	sadd.s32 $0x470, s12  }
0x15: {  	s20 =	sadd.s32 $0x800, s12;
	s21 =	sadd.s32 $0x810, s12;
	s22 =	sadd.s32 $0x820, s12  }
0x16: {  	s23 =	sadd.s32 $0x830, s12;
	s24 =	sadd.s32 $0x840, s12;
	s25 =	sadd.s32 $0xC60, s12  }
.LBB2_1:
0x17: {  	[dreg:$0xe] =	wrdreg s9  }
0x18: {  	s7 =	simm.s32 $0x0;
	s8 =	rddreg [dreg:$0x4];
	s11 =	simm.s32 $0x2  }
0x19: {  	[tilespmem:s7], [sflag:$0x2] =	stream.linear.gather [hbm4b:s8+s7], $0x10000, $0x38;
	[tilespmem:$0x10000] =	vst v63  }
0x1a: {  	_ =	swait.ge [sflag:s11], $0x10000  }
0x1b: {  	[sflag:s11] =	ssyncset.done $0x0  }
0x1c: {  	s9 =	sadd.s32 $0x0, s12;
	s8 =	simm.s32 $0x0;
	[sflag:s11] =	ssyncadd.s32 $0xFFFF0000  }
0x1d: {  	[hbm4b:s9+s5] =	stream.strided.scatter [tilespmem:s8], [sflag:$0x1], $0x400, s6, s5, $0x38;
	[tilespmem:$0x10000] =	vst v63  }
0x1e: {  	s10 =	simm.s32 $0x400;
	s11 =	sadd.s32 $0x80, s9  }
0x1f: {  	[hbm4b:s11+s5] =	stream.strided.scatter [tilespmem:s10], [sflag:$0x1], $0x400, s6, s5, $0x38;
	[tilespmem:$0x10000] =	vst v63  }
0x20: {  	s10 =	simm.s32 $0x800;
	s11 =	sadd.s32 $0x100, s9  }
0x21: {  	[hbm4b:s11+s5] =	stream.strided.scatter [tilespmem:s10], [sflag:$0x1], $0x400, s6, s5, $0x38;
	[tilespmem:$0x10000] =	vst v63  }
0x22: {  	s10 =	simm.s32 $0xC00;
	s11 =	sadd.s32 $0x180, s9  }
0x23: {  	[hbm4b:s11+s5] =	stream.strided.scatter [tilespmem:s10], [sflag:$0x1], $0x400, s6, s5, $0x38;
	[tilespmem:$0x10000] =	vst v63  }
0x24: {  	s7 =	simm.s32 $0x8000;
	s10 =	simm.s32 $0x1000;
	s11 =	sadd.s32 $0x200, s9  }
0x25: {  	[hbm4b:s11+s5] =	stream.strided.scatter [tilespmem:s10], [sflag:$0x1], $0x400, s6, s5, $0x38;
	[tilespmem:$0x10000] =	vst v63  }
0x26: {  	s8 =	simm.s32 $0x1C00;
	s10 =	simm.s32 $0x1400;
	s11 =	sadd.s32 $0x280, s9  }
0x27: {  	[hbm4b:s11+s5] =	stream.strided.scatter [tilespmem:s10], [sflag:$0x1], $0x400, s6, s5, $0x38;
	[tilespmem:$0x10000] =	vst v63  }
0x28: {  	s10 =	simm.s32 $0x1800;
	s11 =	sadd.s32 $0x300, s9;
	s9 =	sadd.s32 $0x380, s9  }
0x29: {  	[hbm4b:s11+s5] =	stream.strided.scatter [tilespmem:s10], [sflag:$0x1], $0x400, s6, s5, $0x38;
	[tilespmem:$0x10000] =	vst v63  }
.LBB2_2:
0x2a: {  	[hbm4b:s9+s5] =	stream.strided.scatter [tilespmem:s8], [sflag:$0x1], $0x400, s6, s5, $0x38;
	[tilespmem:$0x10000] =	vst v63  }
0x2b: {  	s8 =	sshra.s32 s7, $0x2;
	s9 =	sadd.s32 s7, s12;
	p0 =	sne.s32 s7, $0x38000  }
0x2c: {  	[hbm4b:s9+s5] =	stream.strided.scatter [tilespmem:s8], [sflag:$0x1], $0x400, s6, s5, $0x38;
	[tilespmem:$0x10000] =	vst v63  }
0x2d: {  	s7 =	sadd.s32 $0x8000, s7;
	s10 =	sadd.s32 $0x400, s8;
	s11 =	sadd.s32 $0x80, s9  }
0x2e: {  	[hbm4b:s11+s5] =	stream.strided.scatter [tilespmem:s10], [sflag:$0x1], $0x400, s6, s5, $0x38;
	[tilespmem:$0x10000] =	vst v63  }
0x2f: {  	s10 =	sadd.s32 $0x800, s8;
	s11 =	sadd.s32 $0x100, s9  }
0x30: {  	[hbm4b:s11+s5] =	stream.strided.scatter [tilespmem:s10], [sflag:$0x1], $0x400, s6, s5, $0x38;
	[tilespmem:$0x10000] =	vst v63  }
0x31: {  	s10 =	sadd.s32 $0xC00, s8;
	s11 =	sadd.s32 $0x180, s9  }
0x32: {  	[hbm4b:s11+s5] =	stream.strided.scatter [tilespmem:s10], [sflag:$0x1], $0x400, s6, s5, $0x38;
	[tilespmem:$0x10000] =	vst v63  }
0x33: {  	s10 =	sadd.s32 $0x1000, s8;
	s11 =	sadd.s32 $0x200, s9  }
0x34: {  	[hbm4b:s11+s5] =	stream.strided.scatter [tilespmem:s10], [sflag:$0x1], $0x400, s6, s5, $0x38;
	[tilespmem:$0x10000] =	vst v63  }
.Ltmp0:
0x35: {  	s10 =	sadd.s32 $0x1400, s8;
	s11 =	sadd.s32 $0x280, s9;
	(pc) =	sbr.rel @p0 .LBB2_2-.Ltmp0, $4  }
0x36: {  	[hbm4b:s11+s5] =	stream.strided.scatter [tilespmem:s10], [sflag:$0x1], $0x400, s6, s5, $0x38;
	[tilespmem:$0x10000] =	vst v63  }
0x37: {  	s10 =	sadd.s32 $0x1800, s8;
	s11 =	sadd.s32 $0x300, s9  }
0x38: {  	[hbm4b:s11+s5] =	stream.strided.scatter [tilespmem:s10], [sflag:$0x1], $0x400, s6, s5, $0x38;
	[tilespmem:$0x10000] =	vst v63  }
0x39: {  	s8 =	sadd.s32 $0x1C00, s8;
	s9 =	sadd.s32 $0x380, s9  }
0x3a: {  	[hbm4b:s9+s5] =	stream.strided.scatter [tilespmem:s8], [sflag:$0x1], $0x400, s6, s5, $0x38;
	[tilespmem:$0x10000] =	vst v63  }
0x3b: {  	s12 =	rddreg [dreg:$0x5]  }
0x3c: {  	s7 =	simm.s32 $0x0;
	s9 =	sadd.s32 $0x0, s12  }
0x3d: {  	[hbm4b:s9+s5] =	stream.strided.scatter [tilespmem:s7], [sflag:$0x1], $0x400, s6, s5, $0x38;
	[tilespmem:$0x10000] =	vst v63  }
0x3e: {  	s10 =	simm.s32 $0x400;
	s11 =	sadd.s32 $0x80, s9  }
0x3f: {  	[hbm4b:s11+s5] =	stream.strided.scatter [tilespmem:s10], [sflag:$0x1], $0x400, s6, s5, $0x38;
	[tilespmem:$0x10000] =	vst v63  }
0x40: {  	s10 =	simm.s32 $0x800;
	s11 =	sadd.s32 $0x100, s9  }
0x41: {  	[hbm4b:s11+s5] =	stream.strided.scatter [tilespmem:s10], [sflag:$0x1], $0x400, s6, s5, $0x38;
	[tilespmem:$0x10000] =	vst v63  }
0x42: {  	s10 =	simm.s32 $0xC00;
	s11 =	sadd.s32 $0x180, s9  }
0x43: {  	[hbm4b:s11+s5] =	stream.strided.scatter [tilespmem:s10], [sflag:$0x1], $0x400, s6, s5, $0x38;
	[tilespmem:$0x10000] =	vst v63  }
0x44: {  	s8 =	simm.s32 $0x1C00;
	s10 =	simm.s32 $0x1000;
	s11 =	sadd.s32 $0x200, s9  }
0x45: {  	[hbm4b:s11+s5] =	stream.strided.scatter [tilespmem:s10], [sflag:$0x1], $0x400, s6, s5, $0x38;
	[tilespmem:$0x10000] =	vst v63  }
0x46: {  	s7 =	simm.s32 $0x8000;
	s10 =	simm.s32 $0x1400;
	s11 =	sadd.s32 $0x280, s9  }
0x47: {  	[hbm4b:s11+s5] =	stream.strided.scatter [tilespmem:s10], [sflag:$0x1], $0x400, s6, s5, $0x38;
	[tilespmem:$0x10000] =	vst v63  }
0x48: {  	s10 =	simm.s32 $0x1800;
	s11 =	sadd.s32 $0x300, s9;
	s9 =	sadd.s32 $0x380, s9  }
0x49: {  	[hbm4b:s11+s5] =	stream.strided.scatter [tilespmem:s10], [sflag:$0x1], $0x400, s6, s5, $0x38;
	[tilespmem:$0x10000] =	vst v63  }
.LBB2_4:
0x4a: {  	[hbm4b:s9+s5] =	stream.strided.scatter [tilespmem:s8], [sflag:$0x1], $0x400, s6, s5, $0x38;
	[tilespmem:$0x10000] =	vst v63  }
0x4b: {  	s8 =	sshra.s32 s7, $0x2;
	s9 =	sadd.s32 s7, s12;
	p0 =	sne.s32 s7, $0x38000  }
0x4c: {  	[hbm4b:s9+s5] =	stream.strided.scatter [tilespmem:s8], [sflag:$0x1], $0x400, s6, s5, $0x38;
	[tilespmem:$0x10000] =	vst v63  }
0x4d: {  	s7 =	sadd.s32 $0x8000, s7;
	s10 =	sadd.s32 $0x400, s8;
	s11 =	sadd.s32 $0x80, s9  }
0x4e: {  	[hbm4b:s11+s5] =	stream.strided.scatter [tilespmem:s10], [sflag:$0x1], $0x400, s6, s5, $0x38;
	[tilespmem:$0x10000] =	vst v63  }
0x4f: {  	s10 =	sadd.s32 $0x800, s8;
	s11 =	sadd.s32 $0x100, s9  }
0x50: {  	[hbm4b:s11+s5] =	stream.strided.scatter [tilespmem:s10], [sflag:$0x1], $0x400, s6, s5, $0x38;
	[tilespmem:$0x10000] =	vst v63  }
0x51: {  	s10 =	sadd.s32 $0xC00, s8;
	s11 =	sadd.s32 $0x180, s9  }
0x52: {  	[hbm4b:s11+s5] =	stream.strided.scatter [tilespmem:s10], [sflag:$0x1], $0x400, s6, s5, $0x38;
	[tilespmem:$0x10000] =	vst v63  }
0x53: {  	s10 =	sadd.s32 $0x1000, s8;
	s11 =	sadd.s32 $0x200, s9  }
0x54: {  	[hbm4b:s11+s5] =	stream.strided.scatter [tilespmem:s10], [sflag:$0x1], $0x400, s6, s5, $0x38;
	[tilespmem:$0x10000] =	vst v63  }
.Ltmp1:
0x55: {  	s10 =	sadd.s32 $0x1400, s8;
	s11 =	sadd.s32 $0x280, s9;
	(pc) =	sbr.rel @p0 .LBB2_4-.Ltmp1, $4  }
0x56: {  	[hbm4b:s11+s5] =	stream.strided.scatter [tilespmem:s10], [sflag:$0x1], $0x400, s6, s5, $0x38;
	[tilespmem:$0x10000] =	vst v63  }
0x57: {  	s10 =	sadd.s32 $0x1800, s8;
	s11 =	sadd.s32 $0x300, s9  }
0x58: {  	[hbm4b:s11+s5] =	stream.strided.scatter [tilespmem:s10], [sflag:$0x1], $0x400, s6, s5, $0x38;
	[tilespmem:$0x10000] =	vst v63  }
0x59: {  	s8 =	sadd.s32 $0x1C00, s8;
	s9 =	sadd.s32 $0x380, s9  }
0x5a: {  	[hbm4b:s9+s5] =	stream.strided.scatter [tilespmem:s8], [sflag:$0x1], $0x400, s6, s5, $0x38;
	[tilespmem:$0x10000] =	vst v63  }
0x5b: {  	s12 =	rddreg [dreg:$0x6]  }
0x5c: {  	s7 =	simm.s32 $0x0;
	s9 =	sadd.s32 $0x0, s12  }
0x5d: {  	[hbm4b:s9+s5] =	stream.strided.scatter [tilespmem:s7], [sflag:$0x1], $0x400, s6, s5, $0x38;
	[tilespmem:$0x10000] =	vst v63  }
0x5e: {  	s10 =	simm.s32 $0x400;
	s11 =	sadd.s32 $0x80, s9  }
0x5f: {  	[hbm4b:s11+s5] =	stream.strided.scatter [tilespmem:s10], [sflag:$0x1], $0x400, s6, s5, $0x38;
	[tilespmem:$0x10000] =	vst v63  }
0x60: {  	s10 =	simm.s32 $0x800;
	s11 =	sadd.s32 $0x100, s9  }
0x61: {  	[hbm4b:s11+s5] =	stream.strided.scatter [tilespmem:s10], [sflag:$0x1], $0x400, s6, s5, $0x38;
	[tilespmem:$0x10000] =	vst v63  }
0x62: {  	s10 =	simm.s32 $0xC00;
	s11 =	sadd.s32 $0x180, s9  }
0x63: {  	[hbm4b:s11+s5] =	stream.strided.scatter [tilespmem:s10], [sflag:$0x1], $0x400, s6, s5, $0x38;
	[tilespmem:$0x10000] =	vst v63  }
0x64: {  	s8 =	simm.s32 $0x1C00;
	s10 =	simm.s32 $0x1000;
	s11 =	sadd.s32 $0x200, s9  }
0x65: {  	[hbm4b:s11+s5] =	stream.strided.scatter [tilespmem:s10], [sflag:$0x1], $0x400, s6, s5, $0x38;
	[tilespmem:$0x10000] =	vst v63  }
0x66: {  	s7 =	simm.s32 $0x8000;
	s10 =	simm.s32 $0x1400;
	s11 =	sadd.s32 $0x280, s9  }
0x67: {  	[hbm4b:s11+s5] =	stream.strided.scatter [tilespmem:s10], [sflag:$0x1], $0x400, s6, s5, $0x38;
	[tilespmem:$0x10000] =	vst v63  }
0x68: {  	s10 =	simm.s32 $0x1800;
	s11 =	sadd.s32 $0x300, s9;
	s9 =	sadd.s32 $0x380, s9  }
0x69: {  	[hbm4b:s11+s5] =	stream.strided.scatter [tilespmem:s10], [sflag:$0x1], $0x400, s6, s5, $0x38;
	[tilespmem:$0x10000] =	vst v63  }
.LBB2_6:
0x6a: {  	[hbm4b:s9+s5] =	stream.strided.scatter [tilespmem:s8], [sflag:$0x1], $0x400, s6, s5, $0x38;
	[tilespmem:$0x10000] =	vst v63  }
0x6b: {  	s8 =	sshra.s32 s7, $0x2;
	s9 =	sadd.s32 s7, s12;
	p0 =	sne.s32 s7, $0x38000  }
0x6c: {  	[hbm4b:s9+s5] =	stream.strided.scatter [tilespmem:s8], [sflag:$0x1], $0x400, s6, s5, $0x38;
	[tilespmem:$0x10000] =	vst v63  }
0x6d: {  	s7 =	sadd.s32 $0x8000, s7;
	s10 =	sadd.s32 $0x400, s8;
	s11 =	sadd.s32 $0x80, s9  }
0x6e: {  	[hbm4b:s11+s5] =	stream.strided.scatter [tilespmem:s10], [sflag:$0x1], $0x400, s6, s5, $0x38;
	[tilespmem:$0x10000] =	vst v63  }
0x6f: {  	s10 =	sadd.s32 $0x800, s8;
	s11 =	sadd.s32 $0x100, s9  }
0x70: {  	[hbm4b:s11+s5] =	stream.strided.scatter [tilespmem:s10], [sflag:$0x1], $0x400, s6, s5, $0x38;
	[tilespmem:$0x10000] =	vst v63  }
0x71: {  	s10 =	sadd.s32 $0xC00, s8;
	s11 =	sadd.s32 $0x180, s9  }
0x72: {  	[hbm4b:s11+s5] =	stream.strided.scatter [tilespmem:s10], [sflag:$0x1], $0x400, s6, s5, $0x38;
	[tilespmem:$0x10000] =	vst v63  }
0x73: {  	s10 =	sadd.s32 $0x1000, s8;
	s11 =	sadd.s32 $0x200, s9  }
0x74: {  	[hbm4b:s11+s5] =	stream.strided.scatter [tilespmem:s10], [sflag:$0x1], $0x400, s6, s5, $0x38;
	[tilespmem:$0x10000] =	vst v63  }
.Ltmp2:
0x75: {  	s10 =	sadd.s32 $0x1400, s8;
	s11 =	sadd.s32 $0x280, s9;
	(pc) =	sbr.rel @p0 .LBB2_6-.Ltmp2, $4  }
0x76: {  	[hbm4b:s11+s5] =	stream.strided.scatter [tilespmem:s10], [sflag:$0x1], $0x400, s6, s5, $0x38;
	[tilespmem:$0x10000] =	vst v63  }
0x77: {  	s10 =	sadd.s32 $0x1800, s8;
	s11 =	sadd.s32 $0x300, s9  }
0x78: {  	[hbm4b:s11+s5] =	stream.strided.scatter [tilespmem:s10], [sflag:$0x1], $0x400, s6, s5, $0x38;
	[tilespmem:$0x10000] =	vst v63  }
0x79: {  	s8 =	sadd.s32 $0x1C00, s8;
	s9 =	sadd.s32 $0x380, s9  }
0x7a: {  	[hbm4b:s9+s5] =	stream.strided.scatter [tilespmem:s8], [sflag:$0x1], $0x400, s6, s5, $0x38;
	[tilespmem:$0x10000] =	vst v63  }
0x7b: {  	s12 =	rddreg [dreg:$0x7]  }
0x7c: {  	s7 =	simm.s32 $0x0;
	s9 =	sadd.s32 $0x0, s12  }
0x7d: {  	[hbm4b:s9+s5] =	stream.strided.scatter [tilespmem:s7], [sflag:$0x1], $0x400, s6, s5, $0x38;
	[tilespmem:$0x10000] =	vst v63  }
0x7e: {  	s10 =	simm.s32 $0x400;
	s11 =	sadd.s32 $0x80, s9  }
0x7f: {  	[hbm4b:s11+s5] =	stream.strided.scatter [tilespmem:s10], [sflag:$0x1], $0x400, s6, s5, $0x38;
	[tilespmem:$0x10000] =	vst v63  }
0x80: {  	s10 =	simm.s32 $0x800;
	s11 =	sadd.s32 $0x100, s9  }
0x81: {  	[hbm4b:s11+s5] =	stream.strided.scatter [tilespmem:s10], [sflag:$0x1], $0x400, s6, s5, $0x38;
	[tilespmem:$0x10000] =	vst v63  }
0x82: {  	s10 =	simm.s32 $0xC00;
	s11 =	sadd.s32 $0x180, s9  }
0x83: {  	[hbm4b:s11+s5] =	stream.strided.scatter [tilespmem:s10], [sflag:$0x1], $0x400, s6, s5, $0x38;
	[tilespmem:$0x10000] =	vst v63  }
0x84: {  	s8 =	simm.s32 $0x1C00;
	s10 =	simm.s32 $0x1000;
	s11 =	sadd.s32 $0x200, s9  }
0x85: {  	[hbm4b:s11+s5] =	stream.strided.scatter [tilespmem:s10], [sflag:$0x1], $0x400, s6, s5, $0x38;
	[tilespmem:$0x10000] =	vst v63  }
0x86: {  	s7 =	simm.s32 $0x8000;
	s10 =	simm.s32 $0x1400;
	s11 =	sadd.s32 $0x280, s9  }
0x87: {  	[hbm4b:s11+s5] =	stream.strided.scatter [tilespmem:s10], [sflag:$0x1], $0x400, s6, s5, $0x38;
	[tilespmem:$0x10000] =	vst v63  }
0x88: {  	s10 =	simm.s32 $0x1800;
	s11 =	sadd.s32 $0x300, s9;
	s9 =	sadd.s32 $0x380, s9  }
0x89: {  	[hbm4b:s11+s5] =	stream.strided.scatter [tilespmem:s10], [sflag:$0x1], $0x400, s6, s5, $0x38;
	[tilespmem:$0x10000] =	vst v63  }
.LBB2_8:
0x8a: {  	[hbm4b:s9+s5] =	stream.strided.scatter [tilespmem:s8], [sflag:$0x1], $0x400, s6, s5, $0x38;
	[tilespmem:$0x10000] =	vst v63  }
0x8b: {  	s8 =	sshra.s32 s7, $0x2;
	s9 =	sadd.s32 s7, s12;
	p0 =	sne.s32 s7, $0x38000  }
0x8c: {  	[hbm4b:s9+s5] =	stream.strided.scatter [tilespmem:s8], [sflag:$0x1], $0x400, s6, s5, $0x38;
	[tilespmem:$0x10000] =	vst v63  }
0x8d: {  	s7 =	sadd.s32 $0x8000, s7;
	s10 =	sadd.s32 $0x400, s8;
	s11 =	sadd.s32 $0x80, s9  }
0x8e: {  	[hbm4b:s11+s5] =	stream.strided.scatter [tilespmem:s10], [sflag:$0x1], $0x400, s6, s5, $0x38;
	[tilespmem:$0x10000] =	vst v63  }
0x8f: {  	s10 =	sadd.s32 $0x800, s8;
	s11 =	sadd.s32 $0x100, s9  }
0x90: {  	[hbm4b:s11+s5] =	stream.strided.scatter [tilespmem:s10], [sflag:$0x1], $0x400, s6, s5, $0x38;
	[tilespmem:$0x10000] =	vst v63  }
0x91: {  	s10 =	sadd.s32 $0xC00, s8;
	s11 =	sadd.s32 $0x180, s9  }
0x92: {  	[hbm4b:s11+s5] =	stream.strided.scatter [tilespmem:s10], [sflag:$0x1], $0x400, s6, s5, $0x38;
	[tilespmem:$0x10000] =	vst v63  }
0x93: {  	s10 =	sadd.s32 $0x1000, s8;
	s11 =	sadd.s32 $0x200, s9  }
0x94: {  	[hbm4b:s11+s5] =	stream.strided.scatter [tilespmem:s10], [sflag:$0x1], $0x400, s6, s5, $0x38;
	[tilespmem:$0x10000] =	vst v63  }
.Ltmp3:
0x95: {  	s10 =	sadd.s32 $0x1400, s8;
	s11 =	sadd.s32 $0x280, s9;
	(pc) =	sbr.rel @p0 .LBB2_8-.Ltmp3, $4  }
0x96: {  	[hbm4b:s11+s5] =	stream.strided.scatter [tilespmem:s10], [sflag:$0x1], $0x400, s6, s5, $0x38;
	[tilespmem:$0x10000] =	vst v63  }
0x97: {  	s10 =	sadd.s32 $0x1800, s8;
	s11 =	sadd.s32 $0x300, s9  }
0x98: {  	[hbm4b:s11+s5] =	stream.strided.scatter [tilespmem:s10], [sflag:$0x1], $0x400, s6, s5, $0x38;
	[tilespmem:$0x10000] =	vst v63  }
0x99: {  	s8 =	sadd.s32 $0x1C00, s8;
	s9 =	sadd.s32 $0x380, s9  }
0x9a: {  	[hbm4b:s9+s5] =	stream.strided.scatter [tilespmem:s8], [sflag:$0x1], $0x400, s6, s5, $0x38;
	[tilespmem:$0x10000] =	vst v63  }
0x9b: {  	s12 =	rddreg [dreg:$0x8]  }
0x9c: {  	s7 =	simm.s32 $0x0;
	s9 =	sadd.s32 $0x0, s12  }
0x9d: {  	[hbm4b:s9+s5] =	stream.strided.scatter [tilespmem:s7], [sflag:$0x1], $0x400, s6, s5, $0x38;
	[tilespmem:$0x10000] =	vst v63  }
0x9e: {  	s10 =	simm.s32 $0x400;
	s11 =	sadd.s32 $0x80, s9  }
0x9f: {  	[hbm4b:s11+s5] =	stream.strided.scatter [tilespmem:s10], [sflag:$0x1], $0x400, s6, s5, $0x38;
	[tilespmem:$0x10000] =	vst v63  }
0xa0: {  	s10 =	simm.s32 $0x800;
	s11 =	sadd.s32 $0x100, s9  }
0xa1: {  	[hbm4b:s11+s5] =	stream.strided.scatter [tilespmem:s10], [sflag:$0x1], $0x400, s6, s5, $0x38;
	[tilespmem:$0x10000] =	vst v63  }
0xa2: {  	s10 =	simm.s32 $0xC00;
	s11 =	sadd.s32 $0x180, s9  }
0xa3: {  	[hbm4b:s11+s5] =	stream.strided.scatter [tilespmem:s10], [sflag:$0x1], $0x400, s6, s5, $0x38;
	[tilespmem:$0x10000] =	vst v63  }
0xa4: {  	s8 =	simm.s32 $0x1C00;
	s10 =	simm.s32 $0x1000;
	s11 =	sadd.s32 $0x200, s9  }
0xa5: {  	[hbm4b:s11+s5] =	stream.strided.scatter [tilespmem:s10], [sflag:$0x1], $0x400, s6, s5, $0x38;
	[tilespmem:$0x10000] =	vst v63  }
0xa6: {  	s7 =	simm.s32 $0x8000;
	s10 =	simm.s32 $0x1400;
	s11 =	sadd.s32 $0x280, s9  }
0xa7: {  	[hbm4b:s11+s5] =	stream.strided.scatter [tilespmem:s10], [sflag:$0x1], $0x400, s6, s5, $0x38;
	[tilespmem:$0x10000] =	vst v63  }
0xa8: {  	s10 =	simm.s32 $0x1800;
	s11 =	sadd.s32 $0x300, s9;
	s9 =	sadd.s32 $0x380, s9  }
0xa9: {  	[hbm4b:s11+s5] =	stream.strided.scatter [tilespmem:s10], [sflag:$0x1], $0x400, s6, s5, $0x38;
	[tilespmem:$0x10000] =	vst v63  }
.LBB2_10:
0xaa: {  	[hbm4b:s9+s5] =	stream.strided.scatter [tilespmem:s8], [sflag:$0x1], $0x400, s6, s5, $0x38;
	[tilespmem:$0x10000] =	vst v63  }
0xab: {  	s8 =	sshra.s32 s7, $0x2;
	s9 =	sadd.s32 s7, s12;
	p0 =	sne.s32 s7, $0x38000  }
0xac: {  	[hbm4b:s9+s5] =	stream.strided.scatter [tilespmem:s8], [sflag:$0x1], $0x400, s6, s5, $0x38;
	[tilespmem:$0x10000] =	vst v63  }
0xad: {  	s7 =	sadd.s32 $0x8000, s7;
	s10 =	sadd.s32 $0x400, s8;
	s11 =	sadd.s32 $0x80, s9  }
0xae: {  	[hbm4b:s11+s5] =	stream.strided.scatter [tilespmem:s10], [sflag:$0x1], $0x400, s6, s5, $0x38;
	[tilespmem:$0x10000] =	vst v63  }
0xaf: {  	s10 =	sadd.s32 $0x800, s8;
	s11 =	sadd.s32 $0x100, s9  }
0xb0: {  	[hbm4b:s11+s5] =	stream.strided.scatter [tilespmem:s10], [sflag:$0x1], $0x400, s6, s5, $0x38;
	[tilespmem:$0x10000] =	vst v63  }
0xb1: {  	s10 =	sadd.s32 $0xC00, s8;
	s11 =	sadd.s32 $0x180, s9  }
0xb2: {  	[hbm4b:s11+s5] =	stream.strided.scatter [tilespmem:s10], [sflag:$0x1], $0x400, s6, s5, $0x38;
	[tilespmem:$0x10000] =	vst v63  }
0xb3: {  	s10 =	sadd.s32 $0x1000, s8;
	s11 =	sadd.s32 $0x200, s9  }
0xb4: {  	[hbm4b:s11+s5] =	stream.strided.scatter [tilespmem:s10], [sflag:$0x1], $0x400, s6, s5, $0x38;
	[tilespmem:$0x10000] =	vst v63  }
.Ltmp4:
0xb5: {  	s10 =	sadd.s32 $0x1400, s8;
	s11 =	sadd.s32 $0x280, s9;
	(pc) =	sbr.rel @p0 .LBB2_10-.Ltmp4, $4  }
0xb6: {  	[hbm4b:s11+s5] =	stream.strided.scatter [tilespmem:s10], [sflag:$0x1], $0x400, s6, s5, $0x38;
	[tilespmem:$0x10000] =	vst v63  }
0xb7: {  	s10 =	sadd.s32 $0x1800, s8;
	s11 =	sadd.s32 $0x300, s9  }
0xb8: {  	[hbm4b:s11+s5] =	stream.strided.scatter [tilespmem:s10], [sflag:$0x1], $0x400, s6, s5, $0x38;
	[tilespmem:$0x10000] =	vst v63  }
0xb9: {  	s8 =	sadd.s32 $0x1C00, s8;
	s9 =	sadd.s32 $0x380, s9  }
0xba: {  	[hbm4b:s9+s5] =	stream.strided.scatter [tilespmem:s8], [sflag:$0x1], $0x400, s6, s5, $0x38;
	[tilespmem:$0x10000] =	vst v63  }
0xbb: {  	s12 =	rddreg [dreg:$0x9]  }
0xbc: {  	s7 =	simm.s32 $0x0;
	s9 =	sadd.s32 $0x0, s12  }
0xbd: {  	[hbm4b:s9+s5] =	stream.strided.scatter [tilespmem:s7], [sflag:$0x1], $0x400, s6, s5, $0x38;
	[tilespmem:$0x10000] =	vst v63  }
0xbe: {  	s10 =	simm.s32 $0x400;
	s11 =	sadd.s32 $0x80, s9  }
0xbf: {  	[hbm4b:s11+s5] =	stream.strided.scatter [tilespmem:s10], [sflag:$0x1], $0x400, s6, s5, $0x38;
	[tilespmem:$0x10000] =	vst v63  }
0xc0: {  	s10 =	simm.s32 $0x800;
	s11 =	sadd.s32 $0x100, s9  }
0xc1: {  	[hbm4b:s11+s5] =	stream.strided.scatter [tilespmem:s10], [sflag:$0x1], $0x400, s6, s5, $0x38;
	[tilespmem:$0x10000] =	vst v63  }
0xc2: {  	s10 =	simm.s32 $0xC00;
	s11 =	sadd.s32 $0x180, s9  }
0xc3: {  	[hbm4b:s11+s5] =	stream.strided.scatter [tilespmem:s10], [sflag:$0x1], $0x400, s6, s5, $0x38;
	[tilespmem:$0x10000] =	vst v63  }
0xc4: {  	s8 =	simm.s32 $0x1C00;
	s10 =	simm.s32 $0x1000;
	s11 =	sadd.s32 $0x200, s9  }
0xc5: {  	[hbm4b:s11+s5] =	stream.strided.scatter [tilespmem:s10], [sflag:$0x1], $0x400, s6, s5, $0x38;
	[tilespmem:$0x10000] =	vst v63  }
0xc6: {  	s7 =	simm.s32 $0x8000;
	s10 =	simm.s32 $0x1400;
	s11 =	sadd.s32 $0x280, s9  }
0xc7: {  	[hbm4b:s11+s5] =	stream.strided.scatter [tilespmem:s10], [sflag:$0x1], $0x400, s6, s5, $0x38;
	[tilespmem:$0x10000] =	vst v63  }
0xc8: {  	s10 =	simm.s32 $0x1800;
	s11 =	sadd.s32 $0x300, s9;
	s9 =	sadd.s32 $0x380, s9  }
0xc9: {  	[hbm4b:s11+s5] =	stream.strided.scatter [tilespmem:s10], [sflag:$0x1], $0x400, s6, s5, $0x38;
	[tilespmem:$0x10000] =	vst v63  }
.LBB2_12:
0xca: {  	[hbm4b:s9+s5] =	stream.strided.scatter [tilespmem:s8], [sflag:$0x1], $0x400, s6, s5, $0x38;
	[tilespmem:$0x10000] =	vst v63  }
0xcb: {  	s8 =	sshra.s32 s7, $0x2;
	s9 =	sadd.s32 s7, s12;
	p0 =	sne.s32 s7, $0x38000  }
0xcc: {  	[hbm4b:s9+s5] =	stream.strided.scatter [tilespmem:s8], [sflag:$0x1], $0x400, s6, s5, $0x38;
	[tilespmem:$0x10000] =	vst v63  }
0xcd: {  	s7 =	sadd.s32 $0x8000, s7;
	s10 =	sadd.s32 $0x400, s8;
	s11 =	sadd.s32 $0x80, s9  }
0xce: {  	[hbm4b:s11+s5] =	stream.strided.scatter [tilespmem:s10], [sflag:$0x1], $0x400, s6, s5, $0x38;
	[tilespmem:$0x10000] =	vst v63  }
0xcf: {  	s10 =	sadd.s32 $0x800, s8;
	s11 =	sadd.s32 $0x100, s9  }
0xd0: {  	[hbm4b:s11+s5] =	stream.strided.scatter [tilespmem:s10], [sflag:$0x1], $0x400, s6, s5, $0x38;
	[tilespmem:$0x10000] =	vst v63  }
0xd1: {  	s10 =	sadd.s32 $0xC00, s8;
	s11 =	sadd.s32 $0x180, s9  }
0xd2: {  	[hbm4b:s11+s5] =	stream.strided.scatter [tilespmem:s10], [sflag:$0x1], $0x400, s6, s5, $0x38;
	[tilespmem:$0x10000] =	vst v63  }
0xd3: {  	s10 =	sadd.s32 $0x1000, s8;
	s11 =	sadd.s32 $0x200, s9  }
0xd4: {  	[hbm4b:s11+s5] =	stream.strided.scatter [tilespmem:s10], [sflag:$0x1], $0x400, s6, s5, $0x38;
	[tilespmem:$0x10000] =	vst v63  }
.Ltmp5:
0xd5: {  	s10 =	sadd.s32 $0x1400, s8;
	s11 =	sadd.s32 $0x280, s9;
	(pc) =	sbr.rel @p0 .LBB2_12-.Ltmp5, $4  }
0xd6: {  	[hbm4b:s11+s5] =	stream.strided.scatter [tilespmem:s10], [sflag:$0x1], $0x400, s6, s5, $0x38;
	[tilespmem:$0x10000] =	vst v63  }
0xd7: {  	s10 =	sadd.s32 $0x1800, s8;
	s11 =	sadd.s32 $0x300, s9  }
0xd8: {  	[hbm4b:s11+s5] =	stream.strided.scatter [tilespmem:s10], [sflag:$0x1], $0x400, s6, s5, $0x38;
	[tilespmem:$0x10000] =	vst v63  }
0xd9: {  	s8 =	sadd.s32 $0x1C00, s8;
	s9 =	sadd.s32 $0x380, s9  }
0xda: {  	[hbm4b:s9+s5] =	stream.strided.scatter [tilespmem:s8], [sflag:$0x1], $0x400, s6, s5, $0x38;
	[tilespmem:$0x10000] =	vst v63  }
0xdb: {  	s12 =	rddreg [dreg:$0xa]  }
0xdc: {  	s7 =	simm.s32 $0x0;
	s9 =	sadd.s32 $0x0, s12  }
0xdd: {  	[hbm4b:s9+s5] =	stream.strided.scatter [tilespmem:s7], [sflag:$0x1], $0x400, s6, s5, $0x38;
	[tilespmem:$0x10000] =	vst v63  }
0xde: {  	s10 =	simm.s32 $0x400;
	s11 =	sadd.s32 $0x80, s9  }
0xdf: {  	[hbm4b:s11+s5] =	stream.strided.scatter [tilespmem:s10], [sflag:$0x1], $0x400, s6, s5, $0x38;
	[tilespmem:$0x10000] =	vst v63  }
0xe0: {  	s10 =	simm.s32 $0x800;
	s11 =	sadd.s32 $0x100, s9  }
0xe1: {  	[hbm4b:s11+s5] =	stream.strided.scatter [tilespmem:s10], [sflag:$0x1], $0x400, s6, s5, $0x38;
	[tilespmem:$0x10000] =	vst v63  }
0xe2: {  	s10 =	simm.s32 $0xC00;
	s11 =	sadd.s32 $0x180, s9  }
0xe3: {  	[hbm4b:s11+s5] =	stream.strided.scatter [tilespmem:s10], [sflag:$0x1], $0x400, s6, s5, $0x38;
	[tilespmem:$0x10000] =	vst v63  }
0xe4: {  	s8 =	simm.s32 $0x1C00;
	s10 =	simm.s32 $0x1000;
	s11 =	sadd.s32 $0x200, s9  }
0xe5: {  	[hbm4b:s11+s5] =	stream.strided.scatter [tilespmem:s10], [sflag:$0x1], $0x400, s6, s5, $0x38;
	[tilespmem:$0x10000] =	vst v63  }
0xe6: {  	s7 =	simm.s32 $0x8000;
	s10 =	simm.s32 $0x1400;
	s11 =	sadd.s32 $0x280, s9  }
0xe7: {  	[hbm4b:s11+s5] =	stream.strided.scatter [tilespmem:s10], [sflag:$0x1], $0x400, s6, s5, $0x38;
	[tilespmem:$0x10000] =	vst v63  }
0xe8: {  	s10 =	simm.s32 $0x1800;
	s11 =	sadd.s32 $0x300, s9;
	s9 =	sadd.s32 $0x380, s9  }
0xe9: {  	[hbm4b:s11+s5] =	stream.strided.scatter [tilespmem:s10], [sflag:$0x1], $0x400, s6, s5, $0x38;
	[tilespmem:$0x10000] =	vst v63  }
.LBB2_14:
0xea: {  	[hbm4b:s9+s5] =	stream.strided.scatter [tilespmem:s8], [sflag:$0x1], $0x400, s6, s5, $0x38;
	[tilespmem:$0x10000] =	vst v63  }
0xeb: {  	s8 =	sshra.s32 s7, $0x2;
	s9 =	sadd.s32 s7, s12;
	p0 =	sne.s32 s7, $0x38000  }
0xec: {  	[hbm4b:s9+s5] =	stream.strided.scatter [tilespmem:s8], [sflag:$0x1], $0x400, s6, s5, $0x38;
	[tilespmem:$0x10000] =	vst v63  }
0xed: {  	s7 =	sadd.s32 $0x8000, s7;
	s10 =	sadd.s32 $0x400, s8;
	s11 =	sadd.s32 $0x80, s9  }
0xee: {  	[hbm4b:s11+s5] =	stream.strided.scatter [tilespmem:s10], [sflag:$0x1], $0x400, s6, s5, $0x38;
	[tilespmem:$0x10000] =	vst v63  }
0xef: {  	s10 =	sadd.s32 $0x800, s8;
	s11 =	sadd.s32 $0x100, s9  }
0xf0: {  	[hbm4b:s11+s5] =	stream.strided.scatter [tilespmem:s10], [sflag:$0x1], $0x400, s6, s5, $0x38;
	[tilespmem:$0x10000] =	vst v63  }
0xf1: {  	s10 =	sadd.s32 $0xC00, s8;
	s11 =	sadd.s32 $0x180, s9  }
0xf2: {  	[hbm4b:s11+s5] =	stream.strided.scatter [tilespmem:s10], [sflag:$0x1], $0x400, s6, s5, $0x38;
	[tilespmem:$0x10000] =	vst v63  }
0xf3: {  	s10 =	sadd.s32 $0x1000, s8;
	s11 =	sadd.s32 $0x200, s9  }
0xf4: {  	[hbm4b:s11+s5] =	stream.strided.scatter [tilespmem:s10], [sflag:$0x1], $0x400, s6, s5, $0x38;
	[tilespmem:$0x10000] =	vst v63  }
.Ltmp6:
0xf5: {  	s10 =	sadd.s32 $0x1400, s8;
	s11 =	sadd.s32 $0x280, s9;
	(pc) =	sbr.rel @p0 .LBB2_14-.Ltmp6, $4  }
0xf6: {  	[hbm4b:s11+s5] =	stream.strided.scatter [tilespmem:s10], [sflag:$0x1], $0x400, s6, s5, $0x38;
	[tilespmem:$0x10000] =	vst v63  }
0xf7: {  	s10 =	sadd.s32 $0x1800, s8;
	s11 =	sadd.s32 $0x300, s9  }
0xf8: {  	[hbm4b:s11+s5] =	stream.strided.scatter [tilespmem:s10], [sflag:$0x1], $0x400, s6, s5, $0x38;
	[tilespmem:$0x10000] =	vst v63  }
0xf9: {  	s8 =	sadd.s32 $0x1C00, s8;
	s9 =	sadd.s32 $0x380, s9  }
0xfa: {  	[hbm4b:s9+s5] =	stream.strided.scatter [tilespmem:s8], [sflag:$0x1], $0x400, s6, s5, $0x38;
	[tilespmem:$0x10000] =	vst v63  }
0xfb: {  	s12 =	rddreg [dreg:$0xb]  }
0xfc: {  	s7 =	simm.s32 $0x0;
	s9 =	sadd.s32 $0x0, s12  }
0xfd: {  	[hbm4b:s9+s5] =	stream.strided.scatter [tilespmem:s7], [sflag:$0x1], $0x400, s6, s5, $0x38;
	[tilespmem:$0x10000] =	vst v63  }
0xfe: {  	s10 =	simm.s32 $0x400;
	s11 =	sadd.s32 $0x80, s9  }
0xff: {  	[hbm4b:s11+s5] =	stream.strided.scatter [tilespmem:s10], [sflag:$0x1], $0x400, s6, s5, $0x38;
	[tilespmem:$0x10000] =	vst v63  }
0x100: {  	s10 =	simm.s32 $0x800;
	s11 =	sadd.s32 $0x100, s9  }
0x101: {  	[hbm4b:s11+s5] =	stream.strided.scatter [tilespmem:s10], [sflag:$0x1], $0x400, s6, s5, $0x38;
	[tilespmem:$0x10000] =	vst v63  }
0x102: {  	s10 =	simm.s32 $0xC00;
	s11 =	sadd.s32 $0x180, s9  }
0x103: {  	[hbm4b:s11+s5] =	stream.strided.scatter [tilespmem:s10], [sflag:$0x1], $0x400, s6, s5, $0x38;
	[tilespmem:$0x10000] =	vst v63  }
0x104: {  	s8 =	simm.s32 $0x1C00;
	s10 =	simm.s32 $0x1000;
	s11 =	sadd.s32 $0x200, s9  }
0x105: {  	[hbm4b:s11+s5] =	stream.strided.scatter [tilespmem:s10], [sflag:$0x1], $0x400, s6, s5, $0x38;
	[tilespmem:$0x10000] =	vst v63  }
0x106: {  	s7 =	simm.s32 $0x8000;
	s10 =	simm.s32 $0x1400;
	s11 =	sadd.s32 $0x280, s9  }
0x107: {  	[hbm4b:s11+s5] =	stream.strided.scatter [tilespmem:s10], [sflag:$0x1], $0x400, s6, s5, $0x38;
	[tilespmem:$0x10000] =	vst v63  }
0x108: {  	s10 =	simm.s32 $0x1800;
	s11 =	sadd.s32 $0x300, s9;
	s9 =	sadd.s32 $0x380, s9  }
0x109: {  	[hbm4b:s11+s5] =	stream.strided.scatter [tilespmem:s10], [sflag:$0x1], $0x400, s6, s5, $0x38;
	[tilespmem:$0x10000] =	vst v63  }
.LBB2_16:
0x10a: {  	[hbm4b:s9+s5] =	stream.strided.scatter [tilespmem:s8], [sflag:$0x1], $0x400, s6, s5, $0x38;
	[tilespmem:$0x10000] =	vst v63  }
0x10b: {  	s8 =	sshra.s32 s7, $0x2;
	s9 =	sadd.s32 s7, s12;
	p0 =	sne.s32 s7, $0x38000  }
0x10c: {  	[hbm4b:s9+s5] =	stream.strided.scatter [tilespmem:s8], [sflag:$0x1], $0x400, s6, s5, $0x38;
	[tilespmem:$0x10000] =	vst v63  }
0x10d: {  	s7 =	sadd.s32 $0x8000, s7;
	s10 =	sadd.s32 $0x400, s8;
	s11 =	sadd.s32 $0x80, s9  }
0x10e: {  	[hbm4b:s11+s5] =	stream.strided.scatter [tilespmem:s10], [sflag:$0x1], $0x400, s6, s5, $0x38;
	[tilespmem:$0x10000] =	vst v63  }
0x10f: {  	s10 =	sadd.s32 $0x800, s8;
	s11 =	sadd.s32 $0x100, s9  }
0x110: {  	[hbm4b:s11+s5] =	stream.strided.scatter [tilespmem:s10], [sflag:$0x1], $0x400, s6, s5, $0x38;
	[tilespmem:$0x10000] =	vst v63  }
0x111: {  	s10 =	sadd.s32 $0xC00, s8;
	s11 =	sadd.s32 $0x180, s9  }
0x112: {  	[hbm4b:s11+s5] =	stream.strided.scatter [tilespmem:s10], [sflag:$0x1], $0x400, s6, s5, $0x38;
	[tilespmem:$0x10000] =	vst v63  }
0x113: {  	s10 =	sadd.s32 $0x1000, s8;
	s11 =	sadd.s32 $0x200, s9  }
0x114: {  	[hbm4b:s11+s5] =	stream.strided.scatter [tilespmem:s10], [sflag:$0x1], $0x400, s6, s5, $0x38;
	[tilespmem:$0x10000] =	vst v63  }
.Ltmp7:
0x115: {  	s10 =	sadd.s32 $0x1400, s8;
	s11 =	sadd.s32 $0x280, s9;
	(pc) =	sbr.rel @p0 .LBB2_16-.Ltmp7, $4  }
0x116: {  	[hbm4b:s11+s5] =	stream.strided.scatter [tilespmem:s10], [sflag:$0x1], $0x400, s6, s5, $0x38;
	[tilespmem:$0x10000] =	vst v63  }
0x117: {  	s10 =	sadd.s32 $0x1800, s8;
	s11 =	sadd.s32 $0x300, s9  }
0x118: {  	[hbm4b:s11+s5] =	stream.strided.scatter [tilespmem:s10], [sflag:$0x1], $0x400, s6, s5, $0x38;
	[tilespmem:$0x10000] =	vst v63  }
0x119: {  	s8 =	sadd.s32 $0x1C00, s8;
	s9 =	sadd.s32 $0x380, s9  }
0x11a: {  	[hbm4b:s9+s5] =	stream.strided.scatter [tilespmem:s8], [sflag:$0x1], $0x400, s6, s5, $0x38;
	[tilespmem:$0x10000] =	vst v63  }
0x11b: {  	s12 =	rddreg [dreg:$0xc]  }
0x11c: {  	s7 =	simm.s32 $0x0;
	s9 =	sadd.s32 $0x0, s12  }
0x11d: {  	[hbm4b:s9+s5] =	stream.strided.scatter [tilespmem:s7], [sflag:$0x1], $0x400, s6, s5, $0x38;
	[tilespmem:$0x10000] =	vst v63  }
0x11e: {  	s10 =	simm.s32 $0x400;
	s11 =	sadd.s32 $0x80, s9  }
0x11f: {  	[hbm4b:s11+s5] =	stream.strided.scatter [tilespmem:s10], [sflag:$0x1], $0x400, s6, s5, $0x38;
	[tilespmem:$0x10000] =	vst v63  }
0x120: {  	s10 =	simm.s32 $0x800;
	s11 =	sadd.s32 $0x100, s9  }
0x121: {  	[hbm4b:s11+s5] =	stream.strided.scatter [tilespmem:s10], [sflag:$0x1], $0x400, s6, s5, $0x38;
	[tilespmem:$0x10000] =	vst v63  }
0x122: {  	s10 =	simm.s32 $0xC00;
	s11 =	sadd.s32 $0x180, s9  }
0x123: {  	[hbm4b:s11+s5] =	stream.strided.scatter [tilespmem:s10], [sflag:$0x1], $0x400, s6, s5, $0x38;
	[tilespmem:$0x10000] =	vst v63  }
0x124: {  	s8 =	simm.s32 $0x1C00;
	s10 =	simm.s32 $0x1000;
	s11 =	sadd.s32 $0x200, s9  }
0x125: {  	[hbm4b:s11+s5] =	stream.strided.scatter [tilespmem:s10], [sflag:$0x1], $0x400, s6, s5, $0x38;
	[tilespmem:$0x10000] =	vst v63  }
0x126: {  	s7 =	simm.s32 $0x8000;
	s10 =	simm.s32 $0x1400;
	s11 =	sadd.s32 $0x280, s9  }
0x127: {  	[hbm4b:s11+s5] =	stream.strided.scatter [tilespmem:s10], [sflag:$0x1], $0x400, s6, s5, $0x38;
	[tilespmem:$0x10000] =	vst v63  }
0x128: {  	s10 =	simm.s32 $0x1800;
	s11 =	sadd.s32 $0x300, s9;
	s9 =	sadd.s32 $0x380, s9  }
0x129: {  	[hbm4b:s11+s5] =	stream.strided.scatter [tilespmem:s10], [sflag:$0x1], $0x400, s6, s5, $0x38;
	[tilespmem:$0x10000] =	vst v63  }
.LBB2_18:
0x12a: {  	[hbm4b:s9+s5] =	stream.strided.scatter [tilespmem:s8], [sflag:$0x1], $0x400, s6, s5, $0x38;
	[tilespmem:$0x10000] =	vst v63  }
0x12b: {  	s8 =	sshra.s32 s7, $0x2;
	s9 =	sadd.s32 s7, s12;
	p0 =	sne.s32 s7, $0x38000  }
0x12c: {  	[hbm4b:s9+s5] =	stream.strided.scatter [tilespmem:s8], [sflag:$0x1], $0x400, s6, s5, $0x38;
	[tilespmem:$0x10000] =	vst v63  }
0x12d: {  	s7 =	sadd.s32 $0x8000, s7;
	s10 =	sadd.s32 $0x400, s8;
	s11 =	sadd.s32 $0x80, s9  }
0x12e: {  	[hbm4b:s11+s5] =	stream.strided.scatter [tilespmem:s10], [sflag:$0x1], $0x400, s6, s5, $0x38;
	[tilespmem:$0x10000] =	vst v63  }
0x12f: {  	s10 =	sadd.s32 $0x800, s8;
	s11 =	sadd.s32 $0x100, s9  }
0x130: {  	[hbm4b:s11+s5] =	stream.strided.scatter [tilespmem:s10], [sflag:$0x1], $0x400, s6, s5, $0x38;
	[tilespmem:$0x10000] =	vst v63  }
0x131: {  	s10 =	sadd.s32 $0xC00, s8;
	s11 =	sadd.s32 $0x180, s9  }
0x132: {  	[hbm4b:s11+s5] =	stream.strided.scatter [tilespmem:s10], [sflag:$0x1], $0x400, s6, s5, $0x38;
	[tilespmem:$0x10000] =	vst v63  }
0x133: {  	s10 =	sadd.s32 $0x1000, s8;
	s11 =	sadd.s32 $0x200, s9  }
0x134: {  	[hbm4b:s11+s5] =	stream.strided.scatter [tilespmem:s10], [sflag:$0x1], $0x400, s6, s5, $0x38;
	[tilespmem:$0x10000] =	vst v63  }
.Ltmp8:
0x135: {  	s10 =	sadd.s32 $0x1400, s8;
	s11 =	sadd.s32 $0x280, s9;
	(pc) =	sbr.rel @p0 .LBB2_18-.Ltmp8, $4  }
0x136: {  	[hbm4b:s11+s5] =	stream.strided.scatter [tilespmem:s10], [sflag:$0x1], $0x400, s6, s5, $0x38;
	[tilespmem:$0x10000] =	vst v63  }
0x137: {  	s10 =	sadd.s32 $0x1800, s8;
	s11 =	sadd.s32 $0x300, s9  }
0x138: {  	[hbm4b:s11+s5] =	stream.strided.scatter [tilespmem:s10], [sflag:$0x1], $0x400, s6, s5, $0x38;
	[tilespmem:$0x10000] =	vst v63  }
0x139: {  	s8 =	sadd.s32 $0x1C00, s8;
	s9 =	sadd.s32 $0x380, s9  }
0x13a: {  	[hbm4b:s9+s5] =	stream.strided.scatter [tilespmem:s8], [sflag:$0x1], $0x400, s6, s5, $0x38;
	[tilespmem:$0x10000] =	vst v63  }
0x13b: {  	s7 =	simm.s32 $0x0;
	s9 =	sadd.s32 $0x0, s13  }
0x13c: {  	[hbm4b:s9+s5] =	stream.strided.scatter [tilespmem:s7], [sflag:$0x1], $0x400, s6, s5, $0x38;
	[tilespmem:$0x10000] =	vst v63  }
0x13d: {  	s8 =	simm.s32 $0x400;
	s10 =	sadd.s32 $0x80, s9  }
0x13e: {  	[hbm4b:s10+s5] =	stream.strided.scatter [tilespmem:s8], [sflag:$0x1], $0x400, s6, s5, $0x38;
	[tilespmem:$0x10000] =	vst v63  }
0x13f: {  	s11 =	simm.s32 $0x800;
	s12 =	sadd.s32 $0x100, s9  }
0x140: {  	[hbm4b:s12+s5] =	stream.strided.scatter [tilespmem:s11], [sflag:$0x1], $0x400, s6, s5, $0x38;
	[tilespmem:$0x10000] =	vst v63  }
0x141: {  	s8 =	simm.s32 $0xC00;
	s10 =	sadd.s32 $0x180, s9  }
0x142: {  	[hbm4b:s10+s5] =	stream.strided.scatter [tilespmem:s8], [sflag:$0x1], $0x400, s6, s5, $0x38;
	[tilespmem:$0x10000] =	vst v63  }
0x143: {  	s7 =	simm.s32 $0x8000;
	s11 =	simm.s32 $0x1000;
	s12 =	sadd.s32 $0x200, s9  }
0x144: {  	[hbm4b:s12+s5] =	stream.strided.scatter [tilespmem:s11], [sflag:$0x1], $0x400, s6, s5, $0x38;
	[tilespmem:$0x10000] =	vst v63  }
0x145: {  	s8 =	simm.s32 $0x1400;
	s10 =	sadd.s32 $0x280, s9;
	s11 =	simm.s32 $0x1800  }
0x146: {  	[hbm4b:s10+s5] =	stream.strided.scatter [tilespmem:s8], [sflag:$0x1], $0x400, s6, s5, $0x38;
	[tilespmem:$0x10000] =	vst v63  }
0x147: {  	s12 =	sadd.s32 $0x300, s9;
	s9 =	sadd.s32 $0x380, s9;
	s8 =	simm.s32 $0x1C00  }
0x148: {  	[hbm4b:s12+s5] =	stream.strided.scatter [tilespmem:s11], [sflag:$0x1], $0x400, s6, s5, $0x38;
	[tilespmem:$0x10000] =	vst v63  }
.LBB2_20:
0x149: {  	[hbm4b:s9+s5] =	stream.strided.scatter [tilespmem:s8], [sflag:$0x1], $0x400, s6, s5, $0x38;
	[tilespmem:$0x10000] =	vst v63  }
0x14a: {  	s8 =	sshra.s32 s7, $0x2;
	s9 =	sadd.s32 s7, s13;
	p0 =	sne.s32 s7, $0x38000  }
0x14b: {  	[hbm4b:s9+s5] =	stream.strided.scatter [tilespmem:s8], [sflag:$0x1], $0x400, s6, s5, $0x38;
	[tilespmem:$0x10000] =	vst v63  }
0x14c: {  	s7 =	sadd.s32 $0x8000, s7;
	s10 =	sadd.s32 $0x400, s8;
	s11 =	sadd.s32 $0x80, s9  }
0x14d: {  	[hbm4b:s11+s5] =	stream.strided.scatter [tilespmem:s10], [sflag:$0x1], $0x400, s6, s5, $0x38;
	[tilespmem:$0x10000] =	vst v63  }
0x14e: {  	s10 =	sadd.s32 $0x800, s8;
	s11 =	sadd.s32 $0x100, s9  }
0x14f: {  	[hbm4b:s11+s5] =	stream.strided.scatter [tilespmem:s10], [sflag:$0x1], $0x400, s6, s5, $0x38;
	[tilespmem:$0x10000] =	vst v63  }
0x150: {  	s10 =	sadd.s32 $0xC00, s8;
	s11 =	sadd.s32 $0x180, s9  }
0x151: {  	[hbm4b:s11+s5] =	stream.strided.scatter [tilespmem:s10], [sflag:$0x1], $0x400, s6, s5, $0x38;
	[tilespmem:$0x10000] =	vst v63  }
0x152: {  	s10 =	sadd.s32 $0x1000, s8;
	s11 =	sadd.s32 $0x200, s9  }
0x153: {  	[hbm4b:s11+s5] =	stream.strided.scatter [tilespmem:s10], [sflag:$0x1], $0x400, s6, s5, $0x38;
	[tilespmem:$0x10000] =	vst v63  }
.Ltmp9:
0x154: {  	s10 =	sadd.s32 $0x1400, s8;
	s11 =	sadd.s32 $0x280, s9;
	(pc) =	sbr.rel @p0 .LBB2_20-.Ltmp9, $4  }
0x155: {  	[hbm4b:s11+s5] =	stream.strided.scatter [tilespmem:s10], [sflag:$0x1], $0x400, s6, s5, $0x38;
	[tilespmem:$0x10000] =	vst v63  }
0x156: {  	s10 =	sadd.s32 $0x1800, s8;
	s11 =	sadd.s32 $0x300, s9  }
0x157: {  	[hbm4b:s11+s5] =	stream.strided.scatter [tilespmem:s10], [sflag:$0x1], $0x400, s6, s5, $0x38;
	[tilespmem:$0x10000] =	vst v63  }
0x158: {  	s8 =	sadd.s32 $0x1C00, s8;
	s9 =	sadd.s32 $0x380, s9  }
0x159: {  	[hbm4b:s9+s5] =	stream.strided.scatter [tilespmem:s8], [sflag:$0x1], $0x400, s6, s5, $0x38;
	[tilespmem:$0x10000] =	vst v63  }
0x15a: {  	s7 =	simm.s32 $0x0;
	s9 =	sadd.s32 $0x0, s14  }
0x15b: {  	[hbm4b:s9+s5] =	stream.strided.scatter [tilespmem:s7], [sflag:$0x1], $0x400, s6, s5, $0x38;
	[tilespmem:$0x10000] =	vst v63  }
0x15c: {  	s8 =	simm.s32 $0x400;
	s10 =	sadd.s32 $0x80, s9  }
0x15d: {  	[hbm4b:s10+s5] =	stream.strided.scatter [tilespmem:s8], [sflag:$0x1], $0x400, s6, s5, $0x38;
	[tilespmem:$0x10000] =	vst v63  }
0x15e: {  	s11 =	simm.s32 $0x800;
	s12 =	sadd.s32 $0x100, s9  }
0x15f: {  	[hbm4b:s12+s5] =	stream.strided.scatter [tilespmem:s11], [sflag:$0x1], $0x400, s6, s5, $0x38;
	[tilespmem:$0x10000] =	vst v63  }
0x160: {  	s8 =	simm.s32 $0xC00;
	s10 =	sadd.s32 $0x180, s9  }
0x161: {  	[hbm4b:s10+s5] =	stream.strided.scatter [tilespmem:s8], [sflag:$0x1], $0x400, s6, s5, $0x38;
	[tilespmem:$0x10000] =	vst v63  }
0x162: {  	s7 =	simm.s32 $0x8000;
	s11 =	simm.s32 $0x1000;
	s12 =	sadd.s32 $0x200, s9  }
0x163: {  	[hbm4b:s12+s5] =	stream.strided.scatter [tilespmem:s11], [sflag:$0x1], $0x400, s6, s5, $0x38;
	[tilespmem:$0x10000] =	vst v63  }
0x164: {  	s8 =	simm.s32 $0x1400;
	s10 =	sadd.s32 $0x280, s9;
	s11 =	simm.s32 $0x1800  }
0x165: {  	[hbm4b:s10+s5] =	stream.strided.scatter [tilespmem:s8], [sflag:$0x1], $0x400, s6, s5, $0x38;
	[tilespmem:$0x10000] =	vst v63  }
0x166: {  	s12 =	sadd.s32 $0x300, s9;
	s9 =	sadd.s32 $0x380, s9;
	s8 =	simm.s32 $0x1C00  }
0x167: {  	[hbm4b:s12+s5] =	stream.strided.scatter [tilespmem:s11], [sflag:$0x1], $0x400, s6, s5, $0x38;
	[tilespmem:$0x10000] =	vst v63  }
.LBB2_22:
0x168: {  	[hbm4b:s9+s5] =	stream.strided.scatter [tilespmem:s8], [sflag:$0x1], $0x400, s6, s5, $0x38;
	[tilespmem:$0x10000] =	vst v63  }
0x169: {  	s8 =	sshra.s32 s7, $0x2;
	s9 =	sadd.s32 s7, s14;
	p0 =	sne.s32 s7, $0x38000  }
0x16a: {  	[hbm4b:s9+s5] =	stream.strided.scatter [tilespmem:s8], [sflag:$0x1], $0x400, s6, s5, $0x38;
	[tilespmem:$0x10000] =	vst v63  }
0x16b: {  	s7 =	sadd.s32 $0x8000, s7;
	s10 =	sadd.s32 $0x400, s8;
	s11 =	sadd.s32 $0x80, s9  }
0x16c: {  	[hbm4b:s11+s5] =	stream.strided.scatter [tilespmem:s10], [sflag:$0x1], $0x400, s6, s5, $0x38;
	[tilespmem:$0x10000] =	vst v63  }
0x16d: {  	s10 =	sadd.s32 $0x800, s8;
	s11 =	sadd.s32 $0x100, s9  }
0x16e: {  	[hbm4b:s11+s5] =	stream.strided.scatter [tilespmem:s10], [sflag:$0x1], $0x400, s6, s5, $0x38;
	[tilespmem:$0x10000] =	vst v63  }
0x16f: {  	s10 =	sadd.s32 $0xC00, s8;
	s11 =	sadd.s32 $0x180, s9  }
0x170: {  	[hbm4b:s11+s5] =	stream.strided.scatter [tilespmem:s10], [sflag:$0x1], $0x400, s6, s5, $0x38;
	[tilespmem:$0x10000] =	vst v63  }
0x171: {  	s10 =	sadd.s32 $0x1000, s8;
	s11 =	sadd.s32 $0x200, s9  }
0x172: {  	[hbm4b:s11+s5] =	stream.strided.scatter [tilespmem:s10], [sflag:$0x1], $0x400, s6, s5, $0x38;
	[tilespmem:$0x10000] =	vst v63  }
.Ltmp10:
0x173: {  	s10 =	sadd.s32 $0x1400, s8;
	s11 =	sadd.s32 $0x280, s9;
	(pc) =	sbr.rel @p0 .LBB2_22-.Ltmp10, $4  }
0x174: {  	[hbm4b:s11+s5] =	stream.strided.scatter [tilespmem:s10], [sflag:$0x1], $0x400, s6, s5, $0x38;
	[tilespmem:$0x10000] =	vst v63  }
0x175: {  	s10 =	sadd.s32 $0x1800, s8;
	s11 =	sadd.s32 $0x300, s9  }
0x176: {  	[hbm4b:s11+s5] =	stream.strided.scatter [tilespmem:s10], [sflag:$0x1], $0x400, s6, s5, $0x38;
	[tilespmem:$0x10000] =	vst v63  }
0x177: {  	s8 =	sadd.s32 $0x1C00, s8;
	s9 =	sadd.s32 $0x380, s9  }
0x178: {  	[hbm4b:s9+s5] =	stream.strided.scatter [tilespmem:s8], [sflag:$0x1], $0x400, s6, s5, $0x38;
	[tilespmem:$0x10000] =	vst v63  }
0x179: {  	s7 =	simm.s32 $0x0;
	s9 =	sadd.s32 $0x0, s15  }
0x17a: {  	[hbm4b:s9+s5] =	stream.strided.scatter [tilespmem:s7], [sflag:$0x1], $0x400, s6, s5, $0x38;
	[tilespmem:$0x10000] =	vst v63  }
0x17b: {  	s8 =	simm.s32 $0x400;
	s10 =	sadd.s32 $0x80, s9  }
0x17c: {  	[hbm4b:s10+s5] =	stream.strided.scatter [tilespmem:s8], [sflag:$0x1], $0x400, s6, s5, $0x38;
	[tilespmem:$0x10000] =	vst v63  }
0x17d: {  	s11 =	simm.s32 $0x800;
	s12 =	sadd.s32 $0x100, s9  }
0x17e: {  	[hbm4b:s12+s5] =	stream.strided.scatter [tilespmem:s11], [sflag:$0x1], $0x400, s6, s5, $0x38;
	[tilespmem:$0x10000] =	vst v63  }
0x17f: {  	s8 =	simm.s32 $0xC00;
	s10 =	sadd.s32 $0x180, s9  }
0x180: {  	[hbm4b:s10+s5] =	stream.strided.scatter [tilespmem:s8], [sflag:$0x1], $0x400, s6, s5, $0x38;
	[tilespmem:$0x10000] =	vst v63  }
0x181: {  	s7 =	simm.s32 $0x8000;
	s11 =	simm.s32 $0x1000;
	s12 =	sadd.s32 $0x200, s9  }
0x182: {  	[hbm4b:s12+s5] =	stream.strided.scatter [tilespmem:s11], [sflag:$0x1], $0x400, s6, s5, $0x38;
	[tilespmem:$0x10000] =	vst v63  }
0x183: {  	s8 =	simm.s32 $0x1400;
	s10 =	sadd.s32 $0x280, s9;
	s11 =	simm.s32 $0x1800  }
0x184: {  	[hbm4b:s10+s5] =	stream.strided.scatter [tilespmem:s8], [sflag:$0x1], $0x400, s6, s5, $0x38;
	[tilespmem:$0x10000] =	vst v63  }
0x185: {  	s12 =	sadd.s32 $0x300, s9;
	s9 =	sadd.s32 $0x380, s9;
	s8 =	simm.s32 $0x1C00  }
0x186: {  	[hbm4b:s12+s5] =	stream.strided.scatter [tilespmem:s11], [sflag:$0x1], $0x400, s6, s5, $0x38;
	[tilespmem:$0x10000] =	vst v63  }
.LBB2_24:
0x187: {  	[hbm4b:s9+s5] =	stream.strided.scatter [tilespmem:s8], [sflag:$0x1], $0x400, s6, s5, $0x38;
	[tilespmem:$0x10000] =	vst v63  }
0x188: {  	s8 =	sshra.s32 s7, $0x2;
	s9 =	sadd.s32 s7, s15;
	p0 =	sne.s32 s7, $0x38000  }
0x189: {  	[hbm4b:s9+s5] =	stream.strided.scatter [tilespmem:s8], [sflag:$0x1], $0x400, s6, s5, $0x38;
	[tilespmem:$0x10000] =	vst v63  }
0x18a: {  	s7 =	sadd.s32 $0x8000, s7;
	s10 =	sadd.s32 $0x400, s8;
	s11 =	sadd.s32 $0x80, s9  }
0x18b: {  	[hbm4b:s11+s5] =	stream.strided.scatter [tilespmem:s10], [sflag:$0x1], $0x400, s6, s5, $0x38;
	[tilespmem:$0x10000] =	vst v63  }
0x18c: {  	s10 =	sadd.s32 $0x800, s8;
	s11 =	sadd.s32 $0x100, s9  }
0x18d: {  	[hbm4b:s11+s5] =	stream.strided.scatter [tilespmem:s10], [sflag:$0x1], $0x400, s6, s5, $0x38;
	[tilespmem:$0x10000] =	vst v63  }
0x18e: {  	s10 =	sadd.s32 $0xC00, s8;
	s11 =	sadd.s32 $0x180, s9  }
0x18f: {  	[hbm4b:s11+s5] =	stream.strided.scatter [tilespmem:s10], [sflag:$0x1], $0x400, s6, s5, $0x38;
	[tilespmem:$0x10000] =	vst v63  }
0x190: {  	s10 =	sadd.s32 $0x1000, s8;
	s11 =	sadd.s32 $0x200, s9  }
0x191: {  	[hbm4b:s11+s5] =	stream.strided.scatter [tilespmem:s10], [sflag:$0x1], $0x400, s6, s5, $0x38;
	[tilespmem:$0x10000] =	vst v63  }
.Ltmp11:
0x192: {  	s10 =	sadd.s32 $0x1400, s8;
	s11 =	sadd.s32 $0x280, s9;
	(pc) =	sbr.rel @p0 .LBB2_24-.Ltmp11, $4  }
0x193: {  	[hbm4b:s11+s5] =	stream.strided.scatter [tilespmem:s10], [sflag:$0x1], $0x400, s6, s5, $0x38;
	[tilespmem:$0x10000] =	vst v63  }
0x194: {  	s10 =	sadd.s32 $0x1800, s8;
	s11 =	sadd.s32 $0x300, s9  }
0x195: {  	[hbm4b:s11+s5] =	stream.strided.scatter [tilespmem:s10], [sflag:$0x1], $0x400, s6, s5, $0x38;
	[tilespmem:$0x10000] =	vst v63  }
0x196: {  	s8 =	sadd.s32 $0x1C00, s8;
	s9 =	sadd.s32 $0x380, s9  }
0x197: {  	[hbm4b:s9+s5] =	stream.strided.scatter [tilespmem:s8], [sflag:$0x1], $0x400, s6, s5, $0x38;
	[tilespmem:$0x10000] =	vst v63  }
0x198: {  	s7 =	simm.s32 $0x0;
	s9 =	sadd.s32 $0x0, s16  }
0x199: {  	[hbm4b:s9+s5] =	stream.strided.scatter [tilespmem:s7], [sflag:$0x1], $0x400, s6, s5, $0x38;
	[tilespmem:$0x10000] =	vst v63  }
0x19a: {  	s8 =	simm.s32 $0x400;
	s10 =	sadd.s32 $0x80, s9  }
0x19b: {  	[hbm4b:s10+s5] =	stream.strided.scatter [tilespmem:s8], [sflag:$0x1], $0x400, s6, s5, $0x38;
	[tilespmem:$0x10000] =	vst v63  }
0x19c: {  	s11 =	simm.s32 $0x800;
	s12 =	sadd.s32 $0x100, s9  }
0x19d: {  	[hbm4b:s12+s5] =	stream.strided.scatter [tilespmem:s11], [sflag:$0x1], $0x400, s6, s5, $0x38;
	[tilespmem:$0x10000] =	vst v63  }
0x19e: {  	s8 =	simm.s32 $0xC00;
	s10 =	sadd.s32 $0x180, s9  }
0x19f: {  	[hbm4b:s10+s5] =	stream.strided.scatter [tilespmem:s8], [sflag:$0x1], $0x400, s6, s5, $0x38;
	[tilespmem:$0x10000] =	vst v63  }
0x1a0: {  	s7 =	simm.s32 $0x8000;
	s11 =	simm.s32 $0x1000;
	s12 =	sadd.s32 $0x200, s9  }
0x1a1: {  	[hbm4b:s12+s5] =	stream.strided.scatter [tilespmem:s11], [sflag:$0x1], $0x400, s6, s5, $0x38;
	[tilespmem:$0x10000] =	vst v63  }
0x1a2: {  	s8 =	simm.s32 $0x1400;
	s10 =	sadd.s32 $0x280, s9;
	s11 =	simm.s32 $0x1800  }
0x1a3: {  	[hbm4b:s10+s5] =	stream.strided.scatter [tilespmem:s8], [sflag:$0x1], $0x400, s6, s5, $0x38;
	[tilespmem:$0x10000] =	vst v63  }
0x1a4: {  	s12 =	sadd.s32 $0x300, s9;
	s9 =	sadd.s32 $0x380, s9;
	s8 =	simm.s32 $0x1C00  }
0x1a5: {  	[hbm4b:s12+s5] =	stream.strided.scatter [tilespmem:s11], [sflag:$0x1], $0x400, s6, s5, $0x38;
	[tilespmem:$0x10000] =	vst v63  }
.LBB2_26:
0x1a6: {  	[hbm4b:s9+s5] =	stream.strided.scatter [tilespmem:s8], [sflag:$0x1], $0x400, s6, s5, $0x38;
	[tilespmem:$0x10000] =	vst v63  }
0x1a7: {  	s8 =	sshra.s32 s7, $0x2;
	s9 =	sadd.s32 s7, s16;
	p0 =	sne.s32 s7, $0x38000  }
0x1a8: {  	[hbm4b:s9+s5] =	stream.strided.scatter [tilespmem:s8], [sflag:$0x1], $0x400, s6, s5, $0x38;
	[tilespmem:$0x10000] =	vst v63  }
0x1a9: {  	s7 =	sadd.s32 $0x8000, s7;
	s10 =	sadd.s32 $0x400, s8;
	s11 =	sadd.s32 $0x80, s9  }
0x1aa: {  	[hbm4b:s11+s5] =	stream.strided.scatter [tilespmem:s10], [sflag:$0x1], $0x400, s6, s5, $0x38;
	[tilespmem:$0x10000] =	vst v63  }
0x1ab: {  	s10 =	sadd.s32 $0x800, s8;
	s11 =	sadd.s32 $0x100, s9  }
0x1ac: {  	[hbm4b:s11+s5] =	stream.strided.scatter [tilespmem:s10], [sflag:$0x1], $0x400, s6, s5, $0x38;
	[tilespmem:$0x10000] =	vst v63  }
0x1ad: {  	s10 =	sadd.s32 $0xC00, s8;
	s11 =	sadd.s32 $0x180, s9  }
0x1ae: {  	[hbm4b:s11+s5] =	stream.strided.scatter [tilespmem:s10], [sflag:$0x1], $0x400, s6, s5, $0x38;
	[tilespmem:$0x10000] =	vst v63  }
0x1af: {  	s10 =	sadd.s32 $0x1000, s8;
	s11 =	sadd.s32 $0x200, s9  }
0x1b0: {  	[hbm4b:s11+s5] =	stream.strided.scatter [tilespmem:s10], [sflag:$0x1], $0x400, s6, s5, $0x38;
	[tilespmem:$0x10000] =	vst v63  }
.Ltmp12:
0x1b1: {  	s10 =	sadd.s32 $0x1400, s8;
	s11 =	sadd.s32 $0x280, s9;
	(pc) =	sbr.rel @p0 .LBB2_26-.Ltmp12, $4  }
0x1b2: {  	[hbm4b:s11+s5] =	stream.strided.scatter [tilespmem:s10], [sflag:$0x1], $0x400, s6, s5, $0x38;
	[tilespmem:$0x10000] =	vst v63  }
0x1b3: {  	s10 =	sadd.s32 $0x1800, s8;
	s11 =	sadd.s32 $0x300, s9  }
0x1b4: {  	[hbm4b:s11+s5] =	stream.strided.scatter [tilespmem:s10], [sflag:$0x1], $0x400, s6, s5, $0x38;
	[tilespmem:$0x10000] =	vst v63  }
0x1b5: {  	s8 =	sadd.s32 $0x1C00, s8;
	s9 =	sadd.s32 $0x380, s9  }
0x1b6: {  	[hbm4b:s9+s5] =	stream.strided.scatter [tilespmem:s8], [sflag:$0x1], $0x400, s6, s5, $0x38;
	[tilespmem:$0x10000] =	vst v63  }
0x1b7: {  	s7 =	simm.s32 $0x0;
	s9 =	sadd.s32 $0x0, s17  }
0x1b8: {  	[hbm4b:s9+s5] =	stream.strided.scatter [tilespmem:s7], [sflag:$0x1], $0x400, s6, s5, $0x38;
	[tilespmem:$0x10000] =	vst v63  }
0x1b9: {  	s8 =	simm.s32 $0x400;
	s10 =	sadd.s32 $0x80, s9  }
0x1ba: {  	[hbm4b:s10+s5] =	stream.strided.scatter [tilespmem:s8], [sflag:$0x1], $0x400, s6, s5, $0x38;
	[tilespmem:$0x10000] =	vst v63  }
0x1bb: {  	s11 =	simm.s32 $0x800;
	s12 =	sadd.s32 $0x100, s9  }
0x1bc: {  	[hbm4b:s12+s5] =	stream.strided.scatter [tilespmem:s11], [sflag:$0x1], $0x400, s6, s5, $0x38;
	[tilespmem:$0x10000] =	vst v63  }
0x1bd: {  	s8 =	simm.s32 $0xC00;
	s10 =	sadd.s32 $0x180, s9  }
0x1be: {  	[hbm4b:s10+s5] =	stream.strided.scatter [tilespmem:s8], [sflag:$0x1], $0x400, s6, s5, $0x38;
	[tilespmem:$0x10000] =	vst v63  }
0x1bf: {  	s7 =	simm.s32 $0x8000;
	s11 =	simm.s32 $0x1000;
	s12 =	sadd.s32 $0x200, s9  }
0x1c0: {  	[hbm4b:s12+s5] =	stream.strided.scatter [tilespmem:s11], [sflag:$0x1], $0x400, s6, s5, $0x38;
	[tilespmem:$0x10000] =	vst v63  }
0x1c1: {  	s8 =	simm.s32 $0x1400;
	s10 =	sadd.s32 $0x280, s9;
	s11 =	simm.s32 $0x1800  }
0x1c2: {  	[hbm4b:s10+s5] =	stream.strided.scatter [tilespmem:s8], [sflag:$0x1], $0x400, s6, s5, $0x38;
	[tilespmem:$0x10000] =	vst v63  }
0x1c3: {  	s12 =	sadd.s32 $0x300, s9;
	s9 =	sadd.s32 $0x380, s9;
	s8 =	simm.s32 $0x1C00  }
0x1c4: {  	[hbm4b:s12+s5] =	stream.strided.scatter [tilespmem:s11], [sflag:$0x1], $0x400, s6, s5, $0x38;
	[tilespmem:$0x10000] =	vst v63  }
.LBB2_28:
0x1c5: {  	[hbm4b:s9+s5] =	stream.strided.scatter [tilespmem:s8], [sflag:$0x1], $0x400, s6, s5, $0x38;
	[tilespmem:$0x10000] =	vst v63  }
0x1c6: {  	s8 =	sshra.s32 s7, $0x2;
	s9 =	sadd.s32 s7, s17;
	p0 =	sne.s32 s7, $0x38000  }
0x1c7: {  	[hbm4b:s9+s5] =	stream.strided.scatter [tilespmem:s8], [sflag:$0x1], $0x400, s6, s5, $0x38;
	[tilespmem:$0x10000] =	vst v63  }
0x1c8: {  	s7 =	sadd.s32 $0x8000, s7;
	s10 =	sadd.s32 $0x400, s8;
	s11 =	sadd.s32 $0x80, s9  }
0x1c9: {  	[hbm4b:s11+s5] =	stream.strided.scatter [tilespmem:s10], [sflag:$0x1], $0x400, s6, s5, $0x38;
	[tilespmem:$0x10000] =	vst v63  }
0x1ca: {  	s10 =	sadd.s32 $0x800, s8;
	s11 =	sadd.s32 $0x100, s9  }
0x1cb: {  	[hbm4b:s11+s5] =	stream.strided.scatter [tilespmem:s10], [sflag:$0x1], $0x400, s6, s5, $0x38;
	[tilespmem:$0x10000] =	vst v63  }
0x1cc: {  	s10 =	sadd.s32 $0xC00, s8;
	s11 =	sadd.s32 $0x180, s9  }
0x1cd: {  	[hbm4b:s11+s5] =	stream.strided.scatter [tilespmem:s10], [sflag:$0x1], $0x400, s6, s5, $0x38;
	[tilespmem:$0x10000] =	vst v63  }
0x1ce: {  	s10 =	sadd.s32 $0x1000, s8;
	s11 =	sadd.s32 $0x200, s9  }
0x1cf: {  	[hbm4b:s11+s5] =	stream.strided.scatter [tilespmem:s10], [sflag:$0x1], $0x400, s6, s5, $0x38;
	[tilespmem:$0x10000] =	vst v63  }
.Ltmp13:
0x1d0: {  	s10 =	sadd.s32 $0x1400, s8;
	s11 =	sadd.s32 $0x280, s9;
	(pc) =	sbr.rel @p0 .LBB2_28-.Ltmp13, $4  }
0x1d1: {  	[hbm4b:s11+s5] =	stream.strided.scatter [tilespmem:s10], [sflag:$0x1], $0x400, s6, s5, $0x38;
	[tilespmem:$0x10000] =	vst v63  }
0x1d2: {  	s10 =	sadd.s32 $0x1800, s8;
	s11 =	sadd.s32 $0x300, s9  }
0x1d3: {  	[hbm4b:s11+s5] =	stream.strided.scatter [tilespmem:s10], [sflag:$0x1], $0x400, s6, s5, $0x38;
	[tilespmem:$0x10000] =	vst v63  }
0x1d4: {  	s8 =	sadd.s32 $0x1C00, s8;
	s9 =	sadd.s32 $0x380, s9  }
0x1d5: {  	[hbm4b:s9+s5] =	stream.strided.scatter [tilespmem:s8], [sflag:$0x1], $0x400, s6, s5, $0x38;
	[tilespmem:$0x10000] =	vst v63  }
0x1d6: {  	s7 =	simm.s32 $0x0;
	s9 =	sadd.s32 $0x0, s18  }
0x1d7: {  	[hbm4b:s9+s5] =	stream.strided.scatter [tilespmem:s7], [sflag:$0x1], $0x400, s6, s5, $0x38;
	[tilespmem:$0x10000] =	vst v63  }
0x1d8: {  	s8 =	simm.s32 $0x400;
	s10 =	sadd.s32 $0x80, s9  }
0x1d9: {  	[hbm4b:s10+s5] =	stream.strided.scatter [tilespmem:s8], [sflag:$0x1], $0x400, s6, s5, $0x38;
	[tilespmem:$0x10000] =	vst v63  }
0x1da: {  	s11 =	simm.s32 $0x800;
	s12 =	sadd.s32 $0x100, s9  }
0x1db: {  	[hbm4b:s12+s5] =	stream.strided.scatter [tilespmem:s11], [sflag:$0x1], $0x400, s6, s5, $0x38;
	[tilespmem:$0x10000] =	vst v63  }
0x1dc: {  	s8 =	simm.s32 $0xC00;
	s10 =	sadd.s32 $0x180, s9  }
0x1dd: {  	[hbm4b:s10+s5] =	stream.strided.scatter [tilespmem:s8], [sflag:$0x1], $0x400, s6, s5, $0x38;
	[tilespmem:$0x10000] =	vst v63  }
0x1de: {  	s7 =	simm.s32 $0x8000;
	s11 =	simm.s32 $0x1000;
	s12 =	sadd.s32 $0x200, s9  }
0x1df: {  	[hbm4b:s12+s5] =	stream.strided.scatter [tilespmem:s11], [sflag:$0x1], $0x400, s6, s5, $0x38;
	[tilespmem:$0x10000] =	vst v63  }
0x1e0: {  	s8 =	simm.s32 $0x1400;
	s10 =	sadd.s32 $0x280, s9;
	s11 =	simm.s32 $0x1800  }
0x1e1: {  	[hbm4b:s10+s5] =	stream.strided.scatter [tilespmem:s8], [sflag:$0x1], $0x400, s6, s5, $0x38;
	[tilespmem:$0x10000] =	vst v63  }
0x1e2: {  	s12 =	sadd.s32 $0x300, s9;
	s9 =	sadd.s32 $0x380, s9;
	s8 =	simm.s32 $0x1C00  }
0x1e3: {  	[hbm4b:s12+s5] =	stream.strided.scatter [tilespmem:s11], [sflag:$0x1], $0x400, s6, s5, $0x38;
	[tilespmem:$0x10000] =	vst v63  }
.LBB2_30:
0x1e4: {  	[hbm4b:s9+s5] =	stream.strided.scatter [tilespmem:s8], [sflag:$0x1], $0x400, s6, s5, $0x38;
	[tilespmem:$0x10000] =	vst v63  }
0x1e5: {  	s8 =	sshra.s32 s7, $0x2;
	s9 =	sadd.s32 s7, s18;
	p0 =	sne.s32 s7, $0x38000  }
0x1e6: {  	[hbm4b:s9+s5] =	stream.strided.scatter [tilespmem:s8], [sflag:$0x1], $0x400, s6, s5, $0x38;
	[tilespmem:$0x10000] =	vst v63  }
0x1e7: {  	s7 =	sadd.s32 $0x8000, s7;
	s10 =	sadd.s32 $0x400, s8;
	s11 =	sadd.s32 $0x80, s9  }
0x1e8: {  	[hbm4b:s11+s5] =	stream.strided.scatter [tilespmem:s10], [sflag:$0x1], $0x400, s6, s5, $0x38;
	[tilespmem:$0x10000] =	vst v63  }
0x1e9: {  	s10 =	sadd.s32 $0x800, s8;
	s11 =	sadd.s32 $0x100, s9  }
0x1ea: {  	[hbm4b:s11+s5] =	stream.strided.scatter [tilespmem:s10], [sflag:$0x1], $0x400, s6, s5, $0x38;
	[tilespmem:$0x10000] =	vst v63  }
0x1eb: {  	s10 =	sadd.s32 $0xC00, s8;
	s11 =	sadd.s32 $0x180, s9  }
0x1ec: {  	[hbm4b:s11+s5] =	stream.strided.scatter [tilespmem:s10], [sflag:$0x1], $0x400, s6, s5, $0x38;
	[tilespmem:$0x10000] =	vst v63  }
0x1ed: {  	s10 =	sadd.s32 $0x1000, s8;
	s11 =	sadd.s32 $0x200, s9  }
0x1ee: {  	[hbm4b:s11+s5] =	stream.strided.scatter [tilespmem:s10], [sflag:$0x1], $0x400, s6, s5, $0x38;
	[tilespmem:$0x10000] =	vst v63  }
.Ltmp14:
0x1ef: {  	s10 =	sadd.s32 $0x1400, s8;
	s11 =	sadd.s32 $0x280, s9;
	(pc) =	sbr.rel @p0 .LBB2_30-.Ltmp14, $4  }
0x1f0: {  	[hbm4b:s11+s5] =	stream.strided.scatter [tilespmem:s10], [sflag:$0x1], $0x400, s6, s5, $0x38;
	[tilespmem:$0x10000] =	vst v63  }
0x1f1: {  	s10 =	sadd.s32 $0x1800, s8;
	s11 =	sadd.s32 $0x300, s9  }
0x1f2: {  	[hbm4b:s11+s5] =	stream.strided.scatter [tilespmem:s10], [sflag:$0x1], $0x400, s6, s5, $0x38;
	[tilespmem:$0x10000] =	vst v63  }
0x1f3: {  	s8 =	sadd.s32 $0x1C00, s8;
	s9 =	sadd.s32 $0x380, s9  }
0x1f4: {  	[hbm4b:s9+s5] =	stream.strided.scatter [tilespmem:s8], [sflag:$0x1], $0x400, s6, s5, $0x38;
	[tilespmem:$0x10000] =	vst v63  }
0x1f5: {  	s7 =	simm.s32 $0x0;
	s9 =	sadd.s32 $0x0, s19  }
0x1f6: {  	[hbm4b:s9+s5] =	stream.strided.scatter [tilespmem:s7], [sflag:$0x1], $0x400, s6, s5, $0x38;
	[tilespmem:$0x10000] =	vst v63  }
0x1f7: {  	s8 =	simm.s32 $0x400;
	s10 =	sadd.s32 $0x80, s9  }
0x1f8: {  	[hbm4b:s10+s5] =	stream.strided.scatter [tilespmem:s8], [sflag:$0x1], $0x400, s6, s5, $0x38;
	[tilespmem:$0x10000] =	vst v63  }
0x1f9: {  	s11 =	simm.s32 $0x800;
	s12 =	sadd.s32 $0x100, s9  }
0x1fa: {  	[hbm4b:s12+s5] =	stream.strided.scatter [tilespmem:s11], [sflag:$0x1], $0x400, s6, s5, $0x38;
	[tilespmem:$0x10000] =	vst v63  }
0x1fb: {  	s8 =	simm.s32 $0xC00;
	s10 =	sadd.s32 $0x180, s9  }
0x1fc: {  	[hbm4b:s10+s5] =	stream.strided.scatter [tilespmem:s8], [sflag:$0x1], $0x400, s6, s5, $0x38;
	[tilespmem:$0x10000] =	vst v63  }
0x1fd: {  	s7 =	simm.s32 $0x8000;
	s11 =	simm.s32 $0x1000;
	s12 =	sadd.s32 $0x200, s9  }
0x1fe: {  	[hbm4b:s12+s5] =	stream.strided.scatter [tilespmem:s11], [sflag:$0x1], $0x400, s6, s5, $0x38;
	[tilespmem:$0x10000] =	vst v63  }
0x1ff: {  	s8 =	simm.s32 $0x1400;
	s10 =	sadd.s32 $0x280, s9;
	s11 =	simm.s32 $0x1800  }
0x200: {  	[hbm4b:s10+s5] =	stream.strided.scatter [tilespmem:s8], [sflag:$0x1], $0x400, s6, s5, $0x38;
	[tilespmem:$0x10000] =	vst v63  }
0x201: {  	s12 =	sadd.s32 $0x300, s9;
	s9 =	sadd.s32 $0x380, s9;
	s8 =	simm.s32 $0x1C00  }
0x202: {  	[hbm4b:s12+s5] =	stream.strided.scatter [tilespmem:s11], [sflag:$0x1], $0x400, s6, s5, $0x38;
	[tilespmem:$0x10000] =	vst v63  }
.LBB2_32:
0x203: {  	[hbm4b:s9+s5] =	stream.strided.scatter [tilespmem:s8], [sflag:$0x1], $0x400, s6, s5, $0x38;
	[tilespmem:$0x10000] =	vst v63  }
0x204: {  	s8 =	sshra.s32 s7, $0x2;
	s9 =	sadd.s32 s7, s19;
	p0 =	sne.s32 s7, $0x38000  }
0x205: {  	[hbm4b:s9+s5] =	stream.strided.scatter [tilespmem:s8], [sflag:$0x1], $0x400, s6, s5, $0x38;
	[tilespmem:$0x10000] =	vst v63  }
0x206: {  	s7 =	sadd.s32 $0x8000, s7;
	s10 =	sadd.s32 $0x400, s8;
	s11 =	sadd.s32 $0x80, s9  }
0x207: {  	[hbm4b:s11+s5] =	stream.strided.scatter [tilespmem:s10], [sflag:$0x1], $0x400, s6, s5, $0x38;
	[tilespmem:$0x10000] =	vst v63  }
0x208: {  	s10 =	sadd.s32 $0x800, s8;
	s11 =	sadd.s32 $0x100, s9  }
0x209: {  	[hbm4b:s11+s5] =	stream.strided.scatter [tilespmem:s10], [sflag:$0x1], $0x400, s6, s5, $0x38;
	[tilespmem:$0x10000] =	vst v63  }
0x20a: {  	s10 =	sadd.s32 $0xC00, s8;
	s11 =	sadd.s32 $0x180, s9  }
0x20b: {  	[hbm4b:s11+s5] =	stream.strided.scatter [tilespmem:s10], [sflag:$0x1], $0x400, s6, s5, $0x38;
	[tilespmem:$0x10000] =	vst v63  }
0x20c: {  	s10 =	sadd.s32 $0x1000, s8;
	s11 =	sadd.s32 $0x200, s9  }
0x20d: {  	[hbm4b:s11+s5] =	stream.strided.scatter [tilespmem:s10], [sflag:$0x1], $0x400, s6, s5, $0x38;
	[tilespmem:$0x10000] =	vst v63  }
.Ltmp15:
0x20e: {  	s10 =	sadd.s32 $0x1400, s8;
	s11 =	sadd.s32 $0x280, s9;
	(pc) =	sbr.rel @p0 .LBB2_32-.Ltmp15, $4  }
0x20f: {  	[hbm4b:s11+s5] =	stream.strided.scatter [tilespmem:s10], [sflag:$0x1], $0x400, s6, s5, $0x38;
	[tilespmem:$0x10000] =	vst v63  }
0x210: {  	s10 =	sadd.s32 $0x1800, s8;
	s11 =	sadd.s32 $0x300, s9  }
0x211: {  	[hbm4b:s11+s5] =	stream.strided.scatter [tilespmem:s10], [sflag:$0x1], $0x400, s6, s5, $0x38;
	[tilespmem:$0x10000] =	vst v63  }
0x212: {  	s8 =	sadd.s32 $0x1C00, s8;
	s9 =	sadd.s32 $0x380, s9  }
0x213: {  	[hbm4b:s9+s5] =	stream.strided.scatter [tilespmem:s8], [sflag:$0x1], $0x400, s6, s5, $0x38;
	[tilespmem:$0x10000] =	vst v63  }
0x214: {  	s7 =	simm.s32 $0x0;
	s9 =	sadd.s32 $0x0, s20  }
0x215: {  	[hbm4b:s9+s5] =	stream.strided.scatter [tilespmem:s7], [sflag:$0x1], $0x400, s6, s5, $0x38;
	[tilespmem:$0x10000] =	vst v63  }
0x216: {  	s8 =	simm.s32 $0x400;
	s10 =	sadd.s32 $0x80, s9  }
0x217: {  	[hbm4b:s10+s5] =	stream.strided.scatter [tilespmem:s8], [sflag:$0x1], $0x400, s6, s5, $0x38;
	[tilespmem:$0x10000] =	vst v63  }
0x218: {  	s11 =	simm.s32 $0x800;
	s12 =	sadd.s32 $0x100, s9  }
0x219: {  	[hbm4b:s12+s5] =	stream.strided.scatter [tilespmem:s11], [sflag:$0x1], $0x400, s6, s5, $0x38;
	[tilespmem:$0x10000] =	vst v63  }
0x21a: {  	s8 =	simm.s32 $0xC00;
	s10 =	sadd.s32 $0x180, s9  }
0x21b: {  	[hbm4b:s10+s5] =	stream.strided.scatter [tilespmem:s8], [sflag:$0x1], $0x400, s6, s5, $0x38;
	[tilespmem:$0x10000] =	vst v63  }
0x21c: {  	s7 =	simm.s32 $0x8000;
	s11 =	simm.s32 $0x1000;
	s12 =	sadd.s32 $0x200, s9  }
0x21d: {  	[hbm4b:s12+s5] =	stream.strided.scatter [tilespmem:s11], [sflag:$0x1], $0x400, s6, s5, $0x38;
	[tilespmem:$0x10000] =	vst v63  }
0x21e: {  	s8 =	simm.s32 $0x1400;
	s10 =	sadd.s32 $0x280, s9;
	s11 =	simm.s32 $0x1800  }
0x21f: {  	[hbm4b:s10+s5] =	stream.strided.scatter [tilespmem:s8], [sflag:$0x1], $0x400, s6, s5, $0x38;
	[tilespmem:$0x10000] =	vst v63  }
0x220: {  	s12 =	sadd.s32 $0x300, s9;
	s9 =	sadd.s32 $0x380, s9;
	s8 =	simm.s32 $0x1C00  }
0x221: {  	[hbm4b:s12+s5] =	stream.strided.scatter [tilespmem:s11], [sflag:$0x1], $0x400, s6, s5, $0x38;
	[tilespmem:$0x10000] =	vst v63  }
.LBB2_34:
0x222: {  	[hbm4b:s9+s5] =	stream.strided.scatter [tilespmem:s8], [sflag:$0x1], $0x400, s6, s5, $0x38;
	[tilespmem:$0x10000] =	vst v63  }
0x223: {  	s8 =	sshra.s32 s7, $0x2;
	s9 =	sadd.s32 s7, s20;
	p0 =	sne.s32 s7, $0x38000  }
0x224: {  	[hbm4b:s9+s5] =	stream.strided.scatter [tilespmem:s8], [sflag:$0x1], $0x400, s6, s5, $0x38;
	[tilespmem:$0x10000] =	vst v63  }
0x225: {  	s7 =	sadd.s32 $0x8000, s7;
	s10 =	sadd.s32 $0x400, s8;
	s11 =	sadd.s32 $0x80, s9  }
0x226: {  	[hbm4b:s11+s5] =	stream.strided.scatter [tilespmem:s10], [sflag:$0x1], $0x400, s6, s5, $0x38;
	[tilespmem:$0x10000] =	vst v63  }
0x227: {  	s10 =	sadd.s32 $0x800, s8;
	s11 =	sadd.s32 $0x100, s9  }
0x228: {  	[hbm4b:s11+s5] =	stream.strided.scatter [tilespmem:s10], [sflag:$0x1], $0x400, s6, s5, $0x38;
	[tilespmem:$0x10000] =	vst v63  }
0x229: {  	s10 =	sadd.s32 $0xC00, s8;
	s11 =	sadd.s32 $0x180, s9  }
0x22a: {  	[hbm4b:s11+s5] =	stream.strided.scatter [tilespmem:s10], [sflag:$0x1], $0x400, s6, s5, $0x38;
	[tilespmem:$0x10000] =	vst v63  }
0x22b: {  	s10 =	sadd.s32 $0x1000, s8;
	s11 =	sadd.s32 $0x200, s9  }
0x22c: {  	[hbm4b:s11+s5] =	stream.strided.scatter [tilespmem:s10], [sflag:$0x1], $0x400, s6, s5, $0x38;
	[tilespmem:$0x10000] =	vst v63  }
.Ltmp16:
0x22d: {  	s10 =	sadd.s32 $0x1400, s8;
	s11 =	sadd.s32 $0x280, s9;
	(pc) =	sbr.rel @p0 .LBB2_34-.Ltmp16, $4  }
0x22e: {  	[hbm4b:s11+s5] =	stream.strided.scatter [tilespmem:s10], [sflag:$0x1], $0x400, s6, s5, $0x38;
	[tilespmem:$0x10000] =	vst v63  }
0x22f: {  	s10 =	sadd.s32 $0x1800, s8;
	s11 =	sadd.s32 $0x300, s9  }
0x230: {  	[hbm4b:s11+s5] =	stream.strided.scatter [tilespmem:s10], [sflag:$0x1], $0x400, s6, s5, $0x38;
	[tilespmem:$0x10000] =	vst v63  }
0x231: {  	s8 =	sadd.s32 $0x1C00, s8;
	s9 =	sadd.s32 $0x380, s9  }
0x232: {  	[hbm4b:s9+s5] =	stream.strided.scatter [tilespmem:s8], [sflag:$0x1], $0x400, s6, s5, $0x38;
	[tilespmem:$0x10000] =	vst v63  }
0x233: {  	s7 =	simm.s32 $0x0;
	s9 =	sadd.s32 $0x0, s21  }
0x234: {  	[hbm4b:s9+s5] =	stream.strided.scatter [tilespmem:s7], [sflag:$0x1], $0x400, s6, s5, $0x38;
	[tilespmem:$0x10000] =	vst v63  }
0x235: {  	s8 =	simm.s32 $0x400;
	s10 =	sadd.s32 $0x80, s9  }
0x236: {  	[hbm4b:s10+s5] =	stream.strided.scatter [tilespmem:s8], [sflag:$0x1], $0x400, s6, s5, $0x38;
	[tilespmem:$0x10000] =	vst v63  }
0x237: {  	s11 =	simm.s32 $0x800;
	s12 =	sadd.s32 $0x100, s9  }
0x238: {  	[hbm4b:s12+s5] =	stream.strided.scatter [tilespmem:s11], [sflag:$0x1], $0x400, s6, s5, $0x38;
	[tilespmem:$0x10000] =	vst v63  }
0x239: {  	s8 =	simm.s32 $0xC00;
	s10 =	sadd.s32 $0x180, s9  }
0x23a: {  	[hbm4b:s10+s5] =	stream.strided.scatter [tilespmem:s8], [sflag:$0x1], $0x400, s6, s5, $0x38;
	[tilespmem:$0x10000] =	vst v63  }
0x23b: {  	s7 =	simm.s32 $0x8000;
	s11 =	simm.s32 $0x1000;
	s12 =	sadd.s32 $0x200, s9  }
0x23c: {  	[hbm4b:s12+s5] =	stream.strided.scatter [tilespmem:s11], [sflag:$0x1], $0x400, s6, s5, $0x38;
	[tilespmem:$0x10000] =	vst v63  }
0x23d: {  	s8 =	simm.s32 $0x1400;
	s10 =	sadd.s32 $0x280, s9;
	s11 =	simm.s32 $0x1800  }
0x23e: {  	[hbm4b:s10+s5] =	stream.strided.scatter [tilespmem:s8], [sflag:$0x1], $0x400, s6, s5, $0x38;
	[tilespmem:$0x10000] =	vst v63  }
0x23f: {  	s12 =	sadd.s32 $0x300, s9;
	s9 =	sadd.s32 $0x380, s9;
	s8 =	simm.s32 $0x1C00  }
0x240: {  	[hbm4b:s12+s5] =	stream.strided.scatter [tilespmem:s11], [sflag:$0x1], $0x400, s6, s5, $0x38;
	[tilespmem:$0x10000] =	vst v63  }
.LBB2_36:
0x241: {  	[hbm4b:s9+s5] =	stream.strided.scatter [tilespmem:s8], [sflag:$0x1], $0x400, s6, s5, $0x38;
	[tilespmem:$0x10000] =	vst v63  }
0x242: {  	s8 =	sshra.s32 s7, $0x2;
	s9 =	sadd.s32 s7, s21;
	p0 =	sne.s32 s7, $0x38000  }
0x243: {  	[hbm4b:s9+s5] =	stream.strided.scatter [tilespmem:s8], [sflag:$0x1], $0x400, s6, s5, $0x38;
	[tilespmem:$0x10000] =	vst v63  }
0x244: {  	s7 =	sadd.s32 $0x8000, s7;
	s10 =	sadd.s32 $0x400, s8;
	s11 =	sadd.s32 $0x80, s9  }
0x245: {  	[hbm4b:s11+s5] =	stream.strided.scatter [tilespmem:s10], [sflag:$0x1], $0x400, s6, s5, $0x38;
	[tilespmem:$0x10000] =	vst v63  }
0x246: {  	s10 =	sadd.s32 $0x800, s8;
	s11 =	sadd.s32 $0x100, s9  }
0x247: {  	[hbm4b:s11+s5] =	stream.strided.scatter [tilespmem:s10], [sflag:$0x1], $0x400, s6, s5, $0x38;
	[tilespmem:$0x10000] =	vst v63  }
0x248: {  	s10 =	sadd.s32 $0xC00, s8;
	s11 =	sadd.s32 $0x180, s9  }
0x249: {  	[hbm4b:s11+s5] =	stream.strided.scatter [tilespmem:s10], [sflag:$0x1], $0x400, s6, s5, $0x38;
	[tilespmem:$0x10000] =	vst v63  }
0x24a: {  	s10 =	sadd.s32 $0x1000, s8;
	s11 =	sadd.s32 $0x200, s9  }
0x24b: {  	[hbm4b:s11+s5] =	stream.strided.scatter [tilespmem:s10], [sflag:$0x1], $0x400, s6, s5, $0x38;
	[tilespmem:$0x10000] =	vst v63  }
.Ltmp17:
0x24c: {  	s10 =	sadd.s32 $0x1400, s8;
	s11 =	sadd.s32 $0x280, s9;
	(pc) =	sbr.rel @p0 .LBB2_36-.Ltmp17, $4  }
0x24d: {  	[hbm4b:s11+s5] =	stream.strided.scatter [tilespmem:s10], [sflag:$0x1], $0x400, s6, s5, $0x38;
	[tilespmem:$0x10000] =	vst v63  }
0x24e: {  	s10 =	sadd.s32 $0x1800, s8;
	s11 =	sadd.s32 $0x300, s9  }
0x24f: {  	[hbm4b:s11+s5] =	stream.strided.scatter [tilespmem:s10], [sflag:$0x1], $0x400, s6, s5, $0x38;
	[tilespmem:$0x10000] =	vst v63  }
0x250: {  	s8 =	sadd.s32 $0x1C00, s8;
	s9 =	sadd.s32 $0x380, s9  }
0x251: {  	[hbm4b:s9+s5] =	stream.strided.scatter [tilespmem:s8], [sflag:$0x1], $0x400, s6, s5, $0x38;
	[tilespmem:$0x10000] =	vst v63  }
0x252: {  	s7 =	simm.s32 $0x0;
	s9 =	sadd.s32 $0x0, s22  }
0x253: {  	[hbm4b:s9+s5] =	stream.strided.scatter [tilespmem:s7], [sflag:$0x1], $0x400, s6, s5, $0x38;
	[tilespmem:$0x10000] =	vst v63  }
0x254: {  	s8 =	simm.s32 $0x400;
	s10 =	sadd.s32 $0x80, s9  }
0x255: {  	[hbm4b:s10+s5] =	stream.strided.scatter [tilespmem:s8], [sflag:$0x1], $0x400, s6, s5, $0x38;
	[tilespmem:$0x10000] =	vst v63  }
0x256: {  	s11 =	simm.s32 $0x800;
	s12 =	sadd.s32 $0x100, s9  }
0x257: {  	[hbm4b:s12+s5] =	stream.strided.scatter [tilespmem:s11], [sflag:$0x1], $0x400, s6, s5, $0x38;
	[tilespmem:$0x10000] =	vst v63  }
0x258: {  	s8 =	simm.s32 $0xC00;
	s10 =	sadd.s32 $0x180, s9  }
0x259: {  	[hbm4b:s10+s5] =	stream.strided.scatter [tilespmem:s8], [sflag:$0x1], $0x400, s6, s5, $0x38;
	[tilespmem:$0x10000] =	vst v63  }
0x25a: {  	s7 =	simm.s32 $0x8000;
	s11 =	simm.s32 $0x1000;
	s12 =	sadd.s32 $0x200, s9  }
0x25b: {  	[hbm4b:s12+s5] =	stream.strided.scatter [tilespmem:s11], [sflag:$0x1], $0x400, s6, s5, $0x38;
	[tilespmem:$0x10000] =	vst v63  }
0x25c: {  	s8 =	simm.s32 $0x1400;
	s10 =	sadd.s32 $0x280, s9;
	s11 =	simm.s32 $0x1800  }
0x25d: {  	[hbm4b:s10+s5] =	stream.strided.scatter [tilespmem:s8], [sflag:$0x1], $0x400, s6, s5, $0x38;
	[tilespmem:$0x10000] =	vst v63  }
0x25e: {  	s12 =	sadd.s32 $0x300, s9;
	s9 =	sadd.s32 $0x380, s9;
	s8 =	simm.s32 $0x1C00  }
0x25f: {  	[hbm4b:s12+s5] =	stream.strided.scatter [tilespmem:s11], [sflag:$0x1], $0x400, s6, s5, $0x38;
	[tilespmem:$0x10000] =	vst v63  }
.LBB2_38:
0x260: {  	[hbm4b:s9+s5] =	stream.strided.scatter [tilespmem:s8], [sflag:$0x1], $0x400, s6, s5, $0x38;
	[tilespmem:$0x10000] =	vst v63  }
0x261: {  	s8 =	sshra.s32 s7, $0x2;
	s9 =	sadd.s32 s7, s22;
	p0 =	sne.s32 s7, $0x38000  }
0x262: {  	[hbm4b:s9+s5] =	stream.strided.scatter [tilespmem:s8], [sflag:$0x1], $0x400, s6, s5, $0x38;
	[tilespmem:$0x10000] =	vst v63  }
0x263: {  	s7 =	sadd.s32 $0x8000, s7;
	s10 =	sadd.s32 $0x400, s8;
	s11 =	sadd.s32 $0x80, s9  }
0x264: {  	[hbm4b:s11+s5] =	stream.strided.scatter [tilespmem:s10], [sflag:$0x1], $0x400, s6, s5, $0x38;
	[tilespmem:$0x10000] =	vst v63  }
0x265: {  	s10 =	sadd.s32 $0x800, s8;
	s11 =	sadd.s32 $0x100, s9  }
0x266: {  	[hbm4b:s11+s5] =	stream.strided.scatter [tilespmem:s10], [sflag:$0x1], $0x400, s6, s5, $0x38;
	[tilespmem:$0x10000] =	vst v63  }
0x267: {  	s10 =	sadd.s32 $0xC00, s8;
	s11 =	sadd.s32 $0x180, s9  }
0x268: {  	[hbm4b:s11+s5] =	stream.strided.scatter [tilespmem:s10], [sflag:$0x1], $0x400, s6, s5, $0x38;
	[tilespmem:$0x10000] =	vst v63  }
0x269: {  	s10 =	sadd.s32 $0x1000, s8;
	s11 =	sadd.s32 $0x200, s9  }
0x26a: {  	[hbm4b:s11+s5] =	stream.strided.scatter [tilespmem:s10], [sflag:$0x1], $0x400, s6, s5, $0x38;
	[tilespmem:$0x10000] =	vst v63  }
.Ltmp18:
0x26b: {  	s10 =	sadd.s32 $0x1400, s8;
	s11 =	sadd.s32 $0x280, s9;
	(pc) =	sbr.rel @p0 .LBB2_38-.Ltmp18, $4  }
0x26c: {  	[hbm4b:s11+s5] =	stream.strided.scatter [tilespmem:s10], [sflag:$0x1], $0x400, s6, s5, $0x38;
	[tilespmem:$0x10000] =	vst v63  }
0x26d: {  	s10 =	sadd.s32 $0x1800, s8;
	s11 =	sadd.s32 $0x300, s9  }
0x26e: {  	[hbm4b:s11+s5] =	stream.strided.scatter [tilespmem:s10], [sflag:$0x1], $0x400, s6, s5, $0x38;
	[tilespmem:$0x10000] =	vst v63  }
0x26f: {  	s8 =	sadd.s32 $0x1C00, s8;
	s9 =	sadd.s32 $0x380, s9  }
0x270: {  	[hbm4b:s9+s5] =	stream.strided.scatter [tilespmem:s8], [sflag:$0x1], $0x400, s6, s5, $0x38;
	[tilespmem:$0x10000] =	vst v63  }
0x271: {  	s7 =	simm.s32 $0x0;
	s9 =	sadd.s32 $0x0, s23  }
0x272: {  	[hbm4b:s9+s5] =	stream.strided.scatter [tilespmem:s7], [sflag:$0x1], $0x400, s6, s5, $0x38;
	[tilespmem:$0x10000] =	vst v63  }
0x273: {  	s8 =	simm.s32 $0x400;
	s10 =	sadd.s32 $0x80, s9  }
0x274: {  	[hbm4b:s10+s5] =	stream.strided.scatter [tilespmem:s8], [sflag:$0x1], $0x400, s6, s5, $0x38;
	[tilespmem:$0x10000] =	vst v63  }
0x275: {  	s11 =	simm.s32 $0x800;
	s12 =	sadd.s32 $0x100, s9  }
0x276: {  	[hbm4b:s12+s5] =	stream.strided.scatter [tilespmem:s11], [sflag:$0x1], $0x400, s6, s5, $0x38;
	[tilespmem:$0x10000] =	vst v63  }
0x277: {  	s8 =	simm.s32 $0xC00;
	s10 =	sadd.s32 $0x180, s9  }
0x278: {  	[hbm4b:s10+s5] =	stream.strided.scatter [tilespmem:s8], [sflag:$0x1], $0x400, s6, s5, $0x38;
	[tilespmem:$0x10000] =	vst v63  }
0x279: {  	s7 =	simm.s32 $0x8000;
	s11 =	simm.s32 $0x1000;
	s12 =	sadd.s32 $0x200, s9  }
0x27a: {  	[hbm4b:s12+s5] =	stream.strided.scatter [tilespmem:s11], [sflag:$0x1], $0x400, s6, s5, $0x38;
	[tilespmem:$0x10000] =	vst v63  }
0x27b: {  	s8 =	simm.s32 $0x1400;
	s10 =	sadd.s32 $0x280, s9;
	s11 =	simm.s32 $0x1800  }
0x27c: {  	[hbm4b:s10+s5] =	stream.strided.scatter [tilespmem:s8], [sflag:$0x1], $0x400, s6, s5, $0x38;
	[tilespmem:$0x10000] =	vst v63  }
0x27d: {  	s12 =	sadd.s32 $0x300, s9;
	s9 =	sadd.s32 $0x380, s9;
	s8 =	simm.s32 $0x1C00  }
0x27e: {  	[hbm4b:s12+s5] =	stream.strided.scatter [tilespmem:s11], [sflag:$0x1], $0x400, s6, s5, $0x38;
	[tilespmem:$0x10000] =	vst v63  }
.LBB2_40:
0x27f: {  	[hbm4b:s9+s5] =	stream.strided.scatter [tilespmem:s8], [sflag:$0x1], $0x400, s6, s5, $0x38;
	[tilespmem:$0x10000] =	vst v63  }
0x280: {  	s8 =	sshra.s32 s7, $0x2;
	s9 =	sadd.s32 s7, s23;
	p0 =	sne.s32 s7, $0x38000  }
0x281: {  	[hbm4b:s9+s5] =	stream.strided.scatter [tilespmem:s8], [sflag:$0x1], $0x400, s6, s5, $0x38;
	[tilespmem:$0x10000] =	vst v63  }
0x282: {  	s7 =	sadd.s32 $0x8000, s7;
	s10 =	sadd.s32 $0x400, s8;
	s11 =	sadd.s32 $0x80, s9  }
0x283: {  	[hbm4b:s11+s5] =	stream.strided.scatter [tilespmem:s10], [sflag:$0x1], $0x400, s6, s5, $0x38;
	[tilespmem:$0x10000] =	vst v63  }
0x284: {  	s10 =	sadd.s32 $0x800, s8;
	s11 =	sadd.s32 $0x100, s9  }
0x285: {  	[hbm4b:s11+s5] =	stream.strided.scatter [tilespmem:s10], [sflag:$0x1], $0x400, s6, s5, $0x38;
	[tilespmem:$0x10000] =	vst v63  }
0x286: {  	s10 =	sadd.s32 $0xC00, s8;
	s11 =	sadd.s32 $0x180, s9  }
0x287: {  	[hbm4b:s11+s5] =	stream.strided.scatter [tilespmem:s10], [sflag:$0x1], $0x400, s6, s5, $0x38;
	[tilespmem:$0x10000] =	vst v63  }
0x288: {  	s10 =	sadd.s32 $0x1000, s8;
	s11 =	sadd.s32 $0x200, s9  }
0x289: {  	[hbm4b:s11+s5] =	stream.strided.scatter [tilespmem:s10], [sflag:$0x1], $0x400, s6, s5, $0x38;
	[tilespmem:$0x10000] =	vst v63  }
.Ltmp19:
0x28a: {  	s10 =	sadd.s32 $0x1400, s8;
	s11 =	sadd.s32 $0x280, s9;
	(pc) =	sbr.rel @p0 .LBB2_40-.Ltmp19, $4  }
0x28b: {  	[hbm4b:s11+s5] =	stream.strided.scatter [tilespmem:s10], [sflag:$0x1], $0x400, s6, s5, $0x38;
	[tilespmem:$0x10000] =	vst v63  }
0x28c: {  	s10 =	sadd.s32 $0x1800, s8;
	s11 =	sadd.s32 $0x300, s9  }
0x28d: {  	[hbm4b:s11+s5] =	stream.strided.scatter [tilespmem:s10], [sflag:$0x1], $0x400, s6, s5, $0x38;
	[tilespmem:$0x10000] =	vst v63  }
0x28e: {  	s8 =	sadd.s32 $0x1C00, s8;
	s9 =	sadd.s32 $0x380, s9  }
0x28f: {  	[hbm4b:s9+s5] =	stream.strided.scatter [tilespmem:s8], [sflag:$0x1], $0x400, s6, s5, $0x38;
	[tilespmem:$0x10000] =	vst v63  }
0x290: {  	s7 =	simm.s32 $0x0;
	s9 =	sadd.s32 $0x0, s24  }
0x291: {  	[hbm4b:s9+s5] =	stream.strided.scatter [tilespmem:s7], [sflag:$0x1], $0x400, s6, s5, $0x38;
	[tilespmem:$0x10000] =	vst v63  }
0x292: {  	s8 =	simm.s32 $0x400;
	s10 =	sadd.s32 $0x80, s9  }
0x293: {  	[hbm4b:s10+s5] =	stream.strided.scatter [tilespmem:s8], [sflag:$0x1], $0x400, s6, s5, $0x38;
	[tilespmem:$0x10000] =	vst v63  }
0x294: {  	s11 =	simm.s32 $0x800;
	s12 =	sadd.s32 $0x100, s9  }
0x295: {  	[hbm4b:s12+s5] =	stream.strided.scatter [tilespmem:s11], [sflag:$0x1], $0x400, s6, s5, $0x38;
	[tilespmem:$0x10000] =	vst v63  }
0x296: {  	s8 =	simm.s32 $0xC00;
	s10 =	sadd.s32 $0x180, s9  }
0x297: {  	[hbm4b:s10+s5] =	stream.strided.scatter [tilespmem:s8], [sflag:$0x1], $0x400, s6, s5, $0x38;
	[tilespmem:$0x10000] =	vst v63  }
0x298: {  	s7 =	simm.s32 $0x8000;
	s11 =	simm.s32 $0x1000;
	s12 =	sadd.s32 $0x200, s9  }
0x299: {  	[hbm4b:s12+s5] =	stream.strided.scatter [tilespmem:s11], [sflag:$0x1], $0x400, s6, s5, $0x38;
	[tilespmem:$0x10000] =	vst v63  }
0x29a: {  	s8 =	simm.s32 $0x1400;
	s10 =	sadd.s32 $0x280, s9;
	s11 =	simm.s32 $0x1800  }
0x29b: {  	[hbm4b:s10+s5] =	stream.strided.scatter [tilespmem:s8], [sflag:$0x1], $0x400, s6, s5, $0x38;
	[tilespmem:$0x10000] =	vst v63  }
0x29c: {  	s12 =	sadd.s32 $0x300, s9;
	s9 =	sadd.s32 $0x380, s9;
	s8 =	simm.s32 $0x1C00  }
0x29d: {  	[hbm4b:s12+s5] =	stream.strided.scatter [tilespmem:s11], [sflag:$0x1], $0x400, s6, s5, $0x38;
	[tilespmem:$0x10000] =	vst v63  }
.LBB2_42:
0x29e: {  	[hbm4b:s9+s5] =	stream.strided.scatter [tilespmem:s8], [sflag:$0x1], $0x400, s6, s5, $0x38;
	[tilespmem:$0x10000] =	vst v63  }
0x29f: {  	s8 =	sshra.s32 s7, $0x2;
	s9 =	sadd.s32 s7, s24;
	p0 =	sne.s32 s7, $0x38000  }
0x2a0: {  	[hbm4b:s9+s5] =	stream.strided.scatter [tilespmem:s8], [sflag:$0x1], $0x400, s6, s5, $0x38;
	[tilespmem:$0x10000] =	vst v63  }
0x2a1: {  	s7 =	sadd.s32 $0x8000, s7;
	s10 =	sadd.s32 $0x400, s8;
	s11 =	sadd.s32 $0x80, s9  }
0x2a2: {  	[hbm4b:s11+s5] =	stream.strided.scatter [tilespmem:s10], [sflag:$0x1], $0x400, s6, s5, $0x38;
	[tilespmem:$0x10000] =	vst v63  }
0x2a3: {  	s10 =	sadd.s32 $0x800, s8;
	s11 =	sadd.s32 $0x100, s9  }
0x2a4: {  	[hbm4b:s11+s5] =	stream.strided.scatter [tilespmem:s10], [sflag:$0x1], $0x400, s6, s5, $0x38;
	[tilespmem:$0x10000] =	vst v63  }
0x2a5: {  	s10 =	sadd.s32 $0xC00, s8;
	s11 =	sadd.s32 $0x180, s9  }
0x2a6: {  	[hbm4b:s11+s5] =	stream.strided.scatter [tilespmem:s10], [sflag:$0x1], $0x400, s6, s5, $0x38;
	[tilespmem:$0x10000] =	vst v63  }
0x2a7: {  	s10 =	sadd.s32 $0x1000, s8;
	s11 =	sadd.s32 $0x200, s9  }
0x2a8: {  	[hbm4b:s11+s5] =	stream.strided.scatter [tilespmem:s10], [sflag:$0x1], $0x400, s6, s5, $0x38;
	[tilespmem:$0x10000] =	vst v63  }
.Ltmp20:
0x2a9: {  	s10 =	sadd.s32 $0x1400, s8;
	s11 =	sadd.s32 $0x280, s9;
	(pc) =	sbr.rel @p0 .LBB2_42-.Ltmp20, $4  }
0x2aa: {  	[hbm4b:s11+s5] =	stream.strided.scatter [tilespmem:s10], [sflag:$0x1], $0x400, s6, s5, $0x38;
	[tilespmem:$0x10000] =	vst v63  }
0x2ab: {  	s10 =	sadd.s32 $0x1800, s8;
	s11 =	sadd.s32 $0x300, s9  }
0x2ac: {  	[hbm4b:s11+s5] =	stream.strided.scatter [tilespmem:s10], [sflag:$0x1], $0x400, s6, s5, $0x38;
	[tilespmem:$0x10000] =	vst v63  }
0x2ad: {  	s8 =	sadd.s32 $0x1C00, s8;
	s9 =	sadd.s32 $0x380, s9  }
0x2ae: {  	[hbm4b:s9+s5] =	stream.strided.scatter [tilespmem:s8], [sflag:$0x1], $0x400, s6, s5, $0x38;
	[tilespmem:$0x10000] =	vst v63  }
0x2af: {  	s7 =	simm.s32 $0x0;
	s9 =	sadd.s32 $0x0, s26  }
0x2b0: {  	[hbm4b:s9+s5] =	stream.strided.scatter [tilespmem:s7], [sflag:$0x1], $0x400, s6, s5, $0x38;
	[tilespmem:$0x10000] =	vst v63  }
0x2b1: {  	s8 =	simm.s32 $0x400;
	s10 =	sadd.s32 $0x80, s9  }
0x2b2: {  	[hbm4b:s10+s5] =	stream.strided.scatter [tilespmem:s8], [sflag:$0x1], $0x400, s6, s5, $0x38;
	[tilespmem:$0x10000] =	vst v63  }
0x2b3: {  	s11 =	simm.s32 $0x800;
	s12 =	sadd.s32 $0x100, s9  }
0x2b4: {  	[hbm4b:s12+s5] =	stream.strided.scatter [tilespmem:s11], [sflag:$0x1], $0x400, s6, s5, $0x38;
	[tilespmem:$0x10000] =	vst v63  }
0x2b5: {  	s8 =	simm.s32 $0xC00;
	s10 =	sadd.s32 $0x180, s9  }
0x2b6: {  	[hbm4b:s10+s5] =	stream.strided.scatter [tilespmem:s8], [sflag:$0x1], $0x400, s6, s5, $0x38;
	[tilespmem:$0x10000] =	vst v63  }
0x2b7: {  	s7 =	simm.s32 $0x8000;
	s11 =	simm.s32 $0x1000;
	s12 =	sadd.s32 $0x200, s9  }
0x2b8: {  	[hbm4b:s12+s5] =	stream.strided.scatter [tilespmem:s11], [sflag:$0x1], $0x400, s6, s5, $0x38;
	[tilespmem:$0x10000] =	vst v63  }
0x2b9: {  	s8 =	simm.s32 $0x1400;
	s10 =	sadd.s32 $0x280, s9;
	s11 =	simm.s32 $0x1800  }
0x2ba: {  	[hbm4b:s10+s5] =	stream.strided.scatter [tilespmem:s8], [sflag:$0x1], $0x400, s6, s5, $0x38;
	[tilespmem:$0x10000] =	vst v63  }
0x2bb: {  	s12 =	sadd.s32 $0x300, s9;
	s9 =	sadd.s32 $0x380, s9;
	s8 =	simm.s32 $0x1C00  }
0x2bc: {  	[hbm4b:s12+s5] =	stream.strided.scatter [tilespmem:s11], [sflag:$0x1], $0x400, s6, s5, $0x38;
	[tilespmem:$0x10000] =	vst v63  }
.LBB2_44:
0x2bd: {  	[hbm4b:s9+s5] =	stream.strided.scatter [tilespmem:s8], [sflag:$0x1], $0x400, s6, s5, $0x38;
	[tilespmem:$0x10000] =	vst v63  }
0x2be: {  	s8 =	sshra.s32 s7, $0x2;
	s9 =	sadd.s32 s7, s26;
	p0 =	sne.s32 s7, $0x38000  }
0x2bf: {  	[hbm4b:s9+s5] =	stream.strided.scatter [tilespmem:s8], [sflag:$0x1], $0x400, s6, s5, $0x38;
	[tilespmem:$0x10000] =	vst v63  }
0x2c0: {  	s7 =	sadd.s32 $0x8000, s7;
	s10 =	sadd.s32 $0x400, s8;
	s11 =	sadd.s32 $0x80, s9  }
0x2c1: {  	[hbm4b:s11+s5] =	stream.strided.scatter [tilespmem:s10], [sflag:$0x1], $0x400, s6, s5, $0x38;
	[tilespmem:$0x10000] =	vst v63  }
0x2c2: {  	s10 =	sadd.s32 $0x800, s8;
	s11 =	sadd.s32 $0x100, s9  }
0x2c3: {  	[hbm4b:s11+s5] =	stream.strided.scatter [tilespmem:s10], [sflag:$0x1], $0x400, s6, s5, $0x38;
	[tilespmem:$0x10000] =	vst v63  }
0x2c4: {  	s10 =	sadd.s32 $0xC00, s8;
	s11 =	sadd.s32 $0x180, s9  }
0x2c5: {  	[hbm4b:s11+s5] =	stream.strided.scatter [tilespmem:s10], [sflag:$0x1], $0x400, s6, s5, $0x38;
	[tilespmem:$0x10000] =	vst v63  }
0x2c6: {  	s10 =	sadd.s32 $0x1000, s8;
	s11 =	sadd.s32 $0x200, s9  }
0x2c7: {  	[hbm4b:s11+s5] =	stream.strided.scatter [tilespmem:s10], [sflag:$0x1], $0x400, s6, s5, $0x38;
	[tilespmem:$0x10000] =	vst v63  }
.Ltmp21:
0x2c8: {  	s10 =	sadd.s32 $0x1400, s8;
	s11 =	sadd.s32 $0x280, s9;
	(pc) =	sbr.rel @p0 .LBB2_44-.Ltmp21, $4  }
0x2c9: {  	[hbm4b:s11+s5] =	stream.strided.scatter [tilespmem:s10], [sflag:$0x1], $0x400, s6, s5, $0x38;
	[tilespmem:$0x10000] =	vst v63  }
0x2ca: {  	s10 =	sadd.s32 $0x1800, s8;
	s11 =	sadd.s32 $0x300, s9  }
0x2cb: {  	[hbm4b:s11+s5] =	stream.strided.scatter [tilespmem:s10], [sflag:$0x1], $0x400, s6, s5, $0x38;
	[tilespmem:$0x10000] =	vst v63  }
0x2cc: {  	s8 =	sadd.s32 $0x1C00, s8;
	s9 =	sadd.s32 $0x380, s9  }
0x2cd: {  	[hbm4b:s9+s5] =	stream.strided.scatter [tilespmem:s8], [sflag:$0x1], $0x400, s6, s5, $0x38;
	[tilespmem:$0x10000] =	vst v63  }
0x2ce: {  	s7 =	simm.s32 $0x0;
	s9 =	sadd.s32 $0x0, s28  }
0x2cf: {  	[hbm4b:s9+s5] =	stream.strided.scatter [tilespmem:s7], [sflag:$0x1], $0x400, s6, s5, $0x38;
	[tilespmem:$0x10000] =	vst v63  }
0x2d0: {  	s8 =	simm.s32 $0x400;
	s10 =	sadd.s32 $0x80, s9  }
0x2d1: {  	[hbm4b:s10+s5] =	stream.strided.scatter [tilespmem:s8], [sflag:$0x1], $0x400, s6, s5, $0x38;
	[tilespmem:$0x10000] =	vst v63  }
0x2d2: {  	s11 =	simm.s32 $0x800;
	s12 =	sadd.s32 $0x100, s9  }
0x2d3: {  	[hbm4b:s12+s5] =	stream.strided.scatter [tilespmem:s11], [sflag:$0x1], $0x400, s6, s5, $0x38;
	[tilespmem:$0x10000] =	vst v63  }
0x2d4: {  	s8 =	simm.s32 $0xC00;
	s10 =	sadd.s32 $0x180, s9  }
0x2d5: {  	[hbm4b:s10+s5] =	stream.strided.scatter [tilespmem:s8], [sflag:$0x1], $0x400, s6, s5, $0x38;
	[tilespmem:$0x10000] =	vst v63  }
0x2d6: {  	s7 =	simm.s32 $0x8000;
	s11 =	simm.s32 $0x1000;
	s12 =	sadd.s32 $0x200, s9  }
0x2d7: {  	[hbm4b:s12+s5] =	stream.strided.scatter [tilespmem:s11], [sflag:$0x1], $0x400, s6, s5, $0x38;
	[tilespmem:$0x10000] =	vst v63  }
0x2d8: {  	s8 =	simm.s32 $0x1400;
	s10 =	sadd.s32 $0x280, s9;
	s11 =	simm.s32 $0x1800  }
0x2d9: {  	[hbm4b:s10+s5] =	stream.strided.scatter [tilespmem:s8], [sflag:$0x1], $0x400, s6, s5, $0x38;
	[tilespmem:$0x10000] =	vst v63  }
0x2da: {  	s12 =	sadd.s32 $0x300, s9;
	s9 =	sadd.s32 $0x380, s9;
	s8 =	simm.s32 $0x1C00  }
0x2db: {  	[hbm4b:s12+s5] =	stream.strided.scatter [tilespmem:s11], [sflag:$0x1], $0x400, s6, s5, $0x38;
	[tilespmem:$0x10000] =	vst v63  }
.LBB2_46:
0x2dc: {  	[hbm4b:s9+s5] =	stream.strided.scatter [tilespmem:s8], [sflag:$0x1], $0x400, s6, s5, $0x38;
	[tilespmem:$0x10000] =	vst v63  }
0x2dd: {  	s8 =	sshra.s32 s7, $0x2;
	s9 =	sadd.s32 s7, s28;
	p0 =	sne.s32 s7, $0x38000  }
0x2de: {  	[hbm4b:s9+s5] =	stream.strided.scatter [tilespmem:s8], [sflag:$0x1], $0x400, s6, s5, $0x38;
	[tilespmem:$0x10000] =	vst v63  }
0x2df: {  	s7 =	sadd.s32 $0x8000, s7;
	s10 =	sadd.s32 $0x400, s8;
	s11 =	sadd.s32 $0x80, s9  }
0x2e0: {  	[hbm4b:s11+s5] =	stream.strided.scatter [tilespmem:s10], [sflag:$0x1], $0x400, s6, s5, $0x38;
	[tilespmem:$0x10000] =	vst v63  }
0x2e1: {  	s10 =	sadd.s32 $0x800, s8;
	s11 =	sadd.s32 $0x100, s9  }
0x2e2: {  	[hbm4b:s11+s5] =	stream.strided.scatter [tilespmem:s10], [sflag:$0x1], $0x400, s6, s5, $0x38;
	[tilespmem:$0x10000] =	vst v63  }
0x2e3: {  	s10 =	sadd.s32 $0xC00, s8;
	s11 =	sadd.s32 $0x180, s9  }
0x2e4: {  	[hbm4b:s11+s5] =	stream.strided.scatter [tilespmem:s10], [sflag:$0x1], $0x400, s6, s5, $0x38;
	[tilespmem:$0x10000] =	vst v63  }
0x2e5: {  	s10 =	sadd.s32 $0x1000, s8;
	s11 =	sadd.s32 $0x200, s9  }
0x2e6: {  	[hbm4b:s11+s5] =	stream.strided.scatter [tilespmem:s10], [sflag:$0x1], $0x400, s6, s5, $0x38;
	[tilespmem:$0x10000] =	vst v63  }
.Ltmp22:
0x2e7: {  	s10 =	sadd.s32 $0x1400, s8;
	s11 =	sadd.s32 $0x280, s9;
	(pc) =	sbr.rel @p0 .LBB2_46-.Ltmp22, $4  }
0x2e8: {  	[hbm4b:s11+s5] =	stream.strided.scatter [tilespmem:s10], [sflag:$0x1], $0x400, s6, s5, $0x38;
	[tilespmem:$0x10000] =	vst v63  }
0x2e9: {  	s10 =	sadd.s32 $0x1800, s8;
	s11 =	sadd.s32 $0x300, s9  }
0x2ea: {  	[hbm4b:s11+s5] =	stream.strided.scatter [tilespmem:s10], [sflag:$0x1], $0x400, s6, s5, $0x38;
	[tilespmem:$0x10000] =	vst v63  }
0x2eb: {  	s8 =	sadd.s32 $0x1C00, s8;
	s9 =	sadd.s32 $0x380, s9  }
0x2ec: {  	[hbm4b:s9+s5] =	stream.strided.scatter [tilespmem:s8], [sflag:$0x1], $0x400, s6, s5, $0x38;
	[tilespmem:$0x10000] =	vst v63  }
0x2ed: {  	s7 =	simm.s32 $0x0;
	s9 =	sadd.s32 $0x0, s29  }
0x2ee: {  	[hbm4b:s9+s5] =	stream.strided.scatter [tilespmem:s7], [sflag:$0x1], $0x400, s6, s5, $0x38;
	[tilespmem:$0x10000] =	vst v63  }
0x2ef: {  	s8 =	simm.s32 $0x400;
	s10 =	sadd.s32 $0x80, s9  }
0x2f0: {  	[hbm4b:s10+s5] =	stream.strided.scatter [tilespmem:s8], [sflag:$0x1], $0x400, s6, s5, $0x38;
	[tilespmem:$0x10000] =	vst v63  }
0x2f1: {  	s11 =	simm.s32 $0x800;
	s12 =	sadd.s32 $0x100, s9  }
0x2f2: {  	[hbm4b:s12+s5] =	stream.strided.scatter [tilespmem:s11], [sflag:$0x1], $0x400, s6, s5, $0x38;
	[tilespmem:$0x10000] =	vst v63  }
0x2f3: {  	s8 =	simm.s32 $0xC00;
	s10 =	sadd.s32 $0x180, s9  }
0x2f4: {  	[hbm4b:s10+s5] =	stream.strided.scatter [tilespmem:s8], [sflag:$0x1], $0x400, s6, s5, $0x38;
	[tilespmem:$0x10000] =	vst v63  }
0x2f5: {  	s7 =	simm.s32 $0x8000;
	s11 =	simm.s32 $0x1000;
	s12 =	sadd.s32 $0x200, s9  }
0x2f6: {  	[hbm4b:s12+s5] =	stream.strided.scatter [tilespmem:s11], [sflag:$0x1], $0x400, s6, s5, $0x38;
	[tilespmem:$0x10000] =	vst v63  }
0x2f7: {  	s8 =	simm.s32 $0x1400;
	s10 =	sadd.s32 $0x280, s9;
	s11 =	simm.s32 $0x1800  }
0x2f8: {  	[hbm4b:s10+s5] =	stream.strided.scatter [tilespmem:s8], [sflag:$0x1], $0x400, s6, s5, $0x38;
	[tilespmem:$0x10000] =	vst v63  }
0x2f9: {  	s12 =	sadd.s32 $0x300, s9;
	s9 =	sadd.s32 $0x380, s9;
	s8 =	simm.s32 $0x1C00  }
0x2fa: {  	[hbm4b:s12+s5] =	stream.strided.scatter [tilespmem:s11], [sflag:$0x1], $0x400, s6, s5, $0x38;
	[tilespmem:$0x10000] =	vst v63  }
.LBB2_48:
0x2fb: {  	[hbm4b:s9+s5] =	stream.strided.scatter [tilespmem:s8], [sflag:$0x1], $0x400, s6, s5, $0x38;
	[tilespmem:$0x10000] =	vst v63  }
0x2fc: {  	s8 =	sshra.s32 s7, $0x2;
	s9 =	sadd.s32 s7, s29;
	p0 =	sne.s32 s7, $0x38000  }
0x2fd: {  	[hbm4b:s9+s5] =	stream.strided.scatter [tilespmem:s8], [sflag:$0x1], $0x400, s6, s5, $0x38;
	[tilespmem:$0x10000] =	vst v63  }
0x2fe: {  	s7 =	sadd.s32 $0x8000, s7;
	s10 =	sadd.s32 $0x400, s8;
	s11 =	sadd.s32 $0x80, s9  }
0x2ff: {  	[hbm4b:s11+s5] =	stream.strided.scatter [tilespmem:s10], [sflag:$0x1], $0x400, s6, s5, $0x38;
	[tilespmem:$0x10000] =	vst v63  }
0x300: {  	s10 =	sadd.s32 $0x800, s8;
	s11 =	sadd.s32 $0x100, s9  }
0x301: {  	[hbm4b:s11+s5] =	stream.strided.scatter [tilespmem:s10], [sflag:$0x1], $0x400, s6, s5, $0x38;
	[tilespmem:$0x10000] =	vst v63  }
0x302: {  	s10 =	sadd.s32 $0xC00, s8;
	s11 =	sadd.s32 $0x180, s9  }
0x303: {  	[hbm4b:s11+s5] =	stream.strided.scatter [tilespmem:s10], [sflag:$0x1], $0x400, s6, s5, $0x38;
	[tilespmem:$0x10000] =	vst v63  }
0x304: {  	s10 =	sadd.s32 $0x1000, s8;
	s11 =	sadd.s32 $0x200, s9  }
0x305: {  	[hbm4b:s11+s5] =	stream.strided.scatter [tilespmem:s10], [sflag:$0x1], $0x400, s6, s5, $0x38;
	[tilespmem:$0x10000] =	vst v63  }
.Ltmp23:
0x306: {  	s10 =	sadd.s32 $0x1400, s8;
	s11 =	sadd.s32 $0x280, s9;
	(pc) =	sbr.rel @p0 .LBB2_48-.Ltmp23, $4  }
0x307: {  	[hbm4b:s11+s5] =	stream.strided.scatter [tilespmem:s10], [sflag:$0x1], $0x400, s6, s5, $0x38;
	[tilespmem:$0x10000] =	vst v63  }
0x308: {  	s10 =	sadd.s32 $0x1800, s8;
	s11 =	sadd.s32 $0x300, s9  }
0x309: {  	[hbm4b:s11+s5] =	stream.strided.scatter [tilespmem:s10], [sflag:$0x1], $0x400, s6, s5, $0x38;
	[tilespmem:$0x10000] =	vst v63  }
0x30a: {  	s8 =	sadd.s32 $0x1C00, s8;
	s9 =	sadd.s32 $0x380, s9  }
0x30b: {  	[hbm4b:s9+s5] =	stream.strided.scatter [tilespmem:s8], [sflag:$0x1], $0x400, s6, s5, $0x38;
	[tilespmem:$0x10000] =	vst v63  }
0x30c: {  	s7 =	simm.s32 $0x0;
	s9 =	sadd.s32 $0x0, s30  }
0x30d: {  	[hbm4b:s9+s5] =	stream.strided.scatter [tilespmem:s7], [sflag:$0x1], $0x400, s6, s5, $0x38;
	[tilespmem:$0x10000] =	vst v63  }
0x30e: {  	s8 =	simm.s32 $0x400;
	s10 =	sadd.s32 $0x80, s9  }
0x30f: {  	[hbm4b:s10+s5] =	stream.strided.scatter [tilespmem:s8], [sflag:$0x1], $0x400, s6, s5, $0x38;
	[tilespmem:$0x10000] =	vst v63  }
0x310: {  	s11 =	simm.s32 $0x800;
	s12 =	sadd.s32 $0x100, s9  }
0x311: {  	[hbm4b:s12+s5] =	stream.strided.scatter [tilespmem:s11], [sflag:$0x1], $0x400, s6, s5, $0x38;
	[tilespmem:$0x10000] =	vst v63  }
0x312: {  	s8 =	simm.s32 $0xC00;
	s10 =	sadd.s32 $0x180, s9  }
0x313: {  	[hbm4b:s10+s5] =	stream.strided.scatter [tilespmem:s8], [sflag:$0x1], $0x400, s6, s5, $0x38;
	[tilespmem:$0x10000] =	vst v63  }
0x314: {  	s7 =	simm.s32 $0x8000;
	s11 =	simm.s32 $0x1000;
	s12 =	sadd.s32 $0x200, s9  }
0x315: {  	[hbm4b:s12+s5] =	stream.strided.scatter [tilespmem:s11], [sflag:$0x1], $0x400, s6, s5, $0x38;
	[tilespmem:$0x10000] =	vst v63  }
0x316: {  	s8 =	simm.s32 $0x1400;
	s10 =	sadd.s32 $0x280, s9;
	s11 =	simm.s32 $0x1800  }
0x317: {  	[hbm4b:s10+s5] =	stream.strided.scatter [tilespmem:s8], [sflag:$0x1], $0x400, s6, s5, $0x38;
	[tilespmem:$0x10000] =	vst v63  }
0x318: {  	s12 =	sadd.s32 $0x300, s9;
	s9 =	sadd.s32 $0x380, s9;
	s8 =	simm.s32 $0x1C00  }
0x319: {  	[hbm4b:s12+s5] =	stream.strided.scatter [tilespmem:s11], [sflag:$0x1], $0x400, s6, s5, $0x38;
	[tilespmem:$0x10000] =	vst v63  }
.LBB2_50:
0x31a: {  	[hbm4b:s9+s5] =	stream.strided.scatter [tilespmem:s8], [sflag:$0x1], $0x400, s6, s5, $0x38;
	[tilespmem:$0x10000] =	vst v63  }
0x31b: {  	s8 =	sshra.s32 s7, $0x2;
	s9 =	sadd.s32 s7, s30;
	p0 =	sne.s32 s7, $0x38000  }
0x31c: {  	[hbm4b:s9+s5] =	stream.strided.scatter [tilespmem:s8], [sflag:$0x1], $0x400, s6, s5, $0x38;
	[tilespmem:$0x10000] =	vst v63  }
0x31d: {  	s7 =	sadd.s32 $0x8000, s7;
	s10 =	sadd.s32 $0x400, s8;
	s11 =	sadd.s32 $0x80, s9  }
0x31e: {  	[hbm4b:s11+s5] =	stream.strided.scatter [tilespmem:s10], [sflag:$0x1], $0x400, s6, s5, $0x38;
	[tilespmem:$0x10000] =	vst v63  }
0x31f: {  	s10 =	sadd.s32 $0x800, s8;
	s11 =	sadd.s32 $0x100, s9  }
0x320: {  	[hbm4b:s11+s5] =	stream.strided.scatter [tilespmem:s10], [sflag:$0x1], $0x400, s6, s5, $0x38;
	[tilespmem:$0x10000] =	vst v63  }
0x321: {  	s10 =	sadd.s32 $0xC00, s8;
	s11 =	sadd.s32 $0x180, s9  }
0x322: {  	[hbm4b:s11+s5] =	stream.strided.scatter [tilespmem:s10], [sflag:$0x1], $0x400, s6, s5, $0x38;
	[tilespmem:$0x10000] =	vst v63  }
0x323: {  	s10 =	sadd.s32 $0x1000, s8;
	s11 =	sadd.s32 $0x200, s9  }
0x324: {  	[hbm4b:s11+s5] =	stream.strided.scatter [tilespmem:s10], [sflag:$0x1], $0x400, s6, s5, $0x38;
	[tilespmem:$0x10000] =	vst v63  }
.Ltmp24:
0x325: {  	s10 =	sadd.s32 $0x1400, s8;
	s11 =	sadd.s32 $0x280, s9;
	(pc) =	sbr.rel @p0 .LBB2_50-.Ltmp24, $4  }
0x326: {  	[hbm4b:s11+s5] =	stream.strided.scatter [tilespmem:s10], [sflag:$0x1], $0x400, s6, s5, $0x38;
	[tilespmem:$0x10000] =	vst v63  }
0x327: {  	s10 =	sadd.s32 $0x1800, s8;
	s11 =	sadd.s32 $0x300, s9  }
0x328: {  	[hbm4b:s11+s5] =	stream.strided.scatter [tilespmem:s10], [sflag:$0x1], $0x400, s6, s5, $0x38;
	[tilespmem:$0x10000] =	vst v63  }
0x329: {  	s8 =	sadd.s32 $0x1C00, s8;
	s9 =	sadd.s32 $0x380, s9  }
0x32a: {  	[hbm4b:s9+s5] =	stream.strided.scatter [tilespmem:s8], [sflag:$0x1], $0x400, s6, s5, $0x38;
	[tilespmem:$0x10000] =	vst v63  }
0x32b: {  	s7 =	simm.s32 $0x0;
	s9 =	sadd.s32 $0x0, s31  }
0x32c: {  	[hbm4b:s9+s5] =	stream.strided.scatter [tilespmem:s7], [sflag:$0x1], $0x400, s6, s5, $0x38;
	[tilespmem:$0x10000] =	vst v63  }
0x32d: {  	s8 =	simm.s32 $0x400;
	s10 =	sadd.s32 $0x80, s9  }
0x32e: {  	[hbm4b:s10+s5] =	stream.strided.scatter [tilespmem:s8], [sflag:$0x1], $0x400, s6, s5, $0x38;
	[tilespmem:$0x10000] =	vst v63  }
0x32f: {  	s11 =	simm.s32 $0x800;
	s12 =	sadd.s32 $0x100, s9  }
0x330: {  	[hbm4b:s12+s5] =	stream.strided.scatter [tilespmem:s11], [sflag:$0x1], $0x400, s6, s5, $0x38;
	[tilespmem:$0x10000] =	vst v63  }
0x331: {  	s8 =	simm.s32 $0xC00;
	s10 =	sadd.s32 $0x180, s9  }
0x332: {  	[hbm4b:s10+s5] =	stream.strided.scatter [tilespmem:s8], [sflag:$0x1], $0x400, s6, s5, $0x38;
	[tilespmem:$0x10000] =	vst v63  }
0x333: {  	s7 =	simm.s32 $0x8000;
	s11 =	simm.s32 $0x1000;
	s12 =	sadd.s32 $0x200, s9  }
0x334: {  	[hbm4b:s12+s5] =	stream.strided.scatter [tilespmem:s11], [sflag:$0x1], $0x400, s6, s5, $0x38;
	[tilespmem:$0x10000] =	vst v63  }
0x335: {  	s8 =	simm.s32 $0x1400;
	s10 =	sadd.s32 $0x280, s9;
	s11 =	simm.s32 $0x1800  }
0x336: {  	[hbm4b:s10+s5] =	stream.strided.scatter [tilespmem:s8], [sflag:$0x1], $0x400, s6, s5, $0x38;
	[tilespmem:$0x10000] =	vst v63  }
0x337: {  	s12 =	sadd.s32 $0x300, s9;
	s9 =	sadd.s32 $0x380, s9;
	s8 =	simm.s32 $0x1C00  }
0x338: {  	[hbm4b:s12+s5] =	stream.strided.scatter [tilespmem:s11], [sflag:$0x1], $0x400, s6, s5, $0x38;
	[tilespmem:$0x10000] =	vst v63  }
.LBB2_52:
0x339: {  	[hbm4b:s9+s5] =	stream.strided.scatter [tilespmem:s8], [sflag:$0x1], $0x400, s6, s5, $0x38;
	[tilespmem:$0x10000] =	vst v63  }
0x33a: {  	s8 =	sshra.s32 s7, $0x2;
	s9 =	sadd.s32 s7, s31;
	p0 =	sne.s32 s7, $0x38000  }
0x33b: {  	[hbm4b:s9+s5] =	stream.strided.scatter [tilespmem:s8], [sflag:$0x1], $0x400, s6, s5, $0x38;
	[tilespmem:$0x10000] =	vst v63  }
0x33c: {  	s7 =	sadd.s32 $0x8000, s7;
	s10 =	sadd.s32 $0x400, s8;
	s11 =	sadd.s32 $0x80, s9  }
0x33d: {  	[hbm4b:s11+s5] =	stream.strided.scatter [tilespmem:s10], [sflag:$0x1], $0x400, s6, s5, $0x38;
	[tilespmem:$0x10000] =	vst v63  }
0x33e: {  	s10 =	sadd.s32 $0x800, s8;
	s11 =	sadd.s32 $0x100, s9  }
0x33f: {  	[hbm4b:s11+s5] =	stream.strided.scatter [tilespmem:s10], [sflag:$0x1], $0x400, s6, s5, $0x38;
	[tilespmem:$0x10000] =	vst v63  }
0x340: {  	s10 =	sadd.s32 $0xC00, s8;
	s11 =	sadd.s32 $0x180, s9  }
0x341: {  	[hbm4b:s11+s5] =	stream.strided.scatter [tilespmem:s10], [sflag:$0x1], $0x400, s6, s5, $0x38;
	[tilespmem:$0x10000] =	vst v63  }
0x342: {  	s10 =	sadd.s32 $0x1000, s8;
	s11 =	sadd.s32 $0x200, s9  }
0x343: {  	[hbm4b:s11+s5] =	stream.strided.scatter [tilespmem:s10], [sflag:$0x1], $0x400, s6, s5, $0x38;
	[tilespmem:$0x10000] =	vst v63  }
.Ltmp25:
0x344: {  	s10 =	sadd.s32 $0x1400, s8;
	s11 =	sadd.s32 $0x280, s9;
	(pc) =	sbr.rel @p0 .LBB2_52-.Ltmp25, $4  }
0x345: {  	[hbm4b:s11+s5] =	stream.strided.scatter [tilespmem:s10], [sflag:$0x1], $0x400, s6, s5, $0x38;
	[tilespmem:$0x10000] =	vst v63  }
0x346: {  	s10 =	sadd.s32 $0x1800, s8;
	s11 =	sadd.s32 $0x300, s9  }
0x347: {  	[hbm4b:s11+s5] =	stream.strided.scatter [tilespmem:s10], [sflag:$0x1], $0x400, s6, s5, $0x38;
	[tilespmem:$0x10000] =	vst v63  }
0x348: {  	s8 =	sadd.s32 $0x1C00, s8;
	s9 =	sadd.s32 $0x380, s9  }
0x349: {  	[hbm4b:s9+s5] =	stream.strided.scatter [tilespmem:s8], [sflag:$0x1], $0x400, s6, s5, $0x38;
	[tilespmem:$0x10000] =	vst v63  }
0x34a: {  	s7 =	simm.s32 $0x0;
	s9 =	sadd.s32 $0x0, s0  }
0x34b: {  	[hbm4b:s9+s5] =	stream.strided.scatter [tilespmem:s7], [sflag:$0x1], $0x400, s6, s5, $0x38;
	[tilespmem:$0x10000] =	vst v63  }
0x34c: {  	s8 =	simm.s32 $0x400;
	s10 =	sadd.s32 $0x80, s9  }
0x34d: {  	[hbm4b:s10+s5] =	stream.strided.scatter [tilespmem:s8], [sflag:$0x1], $0x400, s6, s5, $0x38;
	[tilespmem:$0x10000] =	vst v63  }
0x34e: {  	s11 =	simm.s32 $0x800;
	s12 =	sadd.s32 $0x100, s9  }
0x34f: {  	[hbm4b:s12+s5] =	stream.strided.scatter [tilespmem:s11], [sflag:$0x1], $0x400, s6, s5, $0x38;
	[tilespmem:$0x10000] =	vst v63  }
0x350: {  	s8 =	simm.s32 $0xC00;
	s10 =	sadd.s32 $0x180, s9  }
0x351: {  	[hbm4b:s10+s5] =	stream.strided.scatter [tilespmem:s8], [sflag:$0x1], $0x400, s6, s5, $0x38;
	[tilespmem:$0x10000] =	vst v63  }
0x352: {  	s7 =	simm.s32 $0x8000;
	s11 =	simm.s32 $0x1000;
	s12 =	sadd.s32 $0x200, s9  }
0x353: {  	[hbm4b:s12+s5] =	stream.strided.scatter [tilespmem:s11], [sflag:$0x1], $0x400, s6, s5, $0x38;
	[tilespmem:$0x10000] =	vst v63  }
0x354: {  	s8 =	simm.s32 $0x1400;
	s10 =	sadd.s32 $0x280, s9;
	s11 =	simm.s32 $0x1800  }
0x355: {  	[hbm4b:s10+s5] =	stream.strided.scatter [tilespmem:s8], [sflag:$0x1], $0x400, s6, s5, $0x38;
	[tilespmem:$0x10000] =	vst v63  }
0x356: {  	s12 =	sadd.s32 $0x300, s9;
	s9 =	sadd.s32 $0x380, s9;
	s8 =	simm.s32 $0x1C00  }
0x357: {  	[hbm4b:s12+s5] =	stream.strided.scatter [tilespmem:s11], [sflag:$0x1], $0x400, s6, s5, $0x38;
	[tilespmem:$0x10000] =	vst v63  }
.LBB2_54:
0x358: {  	[hbm4b:s9+s5] =	stream.strided.scatter [tilespmem:s8], [sflag:$0x1], $0x400, s6, s5, $0x38;
	[tilespmem:$0x10000] =	vst v63  }
0x359: {  	s8 =	sshra.s32 s7, $0x2;
	s9 =	sadd.s32 s7, s0;
	p0 =	sne.s32 s7, $0x38000  }
0x35a: {  	[hbm4b:s9+s5] =	stream.strided.scatter [tilespmem:s8], [sflag:$0x1], $0x400, s6, s5, $0x38;
	[tilespmem:$0x10000] =	vst v63  }
0x35b: {  	s7 =	sadd.s32 $0x8000, s7;
	s10 =	sadd.s32 $0x400, s8;
	s11 =	sadd.s32 $0x80, s9  }
0x35c: {  	[hbm4b:s11+s5] =	stream.strided.scatter [tilespmem:s10], [sflag:$0x1], $0x400, s6, s5, $0x38;
	[tilespmem:$0x10000] =	vst v63  }
0x35d: {  	s10 =	sadd.s32 $0x800, s8;
	s11 =	sadd.s32 $0x100, s9  }
0x35e: {  	[hbm4b:s11+s5] =	stream.strided.scatter [tilespmem:s10], [sflag:$0x1], $0x400, s6, s5, $0x38;
	[tilespmem:$0x10000] =	vst v63  }
0x35f: {  	s10 =	sadd.s32 $0xC00, s8;
	s11 =	sadd.s32 $0x180, s9  }
0x360: {  	[hbm4b:s11+s5] =	stream.strided.scatter [tilespmem:s10], [sflag:$0x1], $0x400, s6, s5, $0x38;
	[tilespmem:$0x10000] =	vst v63  }
0x361: {  	s10 =	sadd.s32 $0x1000, s8;
	s11 =	sadd.s32 $0x200, s9  }
0x362: {  	[hbm4b:s11+s5] =	stream.strided.scatter [tilespmem:s10], [sflag:$0x1], $0x400, s6, s5, $0x38;
	[tilespmem:$0x10000] =	vst v63  }
.Ltmp26:
0x363: {  	s10 =	sadd.s32 $0x1400, s8;
	s11 =	sadd.s32 $0x280, s9;
	(pc) =	sbr.rel @p0 .LBB2_54-.Ltmp26, $4  }
0x364: {  	[hbm4b:s11+s5] =	stream.strided.scatter [tilespmem:s10], [sflag:$0x1], $0x400, s6, s5, $0x38;
	[tilespmem:$0x10000] =	vst v63  }
0x365: {  	s10 =	sadd.s32 $0x1800, s8;
	s11 =	sadd.s32 $0x300, s9  }
0x366: {  	[hbm4b:s11+s5] =	stream.strided.scatter [tilespmem:s10], [sflag:$0x1], $0x400, s6, s5, $0x38;
	[tilespmem:$0x10000] =	vst v63  }
0x367: {  	s8 =	sadd.s32 $0x1C00, s8;
	s9 =	sadd.s32 $0x380, s9  }
0x368: {  	[hbm4b:s9+s5] =	stream.strided.scatter [tilespmem:s8], [sflag:$0x1], $0x400, s6, s5, $0x38;
	[tilespmem:$0x10000] =	vst v63  }
0x369: {  	s7 =	simm.s32 $0x0;
	s9 =	sadd.s32 $0x0, s1  }
0x36a: {  	[hbm4b:s9+s5] =	stream.strided.scatter [tilespmem:s7], [sflag:$0x1], $0x400, s6, s5, $0x38;
	[tilespmem:$0x10000] =	vst v63  }
0x36b: {  	s8 =	simm.s32 $0x400;
	s10 =	sadd.s32 $0x80, s9  }
0x36c: {  	[hbm4b:s10+s5] =	stream.strided.scatter [tilespmem:s8], [sflag:$0x1], $0x400, s6, s5, $0x38;
	[tilespmem:$0x10000] =	vst v63  }
0x36d: {  	s11 =	simm.s32 $0x800;
	s12 =	sadd.s32 $0x100, s9  }
0x36e: {  	[hbm4b:s12+s5] =	stream.strided.scatter [tilespmem:s11], [sflag:$0x1], $0x400, s6, s5, $0x38;
	[tilespmem:$0x10000] =	vst v63  }
0x36f: {  	s8 =	simm.s32 $0xC00;
	s10 =	sadd.s32 $0x180, s9  }
0x370: {  	[hbm4b:s10+s5] =	stream.strided.scatter [tilespmem:s8], [sflag:$0x1], $0x400, s6, s5, $0x38;
	[tilespmem:$0x10000] =	vst v63  }
0x371: {  	s7 =	simm.s32 $0x8000;
	s11 =	simm.s32 $0x1000;
	s12 =	sadd.s32 $0x200, s9  }
0x372: {  	[hbm4b:s12+s5] =	stream.strided.scatter [tilespmem:s11], [sflag:$0x1], $0x400, s6, s5, $0x38;
	[tilespmem:$0x10000] =	vst v63  }
0x373: {  	s8 =	simm.s32 $0x1400;
	s10 =	sadd.s32 $0x280, s9;
	s11 =	simm.s32 $0x1800  }
0x374: {  	[hbm4b:s10+s5] =	stream.strided.scatter [tilespmem:s8], [sflag:$0x1], $0x400, s6, s5, $0x38;
	[tilespmem:$0x10000] =	vst v63  }
0x375: {  	s12 =	sadd.s32 $0x300, s9;
	s9 =	sadd.s32 $0x380, s9;
	s8 =	simm.s32 $0x1C00  }
0x376: {  	[hbm4b:s12+s5] =	stream.strided.scatter [tilespmem:s11], [sflag:$0x1], $0x400, s6, s5, $0x38;
	[tilespmem:$0x10000] =	vst v63  }
.LBB2_56:
0x377: {  	[hbm4b:s9+s5] =	stream.strided.scatter [tilespmem:s8], [sflag:$0x1], $0x400, s6, s5, $0x38;
	[tilespmem:$0x10000] =	vst v63  }
0x378: {  	s8 =	sshra.s32 s7, $0x2;
	s9 =	sadd.s32 s7, s1;
	p0 =	sne.s32 s7, $0x38000  }
0x379: {  	[hbm4b:s9+s5] =	stream.strided.scatter [tilespmem:s8], [sflag:$0x1], $0x400, s6, s5, $0x38;
	[tilespmem:$0x10000] =	vst v63  }
0x37a: {  	s7 =	sadd.s32 $0x8000, s7;
	s10 =	sadd.s32 $0x400, s8;
	s11 =	sadd.s32 $0x80, s9  }
0x37b: {  	[hbm4b:s11+s5] =	stream.strided.scatter [tilespmem:s10], [sflag:$0x1], $0x400, s6, s5, $0x38;
	[tilespmem:$0x10000] =	vst v63  }
0x37c: {  	s10 =	sadd.s32 $0x800, s8;
	s11 =	sadd.s32 $0x100, s9  }
0x37d: {  	[hbm4b:s11+s5] =	stream.strided.scatter [tilespmem:s10], [sflag:$0x1], $0x400, s6, s5, $0x38;
	[tilespmem:$0x10000] =	vst v63  }
0x37e: {  	s10 =	sadd.s32 $0xC00, s8;
	s11 =	sadd.s32 $0x180, s9  }
0x37f: {  	[hbm4b:s11+s5] =	stream.strided.scatter [tilespmem:s10], [sflag:$0x1], $0x400, s6, s5, $0x38;
	[tilespmem:$0x10000] =	vst v63  }
0x380: {  	s10 =	sadd.s32 $0x1000, s8;
	s11 =	sadd.s32 $0x200, s9  }
0x381: {  	[hbm4b:s11+s5] =	stream.strided.scatter [tilespmem:s10], [sflag:$0x1], $0x400, s6, s5, $0x38;
	[tilespmem:$0x10000] =	vst v63  }
.Ltmp27:
0x382: {  	s10 =	sadd.s32 $0x1400, s8;
	s11 =	sadd.s32 $0x280, s9;
	(pc) =	sbr.rel @p0 .LBB2_56-.Ltmp27, $4  }
0x383: {  	[hbm4b:s11+s5] =	stream.strided.scatter [tilespmem:s10], [sflag:$0x1], $0x400, s6, s5, $0x38;
	[tilespmem:$0x10000] =	vst v63  }
0x384: {  	s10 =	sadd.s32 $0x1800, s8;
	s11 =	sadd.s32 $0x300, s9  }
0x385: {  	[hbm4b:s11+s5] =	stream.strided.scatter [tilespmem:s10], [sflag:$0x1], $0x400, s6, s5, $0x38;
	[tilespmem:$0x10000] =	vst v63  }
0x386: {  	s8 =	sadd.s32 $0x1C00, s8;
	s9 =	sadd.s32 $0x380, s9  }
0x387: {  	[hbm4b:s9+s5] =	stream.strided.scatter [tilespmem:s8], [sflag:$0x1], $0x400, s6, s5, $0x38;
	[tilespmem:$0x10000] =	vst v63  }
0x388: {  	s7 =	simm.s32 $0x0;
	s9 =	sadd.s32 $0x0, s2  }
0x389: {  	[hbm4b:s9+s5] =	stream.strided.scatter [tilespmem:s7], [sflag:$0x1], $0x400, s6, s5, $0x38;
	[tilespmem:$0x10000] =	vst v63  }
0x38a: {  	s8 =	simm.s32 $0x400;
	s10 =	sadd.s32 $0x80, s9  }
0x38b: {  	[hbm4b:s10+s5] =	stream.strided.scatter [tilespmem:s8], [sflag:$0x1], $0x400, s6, s5, $0x38;
	[tilespmem:$0x10000] =	vst v63  }
0x38c: {  	s11 =	simm.s32 $0x800;
	s12 =	sadd.s32 $0x100, s9  }
0x38d: {  	[hbm4b:s12+s5] =	stream.strided.scatter [tilespmem:s11], [sflag:$0x1], $0x400, s6, s5, $0x38;
	[tilespmem:$0x10000] =	vst v63  }
0x38e: {  	s8 =	simm.s32 $0xC00;
	s10 =	sadd.s32 $0x180, s9  }
0x38f: {  	[hbm4b:s10+s5] =	stream.strided.scatter [tilespmem:s8], [sflag:$0x1], $0x400, s6, s5, $0x38;
	[tilespmem:$0x10000] =	vst v63  }
0x390: {  	s7 =	simm.s32 $0x8000;
	s11 =	simm.s32 $0x1000;
	s12 =	sadd.s32 $0x200, s9  }
0x391: {  	[hbm4b:s12+s5] =	stream.strided.scatter [tilespmem:s11], [sflag:$0x1], $0x400, s6, s5, $0x38;
	[tilespmem:$0x10000] =	vst v63  }
0x392: {  	s8 =	simm.s32 $0x1400;
	s10 =	sadd.s32 $0x280, s9;
	s11 =	simm.s32 $0x1800  }
0x393: {  	[hbm4b:s10+s5] =	stream.strided.scatter [tilespmem:s8], [sflag:$0x1], $0x400, s6, s5, $0x38;
	[tilespmem:$0x10000] =	vst v63  }
0x394: {  	s12 =	sadd.s32 $0x300, s9;
	s9 =	sadd.s32 $0x380, s9;
	s8 =	simm.s32 $0x1C00  }
0x395: {  	[hbm4b:s12+s5] =	stream.strided.scatter [tilespmem:s11], [sflag:$0x1], $0x400, s6, s5, $0x38;
	[tilespmem:$0x10000] =	vst v63  }
.LBB2_58:
0x396: {  	[hbm4b:s9+s5] =	stream.strided.scatter [tilespmem:s8], [sflag:$0x1], $0x400, s6, s5, $0x38;
	[tilespmem:$0x10000] =	vst v63  }
0x397: {  	s8 =	sshra.s32 s7, $0x2;
	s9 =	sadd.s32 s7, s2;
	p0 =	sne.s32 s7, $0x38000  }
0x398: {  	[hbm4b:s9+s5] =	stream.strided.scatter [tilespmem:s8], [sflag:$0x1], $0x400, s6, s5, $0x38;
	[tilespmem:$0x10000] =	vst v63  }
0x399: {  	s7 =	sadd.s32 $0x8000, s7;
	s10 =	sadd.s32 $0x400, s8;
	s11 =	sadd.s32 $0x80, s9  }
0x39a: {  	[hbm4b:s11+s5] =	stream.strided.scatter [tilespmem:s10], [sflag:$0x1], $0x400, s6, s5, $0x38;
	[tilespmem:$0x10000] =	vst v63  }
0x39b: {  	s10 =	sadd.s32 $0x800, s8;
	s11 =	sadd.s32 $0x100, s9  }
0x39c: {  	[hbm4b:s11+s5] =	stream.strided.scatter [tilespmem:s10], [sflag:$0x1], $0x400, s6, s5, $0x38;
	[tilespmem:$0x10000] =	vst v63  }
0x39d: {  	s10 =	sadd.s32 $0xC00, s8;
	s11 =	sadd.s32 $0x180, s9  }
0x39e: {  	[hbm4b:s11+s5] =	stream.strided.scatter [tilespmem:s10], [sflag:$0x1], $0x400, s6, s5, $0x38;
	[tilespmem:$0x10000] =	vst v63  }
0x39f: {  	s10 =	sadd.s32 $0x1000, s8;
	s11 =	sadd.s32 $0x200, s9  }
0x3a0: {  	[hbm4b:s11+s5] =	stream.strided.scatter [tilespmem:s10], [sflag:$0x1], $0x400, s6, s5, $0x38;
	[tilespmem:$0x10000] =	vst v63  }
.Ltmp28:
0x3a1: {  	s10 =	sadd.s32 $0x1400, s8;
	s11 =	sadd.s32 $0x280, s9;
	(pc) =	sbr.rel @p0 .LBB2_58-.Ltmp28, $4  }
0x3a2: {  	[hbm4b:s11+s5] =	stream.strided.scatter [tilespmem:s10], [sflag:$0x1], $0x400, s6, s5, $0x38;
	[tilespmem:$0x10000] =	vst v63  }
0x3a3: {  	s10 =	sadd.s32 $0x1800, s8;
	s11 =	sadd.s32 $0x300, s9  }
0x3a4: {  	[hbm4b:s11+s5] =	stream.strided.scatter [tilespmem:s10], [sflag:$0x1], $0x400, s6, s5, $0x38;
	[tilespmem:$0x10000] =	vst v63  }
0x3a5: {  	s8 =	sadd.s32 $0x1C00, s8;
	s9 =	sadd.s32 $0x380, s9  }
0x3a6: {  	[hbm4b:s9+s5] =	stream.strided.scatter [tilespmem:s8], [sflag:$0x1], $0x400, s6, s5, $0x38;
	[tilespmem:$0x10000] =	vst v63  }
0x3a7: {  	s7 =	simm.s32 $0x0;
	s9 =	sadd.s32 $0x0, s4  }
0x3a8: {  	[hbm4b:s9+s5] =	stream.strided.scatter [tilespmem:s7], [sflag:$0x1], $0x400, s6, s5, $0x38;
	[tilespmem:$0x10000] =	vst v63  }
0x3a9: {  	s8 =	simm.s32 $0x400;
	s10 =	sadd.s32 $0x80, s9  }
0x3aa: {  	[hbm4b:s10+s5] =	stream.strided.scatter [tilespmem:s8], [sflag:$0x1], $0x400, s6, s5, $0x38;
	[tilespmem:$0x10000] =	vst v63  }
0x3ab: {  	s11 =	simm.s32 $0x800;
	s12 =	sadd.s32 $0x100, s9  }
0x3ac: {  	[hbm4b:s12+s5] =	stream.strided.scatter [tilespmem:s11], [sflag:$0x1], $0x400, s6, s5, $0x38;
	[tilespmem:$0x10000] =	vst v63  }
0x3ad: {  	s8 =	simm.s32 $0xC00;
	s10 =	sadd.s32 $0x180, s9  }
0x3ae: {  	[hbm4b:s10+s5] =	stream.strided.scatter [tilespmem:s8], [sflag:$0x1], $0x400, s6, s5, $0x38;
	[tilespmem:$0x10000] =	vst v63  }
0x3af: {  	s7 =	simm.s32 $0x8000;
	s11 =	simm.s32 $0x1000;
	s12 =	sadd.s32 $0x200, s9  }
0x3b0: {  	[hbm4b:s12+s5] =	stream.strided.scatter [tilespmem:s11], [sflag:$0x1], $0x400, s6, s5, $0x38;
	[tilespmem:$0x10000] =	vst v63  }
0x3b1: {  	s8 =	simm.s32 $0x1400;
	s10 =	sadd.s32 $0x280, s9;
	s11 =	simm.s32 $0x1800  }
0x3b2: {  	[hbm4b:s10+s5] =	stream.strided.scatter [tilespmem:s8], [sflag:$0x1], $0x400, s6, s5, $0x38;
	[tilespmem:$0x10000] =	vst v63  }
0x3b3: {  	s12 =	sadd.s32 $0x300, s9;
	s9 =	sadd.s32 $0x380, s9;
	s8 =	simm.s32 $0x1C00  }
0x3b4: {  	[hbm4b:s12+s5] =	stream.strided.scatter [tilespmem:s11], [sflag:$0x1], $0x400, s6, s5, $0x38;
	[tilespmem:$0x10000] =	vst v63  }
.LBB2_60:
0x3b5: {  	[hbm4b:s9+s5] =	stream.strided.scatter [tilespmem:s8], [sflag:$0x1], $0x400, s6, s5, $0x38;
	[tilespmem:$0x10000] =	vst v63  }
0x3b6: {  	s8 =	sshra.s32 s7, $0x2;
	s9 =	sadd.s32 s7, s4;
	p0 =	sne.s32 s7, $0x38000  }
0x3b7: {  	[hbm4b:s9+s5] =	stream.strided.scatter [tilespmem:s8], [sflag:$0x1], $0x400, s6, s5, $0x38;
	[tilespmem:$0x10000] =	vst v63  }
0x3b8: {  	s7 =	sadd.s32 $0x8000, s7;
	s10 =	sadd.s32 $0x400, s8;
	s11 =	sadd.s32 $0x80, s9  }
0x3b9: {  	[hbm4b:s11+s5] =	stream.strided.scatter [tilespmem:s10], [sflag:$0x1], $0x400, s6, s5, $0x38;
	[tilespmem:$0x10000] =	vst v63  }
0x3ba: {  	s10 =	sadd.s32 $0x800, s8;
	s11 =	sadd.s32 $0x100, s9  }
0x3bb: {  	[hbm4b:s11+s5] =	stream.strided.scatter [tilespmem:s10], [sflag:$0x1], $0x400, s6, s5, $0x38;
	[tilespmem:$0x10000] =	vst v63  }
0x3bc: {  	s10 =	sadd.s32 $0xC00, s8;
	s11 =	sadd.s32 $0x180, s9  }
0x3bd: {  	[hbm4b:s11+s5] =	stream.strided.scatter [tilespmem:s10], [sflag:$0x1], $0x400, s6, s5, $0x38;
	[tilespmem:$0x10000] =	vst v63  }
0x3be: {  	s10 =	sadd.s32 $0x1000, s8;
	s11 =	sadd.s32 $0x200, s9  }
0x3bf: {  	[hbm4b:s11+s5] =	stream.strided.scatter [tilespmem:s10], [sflag:$0x1], $0x400, s6, s5, $0x38;
	[tilespmem:$0x10000] =	vst v63  }
.Ltmp29:
0x3c0: {  	s10 =	sadd.s32 $0x1400, s8;
	s11 =	sadd.s32 $0x280, s9;
	(pc) =	sbr.rel @p0 .LBB2_60-.Ltmp29, $4  }
0x3c1: {  	[hbm4b:s11+s5] =	stream.strided.scatter [tilespmem:s10], [sflag:$0x1], $0x400, s6, s5, $0x38;
	[tilespmem:$0x10000] =	vst v63  }
0x3c2: {  	s10 =	sadd.s32 $0x1800, s8;
	s11 =	sadd.s32 $0x300, s9  }
0x3c3: {  	[hbm4b:s11+s5] =	stream.strided.scatter [tilespmem:s10], [sflag:$0x1], $0x400, s6, s5, $0x38;
	[tilespmem:$0x10000] =	vst v63  }
0x3c4: {  	s8 =	sadd.s32 $0x1C00, s8;
	s9 =	sadd.s32 $0x380, s9  }
0x3c5: {  	[hbm4b:s9+s5] =	stream.strided.scatter [tilespmem:s8], [sflag:$0x1], $0x400, s6, s5, $0x38;
	[tilespmem:$0x10000] =	vst v63  }
0x3c6: {  	s7 =	simm.s32 $0x0;
	s9 =	sadd.s32 $0x0, s25  }
0x3c7: {  	[hbm4b:s9+s5] =	stream.strided.scatter [tilespmem:s7], [sflag:$0x1], $0x400, s6, s5, $0x38;
	[tilespmem:$0x10000] =	vst v63  }
0x3c8: {  	s8 =	simm.s32 $0x400;
	s10 =	sadd.s32 $0x80, s9  }
0x3c9: {  	[hbm4b:s10+s5] =	stream.strided.scatter [tilespmem:s8], [sflag:$0x1], $0x400, s6, s5, $0x38;
	[tilespmem:$0x10000] =	vst v63  }
0x3ca: {  	s11 =	simm.s32 $0x800;
	s12 =	sadd.s32 $0x100, s9  }
0x3cb: {  	[hbm4b:s12+s5] =	stream.strided.scatter [tilespmem:s11], [sflag:$0x1], $0x400, s6, s5, $0x38;
	[tilespmem:$0x10000] =	vst v63  }
0x3cc: {  	s8 =	simm.s32 $0xC00;
	s10 =	sadd.s32 $0x180, s9  }
0x3cd: {  	[hbm4b:s10+s5] =	stream.strided.scatter [tilespmem:s8], [sflag:$0x1], $0x400, s6, s5, $0x38;
	[tilespmem:$0x10000] =	vst v63  }
0x3ce: {  	s7 =	simm.s32 $0x8000;
	s11 =	simm.s32 $0x1000;
	s12 =	sadd.s32 $0x200, s9  }
0x3cf: {  	[hbm4b:s12+s5] =	stream.strided.scatter [tilespmem:s11], [sflag:$0x1], $0x400, s6, s5, $0x38;
	[tilespmem:$0x10000] =	vst v63  }
0x3d0: {  	s8 =	simm.s32 $0x1400;
	s10 =	sadd.s32 $0x280, s9;
	s11 =	simm.s32 $0x1800  }
0x3d1: {  	[hbm4b:s10+s5] =	stream.strided.scatter [tilespmem:s8], [sflag:$0x1], $0x400, s6, s5, $0x38;
	[tilespmem:$0x10000] =	vst v63  }
0x3d2: {  	s12 =	sadd.s32 $0x300, s9;
	s9 =	sadd.s32 $0x380, s9;
	s8 =	simm.s32 $0x1C00  }
0x3d3: {  	[hbm4b:s12+s5] =	stream.strided.scatter [tilespmem:s11], [sflag:$0x1], $0x400, s6, s5, $0x38;
	[tilespmem:$0x10000] =	vst v63  }
.LBB2_62:
0x3d4: {  	[hbm4b:s9+s5] =	stream.strided.scatter [tilespmem:s8], [sflag:$0x1], $0x400, s6, s5, $0x38;
	[tilespmem:$0x10000] =	vst v63  }
0x3d5: {  	s8 =	sshra.s32 s7, $0x2;
	s9 =	sadd.s32 s7, s25;
	p0 =	sne.s32 s7, $0x38000  }
0x3d6: {  	[hbm4b:s9+s5] =	stream.strided.scatter [tilespmem:s8], [sflag:$0x1], $0x400, s6, s5, $0x38;
	[tilespmem:$0x10000] =	vst v63  }
0x3d7: {  	s7 =	sadd.s32 $0x8000, s7;
	s10 =	sadd.s32 $0x400, s8;
	s11 =	sadd.s32 $0x80, s9  }
0x3d8: {  	[hbm4b:s11+s5] =	stream.strided.scatter [tilespmem:s10], [sflag:$0x1], $0x400, s6, s5, $0x38;
	[tilespmem:$0x10000] =	vst v63  }
0x3d9: {  	s10 =	sadd.s32 $0x800, s8;
	s11 =	sadd.s32 $0x100, s9  }
0x3da: {  	[hbm4b:s11+s5] =	stream.strided.scatter [tilespmem:s10], [sflag:$0x1], $0x400, s6, s5, $0x38;
	[tilespmem:$0x10000] =	vst v63  }
0x3db: {  	s10 =	sadd.s32 $0xC00, s8;
	s11 =	sadd.s32 $0x180, s9  }
0x3dc: {  	[hbm4b:s11+s5] =	stream.strided.scatter [tilespmem:s10], [sflag:$0x1], $0x400, s6, s5, $0x38;
	[tilespmem:$0x10000] =	vst v63  }
0x3dd: {  	s10 =	sadd.s32 $0x1000, s8;
	s11 =	sadd.s32 $0x200, s9  }
0x3de: {  	[hbm4b:s11+s5] =	stream.strided.scatter [tilespmem:s10], [sflag:$0x1], $0x400, s6, s5, $0x38;
	[tilespmem:$0x10000] =	vst v63  }
.Ltmp30:
0x3df: {  	s10 =	sadd.s32 $0x1400, s8;
	s11 =	sadd.s32 $0x280, s9;
	(pc) =	sbr.rel @p0 .LBB2_62-.Ltmp30, $4  }
0x3e0: {  	[hbm4b:s11+s5] =	stream.strided.scatter [tilespmem:s10], [sflag:$0x1], $0x400, s6, s5, $0x38;
	[tilespmem:$0x10000] =	vst v63  }
0x3e1: {  	s10 =	sadd.s32 $0x1800, s8;
	s11 =	sadd.s32 $0x300, s9  }
0x3e2: {  	[hbm4b:s11+s5] =	stream.strided.scatter [tilespmem:s10], [sflag:$0x1], $0x400, s6, s5, $0x38;
	[tilespmem:$0x10000] =	vst v63  }
0x3e3: {  	s8 =	sadd.s32 $0x1C00, s8;
	s9 =	sadd.s32 $0x380, s9  }
0x3e4: {  	[hbm4b:s9+s5] =	stream.strided.scatter [tilespmem:s8], [sflag:$0x1], $0x400, s6, s5, $0x38;
	[tilespmem:$0x10000] =	vst v63  }
0x3e5: {  	s7 =	simm.s32 $0x0;
	s9 =	sadd.s32 $0x0, s3  }
0x3e6: {  	[hbm4b:s9+s5] =	stream.strided.scatter [tilespmem:s7], [sflag:$0x1], $0x400, s6, s5, $0x38;
	[tilespmem:$0x10000] =	vst v63  }
0x3e7: {  	s8 =	simm.s32 $0x400;
	s10 =	sadd.s32 $0x80, s9  }
0x3e8: {  	[hbm4b:s10+s5] =	stream.strided.scatter [tilespmem:s8], [sflag:$0x1], $0x400, s6, s5, $0x38;
	[tilespmem:$0x10000] =	vst v63  }
0x3e9: {  	s11 =	simm.s32 $0x800;
	s12 =	sadd.s32 $0x100, s9  }
0x3ea: {  	[hbm4b:s12+s5] =	stream.strided.scatter [tilespmem:s11], [sflag:$0x1], $0x400, s6, s5, $0x38;
	[tilespmem:$0x10000] =	vst v63  }
0x3eb: {  	s8 =	simm.s32 $0xC00;
	s10 =	sadd.s32 $0x180, s9  }
0x3ec: {  	[hbm4b:s10+s5] =	stream.strided.scatter [tilespmem:s8], [sflag:$0x1], $0x400, s6, s5, $0x38;
	[tilespmem:$0x10000] =	vst v63  }
0x3ed: {  	s7 =	simm.s32 $0x8000;
	s11 =	simm.s32 $0x1000;
	s12 =	sadd.s32 $0x200, s9  }
0x3ee: {  	[hbm4b:s12+s5] =	stream.strided.scatter [tilespmem:s11], [sflag:$0x1], $0x400, s6, s5, $0x38;
	[tilespmem:$0x10000] =	vst v63  }
0x3ef: {  	s8 =	simm.s32 $0x1400;
	s10 =	sadd.s32 $0x280, s9;
	s11 =	simm.s32 $0x1800  }
0x3f0: {  	[hbm4b:s10+s5] =	stream.strided.scatter [tilespmem:s8], [sflag:$0x1], $0x400, s6, s5, $0x38;
	[tilespmem:$0x10000] =	vst v63  }
0x3f1: {  	s12 =	sadd.s32 $0x300, s9;
	s9 =	sadd.s32 $0x380, s9;
	s8 =	simm.s32 $0x1C00  }
0x3f2: {  	[hbm4b:s12+s5] =	stream.strided.scatter [tilespmem:s11], [sflag:$0x1], $0x400, s6, s5, $0x38;
	[tilespmem:$0x10000] =	vst v63  }
.LBB2_64:
0x3f3: {  	[hbm4b:s9+s5] =	stream.strided.scatter [tilespmem:s8], [sflag:$0x1], $0x400, s6, s5, $0x38;
	[tilespmem:$0x10000] =	vst v63  }
0x3f4: {  	s8 =	sshra.s32 s7, $0x2;
	s9 =	sadd.s32 s7, s3;
	p0 =	sne.s32 s7, $0x38000  }
0x3f5: {  	[hbm4b:s9+s5] =	stream.strided.scatter [tilespmem:s8], [sflag:$0x1], $0x400, s6, s5, $0x38;
	[tilespmem:$0x10000] =	vst v63  }
0x3f6: {  	s7 =	sadd.s32 $0x8000, s7;
	s10 =	sadd.s32 $0x400, s8;
	s11 =	sadd.s32 $0x80, s9  }
0x3f7: {  	[hbm4b:s11+s5] =	stream.strided.scatter [tilespmem:s10], [sflag:$0x1], $0x400, s6, s5, $0x38;
	[tilespmem:$0x10000] =	vst v63  }
0x3f8: {  	s10 =	sadd.s32 $0x800, s8;
	s11 =	sadd.s32 $0x100, s9  }
0x3f9: {  	[hbm4b:s11+s5] =	stream.strided.scatter [tilespmem:s10], [sflag:$0x1], $0x400, s6, s5, $0x38;
	[tilespmem:$0x10000] =	vst v63  }
0x3fa: {  	s10 =	sadd.s32 $0xC00, s8;
	s11 =	sadd.s32 $0x180, s9  }
0x3fb: {  	[hbm4b:s11+s5] =	stream.strided.scatter [tilespmem:s10], [sflag:$0x1], $0x400, s6, s5, $0x38;
	[tilespmem:$0x10000] =	vst v63  }
0x3fc: {  	s10 =	sadd.s32 $0x1000, s8;
	s11 =	sadd.s32 $0x200, s9  }
0x3fd: {  	[hbm4b:s11+s5] =	stream.strided.scatter [tilespmem:s10], [sflag:$0x1], $0x400, s6, s5, $0x38;
	[tilespmem:$0x10000] =	vst v63  }
.Ltmp31:
0x3fe: {  	s10 =	sadd.s32 $0x1400, s8;
	s11 =	sadd.s32 $0x280, s9;
	(pc) =	sbr.rel @p0 .LBB2_64-.Ltmp31, $4  }
0x3ff: {  	[hbm4b:s11+s5] =	stream.strided.scatter [tilespmem:s10], [sflag:$0x1], $0x400, s6, s5, $0x38;
	[tilespmem:$0x10000] =	vst v63  }
0x400: {  	s10 =	sadd.s32 $0x1800, s8;
	s11 =	sadd.s32 $0x300, s9  }
0x401: {  	[hbm4b:s11+s5] =	stream.strided.scatter [tilespmem:s10], [sflag:$0x1], $0x400, s6, s5, $0x38;
	[tilespmem:$0x10000] =	vst v63  }
0x402: {  	s8 =	sadd.s32 $0x1C00, s8;
	s9 =	sadd.s32 $0x380, s9  }
0x403: {  	[hbm4b:s9+s5] =	stream.strided.scatter [tilespmem:s8], [sflag:$0x1], $0x400, s6, s5, $0x38;
	[tilespmem:$0x10000] =	vst v63  }
0x404: {  	s11 =	simm.s32 $0x1  }
0x405: {  	_ =	swait.ge [sflag:s11], $0x10000  }
0x406: {  	[sflag:s11] =	ssyncset.done $0x0  }
0x407: {  	[sflag:s11] =	ssyncadd.s32 $0xFFFF0000  }
0x408: {  	_ =	swait.ge [sflag:s11], $0x10000  }
0x409: {  	[sflag:s11] =	ssyncset.done $0x0  }
0x40a: {  	[sflag:s11] =	ssyncadd.s32 $0xFFFF0000  }
0x40b: {  	_ =	swait.ge [sflag:s11], $0x10000  }
0x40c: {  	[sflag:s11] =	ssyncset.done $0x0  }
0x40d: {  	[sflag:s11] =	ssyncadd.s32 $0xFFFF0000  }
0x40e: {  	_ =	swait.ge [sflag:s11], $0x10000  }
0x40f: {  	[sflag:s11] =	ssyncset.done $0x0  }
0x410: {  	[sflag:s11] =	ssyncadd.s32 $0xFFFF0000  }
0x411: {  	_ =	swait.ge [sflag:s11], $0x10000  }
0x412: {  	[sflag:s11] =	ssyncset.done $0x0  }
0x413: {  	[sflag:s11] =	ssyncadd.s32 $0xFFFF0000  }
0x414: {  	_ =	swait.ge [sflag:s11], $0x10000  }
0x415: {  	[sflag:s11] =	ssyncset.done $0x0  }
0x416: {  	[sflag:s11] =	ssyncadd.s32 $0xFFFF0000  }
0x417: {  	_ =	swait.ge [sflag:s11], $0x10000  }
0x418: {  	[sflag:s11] =	ssyncset.done $0x0  }
0x419: {  	[sflag:s11] =	ssyncadd.s32 $0xFFFF0000  }
0x41a: {  	_ =	swait.ge [sflag:s11], $0x10000  }
0x41b: {  	[sflag:s11] =	ssyncset.done $0x0  }
0x41c: {  	[sflag:s11] =	ssyncadd.s32 $0xFFFF0000  }
0x41d: {  	_ =	swait.ge [sflag:s11], $0x10000  }
0x41e: {  	[sflag:s11] =	ssyncset.done $0x0  }
0x41f: {  	[sflag:s11] =	ssyncadd.s32 $0xFFFF0000  }
0x420: {  	_ =	swait.ge [sflag:s11], $0x10000  }
0x421: {  	[sflag:s11] =	ssyncset.done $0x0  }
0x422: {  	[sflag:s11] =	ssyncadd.s32 $0xFFFF0000  }
0x423: {  	_ =	swait.ge [sflag:s11], $0x10000  }
0x424: {  	[sflag:s11] =	ssyncset.done $0x0  }
0x425: {  	[sflag:s11] =	ssyncadd.s32 $0xFFFF0000  }
0x426: {  	_ =	swait.ge [sflag:s11], $0x10000  }
0x427: {  	[sflag:s11] =	ssyncset.done $0x0  }
0x428: {  	[sflag:s11] =	ssyncadd.s32 $0xFFFF0000  }
0x429: {  	_ =	swait.ge [sflag:s11], $0x10000  }
0x42a: {  	[sflag:s11] =	ssyncset.done $0x0  }
0x42b: {  	[sflag:s11] =	ssyncadd.s32 $0xFFFF0000  }
0x42c: {  	_ =	swait.ge [sflag:s11], $0x10000  }
0x42d: {  	[sflag:s11] =	ssyncset.done $0x0  }
0x42e: {  	[sflag:s11] =	ssyncadd.s32 $0xFFFF0000  }
0x42f: {  	_ =	swait.ge [sflag:s11], $0x10000  }
0x430: {  	[sflag:s11] =	ssyncset.done $0x0  }
0x431: {  	[sflag:s11] =	ssyncadd.s32 $0xFFFF0000  }
0x432: {  	_ =	swait.ge [sflag:s11], $0x10000  }
0x433: {  	[sflag:s11] =	ssyncset.done $0x0  }
0x434: {  	[sflag:s11] =	ssyncadd.s32 $0xFFFF0000  }
0x435: {  	_ =	swait.ge [sflag:s11], $0x10000  }
0x436: {  	[sflag:s11] =	ssyncset.done $0x0  }
0x437: {  	[sflag:s11] =	ssyncadd.s32 $0xFFFF0000  }
0x438: {  	_ =	swait.ge [sflag:s11], $0x10000  }
0x439: {  	[sflag:s11] =	ssyncset.done $0x0  }
0x43a: {  	[sflag:s11] =	ssyncadd.s32 $0xFFFF0000  }
0x43b: {  	_ =	swait.ge [sflag:s11], $0x10000  }
0x43c: {  	[sflag:s11] =	ssyncset.done $0x0  }
0x43d: {  	[sflag:s11] =	ssyncadd.s32 $0xFFFF0000  }
0x43e: {  	_ =	swait.ge [sflag:s11], $0x10000  }
0x43f: {  	[sflag:s11] =	ssyncset.done $0x0  }
0x440: {  	[sflag:s11] =	ssyncadd.s32 $0xFFFF0000  }
0x441: {  	_ =	swait.ge [sflag:s11], $0x10000  }
0x442: {  	[sflag:s11] =	ssyncset.done $0x0  }
0x443: {  	[sflag:s11] =	ssyncadd.s32 $0xFFFF0000  }
0x444: {  	_ =	swait.ge [sflag:s11], $0x10000  }
0x445: {  	[sflag:s11] =	ssyncset.done $0x0  }
0x446: {  	[sflag:s11] =	ssyncadd.s32 $0xFFFF0000  }
0x447: {  	_ =	swait.ge [sflag:s11], $0x10000  }
0x448: {  	[sflag:s11] =	ssyncset.done $0x0  }
0x449: {  	[sflag:s11] =	ssyncadd.s32 $0xFFFF0000  }
0x44a: {  	_ =	swait.ge [sflag:s11], $0x10000  }
0x44b: {  	[sflag:s11] =	ssyncset.done $0x0  }
0x44c: {  	[sflag:s11] =	ssyncadd.s32 $0xFFFF0000  }
0x44d: {  	_ =	swait.ge [sflag:s11], $0x10000  }
0x44e: {  	[sflag:s11] =	ssyncset.done $0x0  }
0x44f: {  	[sflag:s11] =	ssyncadd.s32 $0xFFFF0000  }
0x450: {  	_ =	swait.ge [sflag:s11], $0x10000  }
0x451: {  	[sflag:s11] =	ssyncset.done $0x0  }
0x452: {  	[sflag:s11] =	ssyncadd.s32 $0xFFFF0000  }
0x453: {  	_ =	swait.ge [sflag:s11], $0x10000  }
0x454: {  	[sflag:s11] =	ssyncset.done $0x0  }
0x455: {  	[sflag:s11] =	ssyncadd.s32 $0xFFFF0000  }
0x456: {  	_ =	swait.ge [sflag:s11], $0x10000  }
0x457: {  	[sflag:s11] =	ssyncset.done $0x0  }
0x458: {  	[sflag:s11] =	ssyncadd.s32 $0xFFFF0000  }
0x459: {  	_ =	swait.ge [sflag:s11], $0x10000  }
0x45a: {  	[sflag:s11] =	ssyncset.done $0x0  }
0x45b: {  	[sflag:s11] =	ssyncadd.s32 $0xFFFF0000  }
0x45c: {  	_ =	swait.ge [sflag:s11], $0x10000  }
0x45d: {  	[sflag:s11] =	ssyncset.done $0x0  }
0x45e: {  	[sflag:s11] =	ssyncadd.s32 $0xFFFF0000  }
0x45f: {  	_ =	swait.ge [sflag:s11], $0x10000  }
0x460: {  	[sflag:s11] =	ssyncset.done $0x0  }
0x461: {  	[sflag:s11] =	ssyncadd.s32 $0xFFFF0000  }
0x462: {  	_ =	swait.ge [sflag:s11], $0x10000  }
0x463: {  	s12 =	rddreg [dreg:$0xe]  }
0x464: {  	s7 =	rddreg [dreg:$0xd];
	s9 =	sadd.s32 $0x1, s12  }
0x465: {  	p0 =	sne.s32 s9, s7  }
.Ltmp32:
0x466: {  	_ = 	snop;
	(pc) =	sbr.rel @p0 .LBB2_1-.Ltmp32, $3  }
0x467: {  	_ =	sdelay $0x1  }
0x468: {  	[sflag:s11] =	ssyncset.done $0x0  }
0x469: {  	[sflag:s11] =	ssyncadd.s32 $0xFFFF0000;
	s12 =	rddreg [dreg:$0x3]  }
0x46a: {  	_ =	sfence.sel $0x180000  }
0x46b: {  	[bflag:$0x0] =	sbarrier.arrive $0xFFFF  }
0x46c: {  	_ =	strace $0x90000047  }
0x46d: {  	s0 =	stileid.u32;
	[bflag:$0x2] =	sbarrier.arrive $0xFFFF  }
0x46e: {  	p0 =	sne.s32 s0, $0x0;
	s0 =	rddreg [dreg:$0x2]  }
0x46f: {  	s0 =	sadd.s32 @!p0 $0x100000, s0  }
0x470: {  	[sflag:s0] =	ssyncadd.tile.s32 @!p0 $0x1;
	_ =	shalt  }
.Lfunc_end2:
_tile_overlayer_lowered:
.L_overlay_start_2:
0x471: {  	(tag) =	ssettag $0x2  }
0x472: {  	s0 =	rddreg [dreg:$0x0];
	s2 =	stileid.u32  }
0x473: {  	s1 =	rddreg [dreg:$0x1];
	p0 =	sne.s32 s2, $0x0  }
0x474: {  	s3 =	rddreg [dreg:$0x2];
	[bflag:$0x3] =	sbarrier.arrive $0xFFFF;
	s2 =	simm.s32 @!p0 $0x1C02  }
0x475: {  	[timem:s3], [sflag:s2] =	dma.local @!p0 [hbm:s0], s1  }
0x476: {  	s0 =	simm.s32 @!p0 $0x2  }
0x477: {  	_ =	swait.ge @!p0 [sflag:s0], s1  }
0x478: {  	s1 =	ssub.s32 @!p0 $0x0, s1;
	[sflag:s0] =	ssyncset.done @!p0 $0x0  }
0x479: {  	[sflag:s0] =	ssyncadd.s32 @!p0 s1  }
0x47a: {  	[bflag:$0x3] =	sbarrier.arrive $0xFFFF  }
0x47b: {  	_ =	shalt  }

</sc_bundles>
